<compile_context>
chip_gen: v7x
topology: tpu7x:2x2x1
jax: 0.10.2.dev20260603
libtpu: 0.0.44.dev20260713+nightly
codegen_flags: <defaults>
</compile_context>

<pallas_src>
import dataclasses
import functools

import jax
import jax.numpy as jnp
from jax import lax
from jax.experimental import pallas as pl
from jax.experimental.pallas import tpu as pltpu
from jax.experimental.pallas import tpu_sc as plsc

_N = 10000
_E = 320000
_D = 128
_G = 64
_C = 16

_NC = 2
_NS = 16
_K = 128

_NPAD = 10112
_RPS = _NPAD // _NS

_EP = _E + _N
_NWIN = 82
_PHASES = (48, 34)
_EPAD = _NC * _NS * _NWIN * _K

_mesh = plsc.VectorSubcoreMesh(core_axis_name="c", subcore_axis_name="s")



@functools.partial(
    pl.kernel,
    out_type=jax.ShapeDtypeStruct((_NC, _NS, _NPAD), jnp.float32),
    mesh=_mesh,
    scratch_types=[
        pltpu.VMEM((_NWIN, _K), jnp.int32),
        pltpu.VMEM((_NPAD,), jnp.float32),
    ],
    compiler_params=dataclasses.replace(
        pltpu.CompilerParams(), needs_layout_passes=False),
)
def _deg_kernel(dst_hbm, out_hbm, dst_v, hist_v):
    c = lax.axis_index("c")
    s = lax.axis_index("s")
    pltpu.sync_copy(dst_hbm.at[c, s], dst_v)

    @pl.loop(0, _NPAD // 16)
    def _(i):
        hist_v[pl.ds(i * 16, 16)] = jnp.zeros((16,), jnp.float32)

    @pl.loop(0, _NWIN)
    def _(j):
        for i in range(_K // 16):
            vec = dst_v[j, pl.ds(i * 16, 16)]
            cnt, lastm = plsc.scan_count(vec)
            old = plsc.load_gather(hist_v, [vec])
            plsc.store_scatter(hist_v, [vec],
                               old + cnt.astype(jnp.float32), mask=lastm)

    pltpu.sync_copy(hist_v, out_hbm.at[c, s])


@functools.partial(
    pl.kernel,
    out_type=jax.ShapeDtypeStruct((_NC, _NPAD, _D), jnp.float32),
    mesh=_mesh,
    scratch_types=[
        pltpu.VMEM((_PHASES[0], _K), jnp.int32),
        pltpu.VMEM((_PHASES[0], _K), jnp.int32),
        pltpu.VMEM((_K, _D), jnp.float32),
        pltpu.VMEM((_K, _D), jnp.float32),
        pltpu.VMEM_SHARED((_NPAD, _D), jnp.float32),
        pltpu.SemaphoreType.DMA,
        pltpu.SemaphoreType.DMA,
        pltpu.SemaphoreType.DMA,
        pltpu.SemaphoreType.DMA,
    ],
)
def _msg_kernel(hs_hbm, src_hbm, dst_hbm, zeros_hbm, out_hbm,
                src_v, dst_v, b0, b1, acc_sh, sg0, sg1, ss0, ss1):
    c = lax.axis_index("c")
    s = lax.axis_index("s")
    rows = pl.ds(s * _RPS, _RPS)
    zc = pltpu.async_copy(zeros_hbm.at[rows], acc_sh.at[rows], ss0)

    off = 0
    for ph, n in enumerate(_PHASES):
        pltpu.sync_copy(src_hbm.at[c, s, pl.ds(off, n)], src_v.at[pl.ds(0, n)])
        pltpu.sync_copy(dst_hbm.at[c, s, pl.ds(off, n)], dst_v.at[pl.ds(0, n)])
        off += n
        if ph == 0:
            zc.wait()
            plsc.subcore_barrier()

        @pl.loop(0, n, step=2)
        def _(j):
            @pl.when(j > 0)
            def _():
                pltpu.make_async_copy(b0, acc_sh.at[dst_v.at[j]], ss0).wait()
            pltpu.sync_copy(hs_hbm.at[src_v.at[j]], b0)
            pltpu.async_copy(b0, acc_sh.at[dst_v.at[j]], ss0, add=True)

            @pl.when(j > 0)
            def _():
                pltpu.make_async_copy(b1, acc_sh.at[dst_v.at[j]], ss1).wait()
            pltpu.sync_copy(hs_hbm.at[src_v.at[j + 1]], b1)
            pltpu.async_copy(b1, acc_sh.at[dst_v.at[j + 1]], ss1, add=True)

        pltpu.make_async_copy(b0, acc_sh.at[dst_v.at[0]], ss0).wait()
        pltpu.make_async_copy(b1, acc_sh.at[dst_v.at[1]], ss1).wait()

    plsc.subcore_barrier()
    pltpu.sync_copy(acc_sh.at[rows], out_hbm.at[c, rows])



def _dinv_from_degp(degt):
    deg = degt[:, 0:1] + degt[:, 1:2]
    return lax.rsqrt(jnp.maximum(deg, 1.0))


def _tc_scale_body(x_ref, w_ref, degh_ref, o_ref, degt_ref):
    deg = jnp.sum(degh_ref[...], axis=1, keepdims=True)
    degt = jnp.concatenate([deg, jnp.zeros_like(deg)], axis=1)
    degt_ref[...] = degt
    hm = jnp.dot(x_ref[...], w_ref[...], preferred_element_type=jnp.float32)
    o_ref[...] = hm * _dinv_from_degp(degt)


_tc_scale = pl.pallas_call(
    _tc_scale_body,
    out_shape=(jax.ShapeDtypeStruct((_NPAD, _D), jnp.float32),
               jax.ShapeDtypeStruct((_NPAD, 2), jnp.float32)),
)


def _bn_relu(p_ref, degp_ref, b_ref, g_ref, be_ref):
    dinv = _dinv_from_degp(degp_ref[...])
    y = (p_ref[0] + p_ref[1]) * dinv + b_ref[...]
    mask = lax.broadcasted_iota(jnp.int32, (_NPAD, 1), 0) < _N
    ym = jnp.where(mask, y, 0.0)
    mu = jnp.sum(ym, axis=0, keepdims=True) * (1.0 / _N)
    d2 = jnp.where(mask, y - mu, 0.0)
    var = jnp.sum(d2 * d2, axis=0, keepdims=True) * (1.0 / _N)
    h = (y - mu) * lax.rsqrt(var + 1e-5) * g_ref[...] + be_ref[...]
    h = jnp.maximum(h, 0.0)
    return jnp.where(mask, h, 0.0), dinv


def _tc_layer_body(p_ref, degp_ref, b_ref, g_ref, be_ref, w_ref, o_ref):
    h, dinv = _bn_relu(p_ref, degp_ref, b_ref, g_ref, be_ref)
    o_ref[...] = jnp.dot(h * dinv, w_ref[...],
                         preferred_element_type=jnp.float32)


_tc_layer = pl.pallas_call(
    _tc_layer_body,
    out_shape=jax.ShapeDtypeStruct((_NPAD, _D), jnp.float32),
)


def _tc_head_body(p_ref, degp_ref, b_ref, g_ref, be_ref, batch_ref,
                  fw1_ref, fb1_ref, fw2_ref, fb2_ref, o_ref):
    h, _ = _bn_relu(p_ref, degp_ref, b_ref, g_ref, be_ref)
    gi = lax.broadcasted_iota(jnp.int32, (_G, 1), 0)
    oh = (batch_ref[...] == gi).astype(jnp.float32)
    pooled_sum = jax.lax.dot_general(
        oh, h, (((1,), (0,)), ((), ())),
        preferred_element_type=jnp.float32)
    counts = jnp.sum(oh, axis=1, keepdims=True)
    pooled = pooled_sum / jnp.maximum(counts, 1.0)
    z = jnp.maximum(
        jnp.dot(pooled, fw1_ref[...], preferred_element_type=jnp.float32)
        + fb1_ref[...], 0.0)
    o_ref[...] = jnp.dot(z, fw2_ref[...],
                         preferred_element_type=jnp.float32) + fb2_ref[...]


_tc_head = pl.pallas_call(
    _tc_head_body,
    out_shape=jax.ShapeDtypeStruct((_G, _C), jnp.float32),
)



def kernel(x, edge_index, batch, W1, b1, g1, be1, W2, b2, g2, be2,
           W3, b3, g3, be3, fW1, fb1, fW2, fb2):
    f32 = jnp.float32
    loop = jnp.arange(_N, dtype=edge_index.dtype)
    pad = _EPAD - _EP
    spare = _N + jnp.arange(pad, dtype=edge_index.dtype) % (_NPAD - _N)
    src = jnp.concatenate([edge_index[0], loop, spare])
    dst = jnp.concatenate([edge_index[1], loop, spare])
    src_p = src.reshape(_NC, _NS, _NWIN, _K)
    dst_p = dst.reshape(_NC, _NS, _NWIN, _K)

    zeros_d = jnp.zeros((_NPAD, _D), f32)
    xp = jnp.pad(x, ((0, _NPAD - _N), (0, 0)))
    batch_p = jnp.pad(batch, (0, _NPAD - _N),
                      constant_values=_G).reshape(1, _NPAD)
    row = lambda v: v.reshape(1, -1)

    degh = _deg_kernel(dst_p)
    degh_t = degh.reshape(_NC * _NS, _NPAD).T
    hs1, degt = _tc_scale(xp, W1, degh_t)
    p1 = _msg_kernel(hs1, src_p, dst_p, zeros_d)
    hs2 = _tc_layer(p1, degt, row(b1), row(g1), row(be1), W2)
    p2 = _msg_kernel(hs2, src_p, dst_p, zeros_d)
    hs3 = _tc_layer(p2, degt, row(b2), row(g2), row(be2), W3)
    p3 = _msg_kernel(hs3, src_p, dst_p, zeros_d)
    return _tc_head(p3, degt, row(b3), row(g3), row(be3), batch_p,
                    fW1, row(fb1), fW2, row(fb2))

# --- scband reference (transcript-rebuilt; emitter-appended) ---
"""Pipeline reference for scband-gcnmodel-17635135718109 (READ-ONLY COPY).

The authoritative reference and input builder live on the scoring server;
editing this copy changes nothing except your own understanding.
"""

import jax, jax.numpy as jnp
import numpy as np

N = 10000
E = 320000
D = 128
H = 128
C = 16
G = 64


def gcn_conv(x, src, dst, W, b):
    n = x.shape[0]
    deg = jnp.zeros((n,), x.dtype).at[dst].add(1.0)
    dinv = jax.lax.rsqrt(jnp.clip(deg, 1.0, None))
    norm = dinv[src] * dinv[dst]
    h = x @ W
    msg = h[src] * norm[:, None]
    out = jnp.zeros((n, W.shape[1]), x.dtype).at[dst].add(msg)
    return out + b


def batch_norm(x, g, b, eps=1e-5):
    mu = jnp.mean(x, axis=0)
    var = jnp.var(x, axis=0)
    return (x - mu) * jax.lax.rsqrt(var + eps) * g + b


def setup_inputs(seed: int = 0):
    key = jax.random.key(seed)
    ks = jax.random.split(key, 24)
    inp = {}
    inp["x"] = jax.random.normal(ks[0], (N, D), dtype=jnp.float32)
    inp["edge_index"] = jax.random.randint(ks[1], (2, E), 0, N, dtype=jnp.int32)
    inp["batch"] = jnp.sort(jax.random.randint(ks[2], (N,), 0, G, dtype=jnp.int32))
    s = 1.0 / np.sqrt(D)
    inp["W1"] = jax.random.normal(ks[3], (D, H), dtype=jnp.float32) * s
    inp["b1"] = jnp.zeros((H,), dtype=jnp.float32)
    inp["g1"] = jnp.ones((H,), dtype=jnp.float32)
    inp["be1"] = jnp.zeros((H,), dtype=jnp.float32)
    sh = 1.0 / np.sqrt(H)
    inp["W2"] = jax.random.normal(ks[4], (H, H), dtype=jnp.float32) * sh
    inp["b2"] = jnp.zeros((H,), dtype=jnp.float32)
    inp["g2"] = jnp.ones((H,), dtype=jnp.float32)
    inp["be2"] = jnp.zeros((H,), dtype=jnp.float32)
    inp["W3"] = jax.random.normal(ks[5], (H, H), dtype=jnp.float32) * sh
    inp["b3"] = jnp.zeros((H,), dtype=jnp.float32)
    inp["g3"] = jnp.ones((H,), dtype=jnp.float32)
    inp["be3"] = jnp.zeros((H,), dtype=jnp.float32)
    inp["fW1"] = jax.random.normal(ks[6], (H, H), dtype=jnp.float32) * sh
    inp["fb1"] = jnp.zeros((H,), dtype=jnp.float32)
    inp["fW2"] = jax.random.normal(ks[7], (H, C), dtype=jnp.float32) * sh
    inp["fb2"] = jnp.zeros((C,), dtype=jnp.float32)
    return inp


def reference(x, edge_index, batch, W1, b1, g1, be1, W2, b2, g2, be2, W3, b3, g3, be3, fW1, fb1, fW2, fb2):
    n = x.shape[0]
    loop = jnp.arange(n, dtype=edge_index.dtype)
    src = jnp.concatenate([edge_index[0], loop])
    dst = jnp.concatenate([edge_index[1], loop])
    h = jax.nn.relu(batch_norm(gcn_conv(x, src, dst, W1, b1), g1, be1))
    h = jax.nn.relu(batch_norm(gcn_conv(h, src, dst, W2, b2), g2, be2))
    h = jax.nn.relu(batch_norm(gcn_conv(h, src, dst, W3, b3), g3, be3))
    sums = jax.ops.segment_sum(h, batch, num_segments=G)
    counts = jax.ops.segment_sum(jnp.ones((n,), h.dtype), batch, num_segments=G)
    pooled = sums / jnp.clip(counts, 1.0, None)[:, None]
    z = jax.nn.relu(pooled @ fW1 + fb1)
    # dropout is identity in eval mode
    return z @ fW2 + fb2

if __name__ == "__main__":
    import jax
    _d = setup_inputs()
    print(jax.jit(kernel)(*tuple(_d.values())))

</pallas_src>

<mosaic_0001>
#map = affine_map<(d0, d1) -> (0, 0, 0, 0)>
#map1 = affine_map<(d0, d1) -> (0, 0, 0)>
module attributes {stable_mosaic.version = 14 : i64} {
  func.func @_deg_kernel(%arg0: i32, %arg1: i32, %arg2: memref<2x16x82x128xi32, #tpu.memory_space<hbm>>, %arg3: memref<2x16x10112xf32, #tpu.memory_space<hbm>>, %arg4: memref<82x128xi32, #tpu.memory_space<vmem>>, %arg5: memref<10112xf32, #tpu.memory_space<vmem>>) attributes {dimension_semantics = [#tpu.dimension_semantics<core_parallel>, #tpu.dimension_semantics<subcore_parallel>], iteration_bounds = array<i64: 2, 16>, scalar_prefetch = 0 : i64, scratch_operands = 2 : i64, tpu.core_type = #tpu.core_type<sc_vector_subcore>, window_params = [{transform_indices = #map}, {transform_indices = #map1}]} {
    "tpu.region"() ({
      %run_scoped3A = tpu.sem_alloc : memref<!tpu.dma_semaphore, #tpu.memory_space<semaphore_mem>>
      %dma_start3A = arith.constant 0 : i32
      %dma_start3A_9 = arith.constant 0 : i32
      %dma_start3A_10 = tpu.memref_slice %arg2[%arg0, %arg1, %dma_start3A, %dma_start3A_9] : memref<2x16x82x128xi32, #tpu.memory_space<hbm>> -> memref<1x1x82x128xi32, #tpu.memory_space<hbm>>
      %dma_start3A_11 = tpu.memref_squeeze %dma_start3A_10 : memref<1x1x82x128xi32, #tpu.memory_space<hbm>> -> memref<82x128xi32, #tpu.memory_space<hbm>>
      %dma_start3A_12 = arith.constant 0 : i32
      %dma_start3A_13 = arith.constant 0 : i32
      %dma_start3A_14 = tpu.memref_slice %arg2[%arg0, %arg1, %dma_start3A_12, %dma_start3A_13] : memref<2x16x82x128xi32, #tpu.memory_space<hbm>> -> memref<1x1x82x128xi32, #tpu.memory_space<hbm>>
      %dma_start3A_15 = tpu.memref_squeeze %dma_start3A_14 : memref<1x1x82x128xi32, #tpu.memory_space<hbm>> -> memref<82x128xi32, #tpu.memory_space<hbm>>
      tpu.enqueue_dma source(%dma_start3A_15 : memref<82x128xi32, #tpu.memory_space<hbm>>) target(%arg4 : memref<82x128xi32, #tpu.memory_space<vmem>>) target_semaphore(%run_scoped3A : memref<!tpu.dma_semaphore, #tpu.memory_space<semaphore_mem>>)
      %dma_wait3A = arith.constant 0 : i32
      %dma_wait3A_16 = arith.constant 0 : i32
      %dma_wait3A_17 = tpu.memref_slice %arg2[%arg0, %arg1, %dma_wait3A, %dma_wait3A_16] : memref<2x16x82x128xi32, #tpu.memory_space<hbm>> -> memref<1x1x82x128xi32, #tpu.memory_space<hbm>>
      %dma_wait3A_18 = tpu.memref_squeeze %dma_wait3A_17 : memref<1x1x82x128xi32, #tpu.memory_space<hbm>> -> memref<82x128xi32, #tpu.memory_space<hbm>>
      %dma_wait3A_19 = arith.constant 0 : i32
      %dma_wait3A_20 = arith.constant 0 : i32
      %dma_wait3A_21 = tpu.memref_slice %arg2[%arg0, %arg1, %dma_wait3A_19, %dma_wait3A_20] : memref<2x16x82x128xi32, #tpu.memory_space<hbm>> -> memref<1x1x82x128xi32, #tpu.memory_space<hbm>>
      %dma_wait3A_22 = tpu.memref_squeeze %dma_wait3A_21 : memref<1x1x82x128xi32, #tpu.memory_space<hbm>> -> memref<82x128xi32, #tpu.memory_space<hbm>>
      tpu.wait_dma2 semaphore(%run_scoped3A : memref<!tpu.dma_semaphore, #tpu.memory_space<semaphore_mem>>) src(%dma_wait3A_22 : memref<82x128xi32, #tpu.memory_space<hbm>>) dst(%arg4 : memref<82x128xi32, #tpu.memory_space<vmem>>)
      tpu.yield
    }) : () -> ()
    %scan3A = arith.constant 0 : i32
    %scan3A_0 = arith.constant 632 : i32
    %scan3A_1 = arith.addi %scan3A, %scan3A_0 : i32
    %scan3A_2 = arith.constant 1 : i32
    scf.for %scan3A_9 = %scan3A to %scan3A_1 step %scan3A_2  : i32 {
      %mul3A = arith.constant 1 : i32
      %mul3A_10 = arith.muli %scan3A_9, %mul3A : i32
      %add3A = arith.constant 0 : i32
      %add3A_11 = arith.addi %add3A, %mul3A_10 : i32
      %broadcast_in_dim3A = arith.constant 0.000000e+00 : f32
      %broadcast_in_dim3A_12 = vector.broadcast %broadcast_in_dim3A : f32 to vector<16xf32>
      %mul3A_13 = arith.constant 16 : i32
      %mul3A_14 = arith.muli %add3A_11, %mul3A_13 : i32
      %swap3A = arith.index_cast %mul3A_14 : i32 to index
      %swap3A_15 = tpu.vector_load %arg5[%swap3A] {strides = array<i32>} : memref<10112xf32, #tpu.memory_space<vmem>>, vector<16xf32>,
      tpu.vector_store %arg5[%swap3A], %broadcast_in_dim3A_12 {strides = array<i32>} : memref<10112xf32, #tpu.memory_space<vmem>>, vector<16xf32>,
    }
    %scan3A_3 = arith.constant 632 : i32
    %scan3A_4 = arith.constant 0 : i32
    %scan3A_5 = arith.constant 82 : i32
    %scan3A_6 = arith.addi %scan3A_4, %scan3A_5 : i32
    %scan3A_7 = arith.constant 1 : i32
    scf.for %scan3A_9 = %scan3A_4 to %scan3A_6 step %scan3A_7  : i32 {
      %mul3A = arith.constant 1 : i32
      %mul3A_10 = arith.muli %scan3A_9, %mul3A : i32
      %add3A = arith.constant 0 : i32
      %add3A_11 = arith.addi %add3A, %mul3A_10 : i32
      %get3A = arith.index_cast %add3A_11 : i32 to index
      %get3A_12 = arith.constant 0 : index
      %get3A_13 = tpu.vector_load %arg4[%get3A, %get3A_12] {strides = array<i32>} : memref<82x128xi32, #tpu.memory_space<vmem>>, vector<16xi32>,
      %broadcast_in_dim3A = arith.constant true
      %broadcast_in_dim3A_14 = vector.broadcast %broadcast_in_dim3A : i1 to vector<16xi1>
      %unique3A, %unique3A_15 = tpu.scan_count mask(%broadcast_in_dim3A_14 : vector<16xi1>) value(%get3A_13 : vector<16xi32>) : vector<16xi1>, vector<16xi32>
      %gather3A = tpu.vector_load_idx %arg5[%get3A_13] : memref<10112xf32, #tpu.memory_space<vmem>>[vector<16xi32>], vector<16xf32>,
      %convert_element_type3A = arith.sitofp %unique3A_15 : vector<16xi32> to vector<16xf32>
      %add3A_16 = arith.addf %gather3A, %convert_element_type3A : vector<16xf32>
      tpu.vector_store_idx %arg5[%get3A_13], %add3A_16 masked %unique3A : memref<10112xf32, #tpu.memory_space<vmem>>[vector<16xi32>], vector<16xf32>, vector<16xi1>
      %get3A_17 = arith.index_cast %add3A_11 : i32 to index
      %get3A_18 = arith.constant 16 : index
      %get3A_19 = tpu.vector_load %arg4[%get3A_17, %get3A_18] {strides = array<i32>} : memref<82x128xi32, #tpu.memory_space<vmem>>, vector<16xi32>,
      %broadcast_in_dim3A_20 = arith.constant true
      %broadcast_in_dim3A_21 = vector.broadcast %broadcast_in_dim3A_20 : i1 to vector<16xi1>
      %unique3A_22, %unique3A_23 = tpu.scan_count mask(%broadcast_in_dim3A_21 : vector<16xi1>) value(%get3A_19 : vector<16xi32>) : vector<16xi1>, vector<16xi32>
      %gather3A_24 = tpu.vector_load_idx %arg5[%get3A_19] : memref<10112xf32, #tpu.memory_space<vmem>>[vector<16xi32>], vector<16xf32>,
      %convert_element_type3A_25 = arith.sitofp %unique3A_23 : vector<16xi32> to vector<16xf32>
      %add3A_26 = arith.addf %gather3A_24, %convert_element_type3A_25 : vector<16xf32>
      tpu.vector_store_idx %arg5[%get3A_19], %add3A_26 masked %unique3A_22 : memref<10112xf32, #tpu.memory_space<vmem>>[vector<16xi32>], vector<16xf32>, vector<16xi1>
      %get3A_27 = arith.index_cast %add3A_11 : i32 to index
      %get3A_28 = arith.constant 32 : index
      %get3A_29 = tpu.vector_load %arg4[%get3A_27, %get3A_28] {strides = array<i32>} : memref<82x128xi32, #tpu.memory_space<vmem>>, vector<16xi32>,
      %broadcast_in_dim3A_30 = arith.constant true
      %broadcast_in_dim3A_31 = vector.broadcast %broadcast_in_dim3A_30 : i1 to vector<16xi1>
      %unique3A_32, %unique3A_33 = tpu.scan_count mask(%broadcast_in_dim3A_31 : vector<16xi1>) value(%get3A_29 : vector<16xi32>) : vector<16xi1>, vector<16xi32>
      %gather3A_34 = tpu.vector_load_idx %arg5[%get3A_29] : memref<10112xf32, #tpu.memory_space<vmem>>[vector<16xi32>], vector<16xf32>,
      %convert_element_type3A_35 = arith.sitofp %unique3A_33 : vector<16xi32> to vector<16xf32>
      %add3A_36 = arith.addf %gather3A_34, %convert_element_type3A_35 : vector<16xf32>
      tpu.vector_store_idx %arg5[%get3A_29], %add3A_36 masked %unique3A_32 : memref<10112xf32, #tpu.memory_space<vmem>>[vector<16xi32>], vector<16xf32>, vector<16xi1>
      %get3A_37 = arith.index_cast %add3A_11 : i32 to index
      %get3A_38 = arith.constant 48 : index
      %get3A_39 = tpu.vector_load %arg4[%get3A_37, %get3A_38] {strides = array<i32>} : memref<82x128xi32, #tpu.memory_space<vmem>>, vector<16xi32>,
      %broadcast_in_dim3A_40 = arith.constant true
      %broadcast_in_dim3A_41 = vector.broadcast %broadcast_in_dim3A_40 : i1 to vector<16xi1>
      %unique3A_42, %unique3A_43 = tpu.scan_count mask(%broadcast_in_dim3A_41 : vector<16xi1>) value(%get3A_39 : vector<16xi32>) : vector<16xi1>, vector<16xi32>
      %gather3A_44 = tpu.vector_load_idx %arg5[%get3A_39] : memref<10112xf32, #tpu.memory_space<vmem>>[vector<16xi32>], vector<16xf32>,
      %convert_element_type3A_45 = arith.sitofp %unique3A_43 : vector<16xi32> to vector<16xf32>
      %add3A_46 = arith.addf %gather3A_44, %convert_element_type3A_45 : vector<16xf32>
      tpu.vector_store_idx %arg5[%get3A_39], %add3A_46 masked %unique3A_42 : memref<10112xf32, #tpu.memory_space<vmem>>[vector<16xi32>], vector<16xf32>, vector<16xi1>
      %get3A_47 = arith.index_cast %add3A_11 : i32 to index
      %get3A_48 = arith.constant 64 : index
      %get3A_49 = tpu.vector_load %arg4[%get3A_47, %get3A_48] {strides = array<i32>} : memref<82x128xi32, #tpu.memory_space<vmem>>, vector<16xi32>,
      %broadcast_in_dim3A_50 = arith.constant true
      %broadcast_in_dim3A_51 = vector.broadcast %broadcast_in_dim3A_50 : i1 to vector<16xi1>
      %unique3A_52, %unique3A_53 = tpu.scan_count mask(%broadcast_in_dim3A_51 : vector<16xi1>) value(%get3A_49 : vector<16xi32>) : vector<16xi1>, vector<16xi32>
      %gather3A_54 = tpu.vector_load_idx %arg5[%get3A_49] : memref<10112xf32, #tpu.memory_space<vmem>>[vector<16xi32>], vector<16xf32>,
      %convert_element_type3A_55 = arith.sitofp %unique3A_53 : vector<16xi32> to vector<16xf32>
      %add3A_56 = arith.addf %gather3A_54, %convert_element_type3A_55 : vector<16xf32>
      tpu.vector_store_idx %arg5[%get3A_49], %add3A_56 masked %unique3A_52 : memref<10112xf32, #tpu.memory_space<vmem>>[vector<16xi32>], vector<16xf32>, vector<16xi1>
      %get3A_57 = arith.index_cast %add3A_11 : i32 to index
      %get3A_58 = arith.constant 80 : index
      %get3A_59 = tpu.vector_load %arg4[%get3A_57, %get3A_58] {strides = array<i32>} : memref<82x128xi32, #tpu.memory_space<vmem>>, vector<16xi32>,
      %broadcast_in_dim3A_60 = arith.constant true
      %broadcast_in_dim3A_61 = vector.broadcast %broadcast_in_dim3A_60 : i1 to vector<16xi1>
      %unique3A_62, %unique3A_63 = tpu.scan_count mask(%broadcast_in_dim3A_61 : vector<16xi1>) value(%get3A_59 : vector<16xi32>) : vector<16xi1>, vector<16xi32>
      %gather3A_64 = tpu.vector_load_idx %arg5[%get3A_59] : memref<10112xf32, #tpu.memory_space<vmem>>[vector<16xi32>], vector<16xf32>,
      %convert_element_type3A_65 = arith.sitofp %unique3A_63 : vector<16xi32> to vector<16xf32>
      %add3A_66 = arith.addf %gather3A_64, %convert_element_type3A_65 : vector<16xf32>
      tpu.vector_store_idx %arg5[%get3A_59], %add3A_66 masked %unique3A_62 : memref<10112xf32, #tpu.memory_space<vmem>>[vector<16xi32>], vector<16xf32>, vector<16xi1>
      %get3A_67 = arith.index_cast %add3A_11 : i32 to index
      %get3A_68 = arith.constant 96 : index
      %get3A_69 = tpu.vector_load %arg4[%get3A_67, %get3A_68] {strides = array<i32>} : memref<82x128xi32, #tpu.memory_space<vmem>>, vector<16xi32>,
      %broadcast_in_dim3A_70 = arith.constant true
      %broadcast_in_dim3A_71 = vector.broadcast %broadcast_in_dim3A_70 : i1 to vector<16xi1>
      %unique3A_72, %unique3A_73 = tpu.scan_count mask(%broadcast_in_dim3A_71 : vector<16xi1>) value(%get3A_69 : vector<16xi32>) : vector<16xi1>, vector<16xi32>
      %gather3A_74 = tpu.vector_load_idx %arg5[%get3A_69] : memref<10112xf32, #tpu.memory_space<vmem>>[vector<16xi32>], vector<16xf32>,
      %convert_element_type3A_75 = arith.sitofp %unique3A_73 : vector<16xi32> to vector<16xf32>
      %add3A_76 = arith.addf %gather3A_74, %convert_element_type3A_75 : vector<16xf32>
      tpu.vector_store_idx %arg5[%get3A_69], %add3A_76 masked %unique3A_72 : memref<10112xf32, #tpu.memory_space<vmem>>[vector<16xi32>], vector<16xf32>, vector<16xi1>
      %get3A_77 = arith.index_cast %add3A_11 : i32 to index
      %get3A_78 = arith.constant 112 : index
      %get3A_79 = tpu.vector_load %arg4[%get3A_77, %get3A_78] {strides = array<i32>} : memref<82x128xi32, #tpu.memory_space<vmem>>, vector<16xi32>,
      %broadcast_in_dim3A_80 = arith.constant true
      %broadcast_in_dim3A_81 = vector.broadcast %broadcast_in_dim3A_80 : i1 to vector<16xi1>
      %unique3A_82, %unique3A_83 = tpu.scan_count mask(%broadcast_in_dim3A_81 : vector<16xi1>) value(%get3A_79 : vector<16xi32>) : vector<16xi1>, vector<16xi32>
      %gather3A_84 = tpu.vector_load_idx %arg5[%get3A_79] : memref<10112xf32, #tpu.memory_space<vmem>>[vector<16xi32>], vector<16xf32>,
      %convert_element_type3A_85 = arith.sitofp %unique3A_83 : vector<16xi32> to vector<16xf32>
      %add3A_86 = arith.addf %gather3A_84, %convert_element_type3A_85 : vector<16xf32>
      tpu.vector_store_idx %arg5[%get3A_79], %add3A_86 masked %unique3A_82 : memref<10112xf32, #tpu.memory_space<vmem>>[vector<16xi32>], vector<16xf32>, vector<16xi1>
    }
    %scan3A_8 = arith.constant 82 : i32
    "tpu.region"() ({
      %run_scoped3A = tpu.sem_alloc : memref<!tpu.dma_semaphore, #tpu.memory_space<semaphore_mem>>
      %dma_start3A = arith.constant 0 : i32
      %dma_start3A_9 = tpu.memref_slice %arg3[%arg0, %arg1, %dma_start3A] : memref<2x16x10112xf32, #tpu.memory_space<hbm>> -> memref<1x1x10112xf32, #tpu.memory_space<hbm>>
      %dma_start3A_10 = tpu.memref_squeeze %dma_start3A_9 : memref<1x1x10112xf32, #tpu.memory_space<hbm>> -> memref<10112xf32, #tpu.memory_space<hbm>>
      %dma_start3A_11 = arith.constant 0 : i32
      %dma_start3A_12 = tpu.memref_slice %arg3[%arg0, %arg1, %dma_start3A_11] : memref<2x16x10112xf32, #tpu.memory_space<hbm>> -> memref<1x1x10112xf32, #tpu.memory_space<hbm>>
      %dma_start3A_13 = tpu.memref_squeeze %dma_start3A_12 : memref<1x1x10112xf32, #tpu.memory_space<hbm>> -> memref<10112xf32, #tpu.memory_space<hbm>>
      tpu.enqueue_dma source(%arg5 : memref<10112xf32, #tpu.memory_space<vmem>>) target(%dma_start3A_13 : memref<10112xf32, #tpu.memory_space<hbm>>) target_semaphore(%run_scoped3A : memref<!tpu.dma_semaphore, #tpu.memory_space<semaphore_mem>>)
      %dma_wait3A = arith.constant 0 : i32
      %dma_wait3A_14 = tpu.memref_slice %arg3[%arg0, %arg1, %dma_wait3A] : memref<2x16x10112xf32, #tpu.memory_space<hbm>> -> memref<1x1x10112xf32, #tpu.memory_space<hbm>>
      %dma_wait3A_15 = tpu.memref_squeeze %dma_wait3A_14 : memref<1x1x10112xf32, #tpu.memory_space<hbm>> -> memref<10112xf32, #tpu.memory_space<hbm>>
      %dma_wait3A_16 = arith.constant 0 : i32
      %dma_wait3A_17 = tpu.memref_slice %arg3[%arg0, %arg1, %dma_wait3A_16] : memref<2x16x10112xf32, #tpu.memory_space<hbm>> -> memref<1x1x10112xf32, #tpu.memory_space<hbm>>
      %dma_wait3A_18 = tpu.memref_squeeze %dma_wait3A_17 : memref<1x1x10112xf32, #tpu.memory_space<hbm>> -> memref<10112xf32, #tpu.memory_space<hbm>>
      tpu.wait_dma2 semaphore(%run_scoped3A : memref<!tpu.dma_semaphore, #tpu.memory_space<semaphore_mem>>) src(%arg5 : memref<10112xf32, #tpu.memory_space<vmem>>) dst(%dma_wait3A_18 : memref<10112xf32, #tpu.memory_space<hbm>>)
      tpu.yield
    }) : () -> ()
    return
  }
}

#map = affine_map<(d0, d1) -> (0, 0)>
#map1 = affine_map<(d0, d1) -> (0, 0, 0, 0)>
#map2 = affine_map<(d0, d1) -> (0, 0, 0)>
module attributes {stable_mosaic.version = 14 : i64} {
  func.func @_msg_kernel(%arg0: i32, %arg1: i32, %arg2: memref<10112x128xf32, #tpu.memory_space<hbm>>, %arg3: memref<2x16x82x128xi32, #tpu.memory_space<hbm>>, %arg4: memref<2x16x82x128xi32, #tpu.memory_space<hbm>>, %arg5: memref<10112x128xf32, #tpu.memory_space<hbm>>, %arg6: memref<2x10112x128xf32, #tpu.memory_space<hbm>>, %arg7: memref<48x128xi32, #tpu.memory_space<vmem>>, %arg8: memref<48x128xi32, #tpu.memory_space<vmem>>, %arg9: memref<128x128xf32, #tpu.memory_space<vmem>>, %arg10: memref<128x128xf32, #tpu.memory_space<vmem>>, %arg11: memref<10112x128xf32, #tpu.memory_space<vmem_shared>>, %arg12: memref<!tpu.dma_semaphore, #tpu.memory_space<semaphore_mem>>, %arg13: memref<!tpu.dma_semaphore, #tpu.memory_space<semaphore_mem>>, %arg14: memref<!tpu.dma_semaphore, #tpu.memory_space<semaphore_mem>>, %arg15: memref<!tpu.dma_semaphore, #tpu.memory_space<semaphore_mem>>) attributes {dimension_semantics = [#tpu.dimension_semantics<core_parallel>, #tpu.dimension_semantics<subcore_parallel>], iteration_bounds = array<i64: 2, 16>, scalar_prefetch = 0 : i64, scratch_operands = 9 : i64, tpu.core_type = #tpu.core_type<sc_vector_subcore>, window_params = [{transform_indices = #map}, {transform_indices = #map1}, {transform_indices = #map1}, {transform_indices = #map}, {transform_indices = #map2}]} {
    %mul3A = arith.constant 632 : i32
    %mul3A_0 = arith.muli %arg1, %mul3A : i32
    %dma_start3A = arith.constant 0 : i32
    %dma_start3A_1 = tpu.memref_slice %arg11[%mul3A_0, %dma_start3A] : memref<10112x128xf32, #tpu.memory_space<vmem_shared>> -> memref<632x128xf32, #tpu.memory_space<vmem_shared>>
    %dma_start3A_2 = arith.constant 0 : i32
    %dma_start3A_3 = tpu.memref_slice %arg5[%mul3A_0, %dma_start3A_2] : memref<10112x128xf32, #tpu.memory_space<hbm>> -> memref<632x128xf32, #tpu.memory_space<hbm>>
    tpu.enqueue_dma source(%dma_start3A_3 : memref<632x128xf32, #tpu.memory_space<hbm>>) target(%dma_start3A_1 : memref<632x128xf32, #tpu.memory_space<vmem_shared>>) target_semaphore(%arg14 : memref<!tpu.dma_semaphore, #tpu.memory_space<semaphore_mem>>)
    "tpu.region"() ({
      %run_scoped3A = tpu.sem_alloc : memref<!tpu.dma_semaphore, #tpu.memory_space<semaphore_mem>>
      %dma_start3A_45 = arith.constant 0 : i32
      %dma_start3A_46 = arith.constant 0 : i32
      %dma_start3A_47 = tpu.memref_slice %arg7[%dma_start3A_45, %dma_start3A_46] : memref<48x128xi32, #tpu.memory_space<vmem>> -> memref<48x128xi32, #tpu.memory_space<vmem>>
      %dma_start3A_48 = arith.constant 0 : i32
      %dma_start3A_49 = arith.constant 0 : i32
      %dma_start3A_50 = tpu.memref_slice %arg3[%arg0, %arg1, %dma_start3A_48, %dma_start3A_49] : memref<2x16x82x128xi32, #tpu.memory_space<hbm>> -> memref<1x1x48x128xi32, #tpu.memory_space<hbm>>
      %dma_start3A_51 = tpu.memref_squeeze %dma_start3A_50 : memref<1x1x48x128xi32, #tpu.memory_space<hbm>> -> memref<48x128xi32, #tpu.memory_space<hbm>>
      %dma_start3A_52 = arith.constant 0 : i32
      %dma_start3A_53 = arith.constant 0 : i32
      %dma_start3A_54 = tpu.memref_slice %arg7[%dma_start3A_52, %dma_start3A_53] : memref<48x128xi32, #tpu.memory_space<vmem>> -> memref<48x128xi32, #tpu.memory_space<vmem>>
      %dma_start3A_55 = arith.constant 0 : i32
      %dma_start3A_56 = arith.constant 0 : i32
      %dma_start3A_57 = tpu.memref_slice %arg3[%arg0, %arg1, %dma_start3A_55, %dma_start3A_56] : memref<2x16x82x128xi32, #tpu.memory_space<hbm>> -> memref<1x1x48x128xi32, #tpu.memory_space<hbm>>
      %dma_start3A_58 = tpu.memref_squeeze %dma_start3A_57 : memref<1x1x48x128xi32, #tpu.memory_space<hbm>> -> memref<48x128xi32, #tpu.memory_space<hbm>>
      tpu.enqueue_dma source(%dma_start3A_58 : memref<48x128xi32, #tpu.memory_space<hbm>>) target(%dma_start3A_54 : memref<48x128xi32, #tpu.memory_space<vmem>>) target_semaphore(%run_scoped3A : memref<!tpu.dma_semaphore, #tpu.memory_space<semaphore_mem>>)
      %dma_wait3A_59 = arith.constant 0 : i32
      %dma_wait3A_60 = arith.constant 0 : i32
      %dma_wait3A_61 = tpu.memref_slice %arg7[%dma_wait3A_59, %dma_wait3A_60] : memref<48x128xi32, #tpu.memory_space<vmem>> -> memref<48x128xi32, #tpu.memory_space<vmem>>
      %dma_wait3A_62 = arith.constant 0 : i32
      %dma_wait3A_63 = arith.constant 0 : i32
      %dma_wait3A_64 = tpu.memref_slice %arg3[%arg0, %arg1, %dma_wait3A_62, %dma_wait3A_63] : memref<2x16x82x128xi32, #tpu.memory_space<hbm>> -> memref<1x1x48x128xi32, #tpu.memory_space<hbm>>
      %dma_wait3A_65 = tpu.memref_squeeze %dma_wait3A_64 : memref<1x1x48x128xi32, #tpu.memory_space<hbm>> -> memref<48x128xi32, #tpu.memory_space<hbm>>
      %dma_wait3A_66 = arith.constant 0 : i32
      %dma_wait3A_67 = arith.constant 0 : i32
      %dma_wait3A_68 = tpu.memref_slice %arg7[%dma_wait3A_66, %dma_wait3A_67] : memref<48x128xi32, #tpu.memory_space<vmem>> -> memref<48x128xi32, #tpu.memory_space<vmem>>
      %dma_wait3A_69 = arith.constant 0 : i32
      %dma_wait3A_70 = arith.constant 0 : i32
      %dma_wait3A_71 = tpu.memref_slice %arg3[%arg0, %arg1, %dma_wait3A_69, %dma_wait3A_70] : memref<2x16x82x128xi32, #tpu.memory_space<hbm>> -> memref<1x1x48x128xi32, #tpu.memory_space<hbm>>
      %dma_wait3A_72 = tpu.memref_squeeze %dma_wait3A_71 : memref<1x1x48x128xi32, #tpu.memory_space<hbm>> -> memref<48x128xi32, #tpu.memory_space<hbm>>
      tpu.wait_dma2 semaphore(%run_scoped3A : memref<!tpu.dma_semaphore, #tpu.memory_space<semaphore_mem>>) src(%dma_wait3A_72 : memref<48x128xi32, #tpu.memory_space<hbm>>) dst(%dma_wait3A_68 : memref<48x128xi32, #tpu.memory_space<vmem>>)
      tpu.yield
    }) : () -> ()
    "tpu.region"() ({
      %run_scoped3A = tpu.sem_alloc : memref<!tpu.dma_semaphore, #tpu.memory_space<semaphore_mem>>
      %dma_start3A_45 = arith.constant 0 : i32
      %dma_start3A_46 = arith.constant 0 : i32
      %dma_start3A_47 = tpu.memref_slice %arg8[%dma_start3A_45, %dma_start3A_46] : memref<48x128xi32, #tpu.memory_space<vmem>> -> memref<48x128xi32, #tpu.memory_space<vmem>>
      %dma_start3A_48 = arith.constant 0 : i32
      %dma_start3A_49 = arith.constant 0 : i32
      %dma_start3A_50 = tpu.memref_slice %arg4[%arg0, %arg1, %dma_start3A_48, %dma_start3A_49] : memref<2x16x82x128xi32, #tpu.memory_space<hbm>> -> memref<1x1x48x128xi32, #tpu.memory_space<hbm>>
      %dma_start3A_51 = tpu.memref_squeeze %dma_start3A_50 : memref<1x1x48x128xi32, #tpu.memory_space<hbm>> -> memref<48x128xi32, #tpu.memory_space<hbm>>
      %dma_start3A_52 = arith.constant 0 : i32
      %dma_start3A_53 = arith.constant 0 : i32
      %dma_start3A_54 = tpu.memref_slice %arg8[%dma_start3A_52, %dma_start3A_53] : memref<48x128xi32, #tpu.memory_space<vmem>> -> memref<48x128xi32, #tpu.memory_space<vmem>>
      %dma_start3A_55 = arith.constant 0 : i32
      %dma_start3A_56 = arith.constant 0 : i32
      %dma_start3A_57 = tpu.memref_slice %arg4[%arg0, %arg1, %dma_start3A_55, %dma_start3A_56] : memref<2x16x82x128xi32, #tpu.memory_space<hbm>> -> memref<1x1x48x128xi32, #tpu.memory_space<hbm>>
      %dma_start3A_58 = tpu.memref_squeeze %dma_start3A_57 : memref<1x1x48x128xi32, #tpu.memory_space<hbm>> -> memref<48x128xi32, #tpu.memory_space<hbm>>
      tpu.enqueue_dma source(%dma_start3A_58 : memref<48x128xi32, #tpu.memory_space<hbm>>) target(%dma_start3A_54 : memref<48x128xi32, #tpu.memory_space<vmem>>) target_semaphore(%run_scoped3A : memref<!tpu.dma_semaphore, #tpu.memory_space<semaphore_mem>>)
      %dma_wait3A_59 = arith.constant 0 : i32
      %dma_wait3A_60 = arith.constant 0 : i32
      %dma_wait3A_61 = tpu.memref_slice %arg8[%dma_wait3A_59, %dma_wait3A_60] : memref<48x128xi32, #tpu.memory_space<vmem>> -> memref<48x128xi32, #tpu.memory_space<vmem>>
      %dma_wait3A_62 = arith.constant 0 : i32
      %dma_wait3A_63 = arith.constant 0 : i32
      %dma_wait3A_64 = tpu.memref_slice %arg4[%arg0, %arg1, %dma_wait3A_62, %dma_wait3A_63] : memref<2x16x82x128xi32, #tpu.memory_space<hbm>> -> memref<1x1x48x128xi32, #tpu.memory_space<hbm>>
      %dma_wait3A_65 = tpu.memref_squeeze %dma_wait3A_64 : memref<1x1x48x128xi32, #tpu.memory_space<hbm>> -> memref<48x128xi32, #tpu.memory_space<hbm>>
      %dma_wait3A_66 = arith.constant 0 : i32
      %dma_wait3A_67 = arith.constant 0 : i32
      %dma_wait3A_68 = tpu.memref_slice %arg8[%dma_wait3A_66, %dma_wait3A_67] : memref<48x128xi32, #tpu.memory_space<vmem>> -> memref<48x128xi32, #tpu.memory_space<vmem>>
      %dma_wait3A_69 = arith.constant 0 : i32
      %dma_wait3A_70 = arith.constant 0 : i32
      %dma_wait3A_71 = tpu.memref_slice %arg4[%arg0, %arg1, %dma_wait3A_69, %dma_wait3A_70] : memref<2x16x82x128xi32, #tpu.memory_space<hbm>> -> memref<1x1x48x128xi32, #tpu.memory_space<hbm>>
      %dma_wait3A_72 = tpu.memref_squeeze %dma_wait3A_71 : memref<1x1x48x128xi32, #tpu.memory_space<hbm>> -> memref<48x128xi32, #tpu.memory_space<hbm>>
      tpu.wait_dma2 semaphore(%run_scoped3A : memref<!tpu.dma_semaphore, #tpu.memory_space<semaphore_mem>>) src(%dma_wait3A_72 : memref<48x128xi32, #tpu.memory_space<hbm>>) dst(%dma_wait3A_68 : memref<48x128xi32, #tpu.memory_space<vmem>>)
      tpu.yield
    }) : () -> ()
    %dma_wait3A = arith.constant 0 : i32
    %dma_wait3A_4 = tpu.memref_slice %arg11[%mul3A_0, %dma_wait3A] : memref<10112x128xf32, #tpu.memory_space<vmem_shared>> -> memref<632x128xf32, #tpu.memory_space<vmem_shared>>
    %dma_wait3A_5 = arith.constant 0 : i32
    %dma_wait3A_6 = tpu.memref_slice %arg5[%mul3A_0, %dma_wait3A_5] : memref<10112x128xf32, #tpu.memory_space<hbm>> -> memref<632x128xf32, #tpu.memory_space<hbm>>
    tpu.wait_dma2 semaphore(%arg14 : memref<!tpu.dma_semaphore, #tpu.memory_space<semaphore_mem>>) src(%dma_wait3A_6 : memref<632x128xf32, #tpu.memory_space<hbm>>) dst(%dma_wait3A_4 : memref<632x128xf32, #tpu.memory_space<vmem_shared>>)
    %barrier3A = arith.constant 0 : index
    tpu.barrier barrier_id(%barrier3A)
    %scan3A = arith.constant 0 : i32
    %scan3A_7 = arith.constant 24 : i32
    %scan3A_8 = arith.addi %scan3A, %scan3A_7 : i32
    %scan3A_9 = arith.constant 1 : i32
    scf.for %scan3A_45 = %scan3A to %scan3A_8 step %scan3A_9  : i32 {
      %mul3A_46 = arith.constant 2 : i32
      %mul3A_47 = arith.muli %scan3A_45, %mul3A_46 : i32
      %add3A = arith.constant 0 : i32
      %add3A_48 = arith.addi %add3A, %mul3A_47 : i32
      %gt3A = arith.constant 0 : i32
      %gt3A_49 = arith.cmpi sgt, %add3A_48, %gt3A : i32
      %convert_element_type3A = arith.extui %gt3A_49 : i1 to i32
      %cond3A = arith.constant 0 : i32
      %cond3A_50 = arith.cmpi ne, %convert_element_type3A, %cond3A : i32
      scf.if %cond3A_50 {
        %dma_wait3A_72 = arith.constant 0 : i32
        %dma_wait3A_73 = tpu.memref_slice %arg8[%add3A_48, %dma_wait3A_72] : memref<48x128xi32, #tpu.memory_space<vmem>> -> memref<1x128xi32, #tpu.memory_space<vmem>>
        %dma_wait3A_74 = tpu.memref_squeeze %dma_wait3A_73 : memref<1x128xi32, #tpu.memory_space<vmem>> -> memref<128xi32, #tpu.memory_space<vmem>>
        %dma_wait3A_75 = arith.constant 0 : i32
        %dma_wait3A_76 = arith.constant 0 : i32
        %dma_wait3A_77 = tpu.memref_slice %arg11[%dma_wait3A_75, %dma_wait3A_76] : memref<10112x128xf32, #tpu.memory_space<vmem_shared>> -> memref<10112x128xf32, #tpu.memory_space<vmem_shared>>
        tpu.wait_indirect_dma semaphore(%arg14 : memref<!tpu.dma_semaphore, #tpu.memory_space<semaphore_mem>>) src(%arg9 : memref<128x128xf32, #tpu.memory_space<vmem>>) dst(%dma_wait3A_77 : memref<10112x128xf32, #tpu.memory_space<vmem_shared>>)
      } else {
      }
      "tpu.region"() ({
        %run_scoped3A = tpu.sem_alloc : memref<!tpu.dma_semaphore, #tpu.memory_space<semaphore_mem>>
        %dma_start3A_72 = arith.constant 0 : i32
        %dma_start3A_73 = tpu.memref_slice %arg7[%add3A_48, %dma_start3A_72] : memref<48x128xi32, #tpu.memory_space<vmem>> -> memref<1x128xi32, #tpu.memory_space<vmem>>
        %dma_start3A_74 = tpu.memref_squeeze %dma_start3A_73 : memref<1x128xi32, #tpu.memory_space<vmem>> -> memref<128xi32, #tpu.memory_space<vmem>>
        %dma_start3A_75 = arith.constant 0 : i32
        %dma_start3A_76 = arith.constant 0 : i32
        %dma_start3A_77 = tpu.memref_slice %arg2[%dma_start3A_75, %dma_start3A_76] : memref<10112x128xf32, #tpu.memory_space<hbm>> -> memref<10112x128xf32, #tpu.memory_space<hbm>>
        tpu.enqueue_indirect_dma source(%dma_start3A_77 : memref<10112x128xf32, #tpu.memory_space<hbm>>) target(%arg9 : memref<128x128xf32, #tpu.memory_space<vmem>>) offsets(%dma_start3A_74 : memref<128xi32, #tpu.memory_space<vmem>>) semaphore(%run_scoped3A : memref<!tpu.dma_semaphore, #tpu.memory_space<semaphore_mem>>)
        %dma_wait3A_78 = arith.constant 0 : i32
        %dma_wait3A_79 = tpu.memref_slice %arg7[%add3A_48, %dma_wait3A_78] : memref<48x128xi32, #tpu.memory_space<vmem>> -> memref<1x128xi32, #tpu.memory_space<vmem>>
        %dma_wait3A_80 = tpu.memref_squeeze %dma_wait3A_79 : memref<1x128xi32, #tpu.memory_space<vmem>> -> memref<128xi32, #tpu.memory_space<vmem>>
        %dma_wait3A_81 = arith.constant 0 : i32
        %dma_wait3A_82 = arith.constant 0 : i32
        %dma_wait3A_83 = tpu.memref_slice %arg2[%dma_wait3A_81, %dma_wait3A_82] : memref<10112x128xf32, #tpu.memory_space<hbm>> -> memref<10112x128xf32, #tpu.memory_space<hbm>>
        tpu.wait_indirect_dma semaphore(%run_scoped3A : memref<!tpu.dma_semaphore, #tpu.memory_space<semaphore_mem>>) src(%dma_wait3A_83 : memref<10112x128xf32, #tpu.memory_space<hbm>>) dst(%arg9 : memref<128x128xf32, #tpu.memory_space<vmem>>)
        tpu.yield
      }) : () -> ()
      %dma_start3A_51 = arith.constant 0 : i32
      %dma_start3A_52 = tpu.memref_slice %arg8[%add3A_48, %dma_start3A_51] : memref<48x128xi32, #tpu.memory_space<vmem>> -> memref<1x128xi32, #tpu.memory_space<vmem>>
      %dma_start3A_53 = tpu.memref_squeeze %dma_start3A_52 : memref<1x128xi32, #tpu.memory_space<vmem>> -> memref<128xi32, #tpu.memory_space<vmem>>
      %dma_start3A_54 = arith.constant 0 : i32
      %dma_start3A_55 = arith.constant 0 : i32
      %dma_start3A_56 = tpu.memref_slice %arg11[%dma_start3A_54, %dma_start3A_55] : memref<10112x128xf32, #tpu.memory_space<vmem_shared>> -> memref<10112x128xf32, #tpu.memory_space<vmem_shared>>
      tpu.enqueue_indirect_dma source(%arg9 : memref<128x128xf32, #tpu.memory_space<vmem>>) target(%dma_start3A_56 : memref<10112x128xf32, #tpu.memory_space<vmem_shared>>) offsets(%dma_start3A_53 : memref<128xi32, #tpu.memory_space<vmem>>) semaphore(%arg14 : memref<!tpu.dma_semaphore, #tpu.memory_space<semaphore_mem>>) {add = true}
      %gt3A_57 = arith.constant 0 : i32
      %gt3A_58 = arith.cmpi sgt, %add3A_48, %gt3A_57 : i32
      %convert_element_type3A_59 = arith.extui %gt3A_58 : i1 to i32
      %cond3A_60 = arith.constant 0 : i32
      %cond3A_61 = arith.cmpi ne, %convert_element_type3A_59, %cond3A_60 : i32
      scf.if %cond3A_61 {
        %dma_wait3A_72 = arith.constant 0 : i32
        %dma_wait3A_73 = tpu.memref_slice %arg8[%add3A_48, %dma_wait3A_72] : memref<48x128xi32, #tpu.memory_space<vmem>> -> memref<1x128xi32, #tpu.memory_space<vmem>>
        %dma_wait3A_74 = tpu.memref_squeeze %dma_wait3A_73 : memref<1x128xi32, #tpu.memory_space<vmem>> -> memref<128xi32, #tpu.memory_space<vmem>>
        %dma_wait3A_75 = arith.constant 0 : i32
        %dma_wait3A_76 = arith.constant 0 : i32
        %dma_wait3A_77 = tpu.memref_slice %arg11[%dma_wait3A_75, %dma_wait3A_76] : memref<10112x128xf32, #tpu.memory_space<vmem_shared>> -> memref<10112x128xf32, #tpu.memory_space<vmem_shared>>
        tpu.wait_indirect_dma semaphore(%arg15 : memref<!tpu.dma_semaphore, #tpu.memory_space<semaphore_mem>>) src(%arg10 : memref<128x128xf32, #tpu.memory_space<vmem>>) dst(%dma_wait3A_77 : memref<10112x128xf32, #tpu.memory_space<vmem_shared>>)
      } else {
      }
      %add3A_62 = arith.constant 1 : i32
      %add3A_63 = arith.addi %add3A_48, %add3A_62 : i32
      "tpu.region"() ({
        %run_scoped3A = tpu.sem_alloc : memref<!tpu.dma_semaphore, #tpu.memory_space<semaphore_mem>>
        %dma_start3A_72 = arith.constant 0 : i32
        %dma_start3A_73 = tpu.memref_slice %arg7[%add3A_63, %dma_start3A_72] : memref<48x128xi32, #tpu.memory_space<vmem>> -> memref<1x128xi32, #tpu.memory_space<vmem>>
        %dma_start3A_74 = tpu.memref_squeeze %dma_start3A_73 : memref<1x128xi32, #tpu.memory_space<vmem>> -> memref<128xi32, #tpu.memory_space<vmem>>
        %dma_start3A_75 = arith.constant 0 : i32
        %dma_start3A_76 = arith.constant 0 : i32
        %dma_start3A_77 = tpu.memref_slice %arg2[%dma_start3A_75, %dma_start3A_76] : memref<10112x128xf32, #tpu.memory_space<hbm>> -> memref<10112x128xf32, #tpu.memory_space<hbm>>
        tpu.enqueue_indirect_dma source(%dma_start3A_77 : memref<10112x128xf32, #tpu.memory_space<hbm>>) target(%arg10 : memref<128x128xf32, #tpu.memory_space<vmem>>) offsets(%dma_start3A_74 : memref<128xi32, #tpu.memory_space<vmem>>) semaphore(%run_scoped3A : memref<!tpu.dma_semaphore, #tpu.memory_space<semaphore_mem>>)
        %dma_wait3A_78 = arith.constant 0 : i32
        %dma_wait3A_79 = tpu.memref_slice %arg7[%add3A_63, %dma_wait3A_78] : memref<48x128xi32, #tpu.memory_space<vmem>> -> memref<1x128xi32, #tpu.memory_space<vmem>>
        %dma_wait3A_80 = tpu.memref_squeeze %dma_wait3A_79 : memref<1x128xi32, #tpu.memory_space<vmem>> -> memref<128xi32, #tpu.memory_space<vmem>>
        %dma_wait3A_81 = arith.constant 0 : i32
        %dma_wait3A_82 = arith.constant 0 : i32
        %dma_wait3A_83 = tpu.memref_slice %arg2[%dma_wait3A_81, %dma_wait3A_82] : memref<10112x128xf32, #tpu.memory_space<hbm>> -> memref<10112x128xf32, #tpu.memory_space<hbm>>
        tpu.wait_indirect_dma semaphore(%run_scoped3A : memref<!tpu.dma_semaphore, #tpu.memory_space<semaphore_mem>>) src(%dma_wait3A_83 : memref<10112x128xf32, #tpu.memory_space<hbm>>) dst(%arg10 : memref<128x128xf32, #tpu.memory_space<vmem>>)
        tpu.yield
      }) : () -> ()
      %add3A_64 = arith.constant 1 : i32
      %add3A_65 = arith.addi %add3A_48, %add3A_64 : i32
      %dma_start3A_66 = arith.constant 0 : i32
      %dma_start3A_67 = tpu.memref_slice %arg8[%add3A_65, %dma_start3A_66] : memref<48x128xi32, #tpu.memory_space<vmem>> -> memref<1x128xi32, #tpu.memory_space<vmem>>
      %dma_start3A_68 = tpu.memref_squeeze %dma_start3A_67 : memref<1x128xi32, #tpu.memory_space<vmem>> -> memref<128xi32, #tpu.memory_space<vmem>>
      %dma_start3A_69 = arith.constant 0 : i32
      %dma_start3A_70 = arith.constant 0 : i32
      %dma_start3A_71 = tpu.memref_slice %arg11[%dma_start3A_69, %dma_start3A_70] : memref<10112x128xf32, #tpu.memory_space<vmem_shared>> -> memref<10112x128xf32, #tpu.memory_space<vmem_shared>>
      tpu.enqueue_indirect_dma source(%arg10 : memref<128x128xf32, #tpu.memory_space<vmem>>) target(%dma_start3A_71 : memref<10112x128xf32, #tpu.memory_space<vmem_shared>>) offsets(%dma_start3A_68 : memref<128xi32, #tpu.memory_space<vmem>>) semaphore(%arg15 : memref<!tpu.dma_semaphore, #tpu.memory_space<semaphore_mem>>) {add = true}
    }
    %scan3A_10 = arith.constant 24 : i32
    %dma_wait3A_11 = arith.constant 0 : i32
    %dma_wait3A_12 = arith.constant 0 : i32
    %dma_wait3A_13 = tpu.memref_slice %arg8[%dma_wait3A_11, %dma_wait3A_12] : memref<48x128xi32, #tpu.memory_space<vmem>> -> memref<1x128xi32, #tpu.memory_space<vmem>>
    %dma_wait3A_14 = tpu.memref_squeeze %dma_wait3A_13 : memref<1x128xi32, #tpu.memory_space<vmem>> -> memref<128xi32, #tpu.memory_space<vmem>>
    %dma_wait3A_15 = arith.constant 0 : i32
    %dma_wait3A_16 = arith.constant 0 : i32
    %dma_wait3A_17 = tpu.memref_slice %arg11[%dma_wait3A_15, %dma_wait3A_16] : memref<10112x128xf32, #tpu.memory_space<vmem_shared>> -> memref<10112x128xf32, #tpu.memory_space<vmem_shared>>
    tpu.wait_indirect_dma semaphore(%arg14 : memref<!tpu.dma_semaphore, #tpu.memory_space<semaphore_mem>>) src(%arg9 : memref<128x128xf32, #tpu.memory_space<vmem>>) dst(%dma_wait3A_17 : memref<10112x128xf32, #tpu.memory_space<vmem_shared>>)
    %dma_wait3A_18 = arith.constant 1 : i32
    %dma_wait3A_19 = arith.constant 0 : i32
    %dma_wait3A_20 = tpu.memref_slice %arg8[%dma_wait3A_18, %dma_wait3A_19] : memref<48x128xi32, #tpu.memory_space<vmem>> -> memref<1x128xi32, #tpu.memory_space<vmem>>
    %dma_wait3A_21 = tpu.memref_squeeze %dma_wait3A_20 : memref<1x128xi32, #tpu.memory_space<vmem>> -> memref<128xi32, #tpu.memory_space<vmem>>
    %dma_wait3A_22 = arith.constant 0 : i32
    %dma_wait3A_23 = arith.constant 0 : i32
    %dma_wait3A_24 = tpu.memref_slice %arg11[%dma_wait3A_22, %dma_wait3A_23] : memref<10112x128xf32, #tpu.memory_space<vmem_shared>> -> memref<10112x128xf32, #tpu.memory_space<vmem_shared>>
    tpu.wait_indirect_dma semaphore(%arg15 : memref<!tpu.dma_semaphore, #tpu.memory_space<semaphore_mem>>) src(%arg10 : memref<128x128xf32, #tpu.memory_space<vmem>>) dst(%dma_wait3A_24 : memref<10112x128xf32, #tpu.memory_space<vmem_shared>>)
    "tpu.region"() ({
      %run_scoped3A = tpu.sem_alloc : memref<!tpu.dma_semaphore, #tpu.memory_space<semaphore_mem>>
      %dma_start3A_45 = arith.constant 0 : i32
      %dma_start3A_46 = arith.constant 0 : i32
      %dma_start3A_47 = tpu.memref_slice %arg7[%dma_start3A_45, %dma_start3A_46] : memref<48x128xi32, #tpu.memory_space<vmem>> -> memref<34x128xi32, #tpu.memory_space<vmem>>
      %dma_start3A_48 = arith.constant 48 : i32
      %dma_start3A_49 = arith.constant 0 : i32
      %dma_start3A_50 = tpu.memref_slice %arg3[%arg0, %arg1, %dma_start3A_48, %dma_start3A_49] : memref<2x16x82x128xi32, #tpu.memory_space<hbm>> -> memref<1x1x34x128xi32, #tpu.memory_space<hbm>>
      %dma_start3A_51 = tpu.memref_squeeze %dma_start3A_50 : memref<1x1x34x128xi32, #tpu.memory_space<hbm>> -> memref<34x128xi32, #tpu.memory_space<hbm>>
      %dma_start3A_52 = arith.constant 0 : i32
      %dma_start3A_53 = arith.constant 0 : i32
      %dma_start3A_54 = tpu.memref_slice %arg7[%dma_start3A_52, %dma_start3A_53] : memref<48x128xi32, #tpu.memory_space<vmem>> -> memref<34x128xi32, #tpu.memory_space<vmem>>
      %dma_start3A_55 = arith.constant 48 : i32
      %dma_start3A_56 = arith.constant 0 : i32
      %dma_start3A_57 = tpu.memref_slice %arg3[%arg0, %arg1, %dma_start3A_55, %dma_start3A_56] : memref<2x16x82x128xi32, #tpu.memory_space<hbm>> -> memref<1x1x34x128xi32, #tpu.memory_space<hbm>>
      %dma_start3A_58 = tpu.memref_squeeze %dma_start3A_57 : memref<1x1x34x128xi32, #tpu.memory_space<hbm>> -> memref<34x128xi32, #tpu.memory_space<hbm>>
      tpu.enqueue_dma source(%dma_start3A_58 : memref<34x128xi32, #tpu.memory_space<hbm>>) target(%dma_start3A_54 : memref<34x128xi32, #tpu.memory_space<vmem>>) target_semaphore(%run_scoped3A : memref<!tpu.dma_semaphore, #tpu.memory_space<semaphore_mem>>)
      %dma_wait3A_59 = arith.constant 0 : i32
      %dma_wait3A_60 = arith.constant 0 : i32
      %dma_wait3A_61 = tpu.memref_slice %arg7[%dma_wait3A_59, %dma_wait3A_60] : memref<48x128xi32, #tpu.memory_space<vmem>> -> memref<34x128xi32, #tpu.memory_space<vmem>>
      %dma_wait3A_62 = arith.constant 48 : i32
      %dma_wait3A_63 = arith.constant 0 : i32
      %dma_wait3A_64 = tpu.memref_slice %arg3[%arg0, %arg1, %dma_wait3A_62, %dma_wait3A_63] : memref<2x16x82x128xi32, #tpu.memory_space<hbm>> -> memref<1x1x34x128xi32, #tpu.memory_space<hbm>>
      %dma_wait3A_65 = tpu.memref_squeeze %dma_wait3A_64 : memref<1x1x34x128xi32, #tpu.memory_space<hbm>> -> memref<34x128xi32, #tpu.memory_space<hbm>>
      %dma_wait3A_66 = arith.constant 0 : i32
      %dma_wait3A_67 = arith.constant 0 : i32
      %dma_wait3A_68 = tpu.memref_slice %arg7[%dma_wait3A_66, %dma_wait3A_67] : memref<48x128xi32, #tpu.memory_space<vmem>> -> memref<34x128xi32, #tpu.memory_space<vmem>>
      %dma_wait3A_69 = arith.constant 48 : i32
      %dma_wait3A_70 = arith.constant 0 : i32
      %dma_wait3A_71 = tpu.memref_slice %arg3[%arg0, %arg1, %dma_wait3A_69, %dma_wait3A_70] : memref<2x16x82x128xi32, #tpu.memory_space<hbm>> -> memref<1x1x34x128xi32, #tpu.memory_space<hbm>>
      %dma_wait3A_72 = tpu.memref_squeeze %dma_wait3A_71 : memref<1x1x34x128xi32, #tpu.memory_space<hbm>> -> memref<34x128xi32, #tpu.memory_space<hbm>>
      tpu.wait_dma2 semaphore(%run_scoped3A : memref<!tpu.dma_semaphore, #tpu.memory_space<semaphore_mem>>) src(%dma_wait3A_72 : memref<34x128xi32, #tpu.memory_space<hbm>>) dst(%dma_wait3A_68 : memref<34x128xi32, #tpu.memory_space<vmem>>)
      tpu.yield
    }) : () -> ()
    "tpu.region"() ({
      %run_scoped3A = tpu.sem_alloc : memref<!tpu.dma_semaphore, #tpu.memory_space<semaphore_mem>>
      %dma_start3A_45 = arith.constant 0 : i32
      %dma_start3A_46 = arith.constant 0 : i32
      %dma_start3A_47 = tpu.memref_slice %arg8[%dma_start3A_45, %dma_start3A_46] : memref<48x128xi32, #tpu.memory_space<vmem>> -> memref<34x128xi32, #tpu.memory_space<vmem>>
      %dma_start3A_48 = arith.constant 48 : i32
      %dma_start3A_49 = arith.constant 0 : i32
      %dma_start3A_50 = tpu.memref_slice %arg4[%arg0, %arg1, %dma_start3A_48, %dma_start3A_49] : memref<2x16x82x128xi32, #tpu.memory_space<hbm>> -> memref<1x1x34x128xi32, #tpu.memory_space<hbm>>
      %dma_start3A_51 = tpu.memref_squeeze %dma_start3A_50 : memref<1x1x34x128xi32, #tpu.memory_space<hbm>> -> memref<34x128xi32, #tpu.memory_space<hbm>>
      %dma_start3A_52 = arith.constant 0 : i32
      %dma_start3A_53 = arith.constant 0 : i32
      %dma_start3A_54 = tpu.memref_slice %arg8[%dma_start3A_52, %dma_start3A_53] : memref<48x128xi32, #tpu.memory_space<vmem>> -> memref<34x128xi32, #tpu.memory_space<vmem>>
      %dma_start3A_55 = arith.constant 48 : i32
      %dma_start3A_56 = arith.constant 0 : i32
      %dma_start3A_57 = tpu.memref_slice %arg4[%arg0, %arg1, %dma_start3A_55, %dma_start3A_56] : memref<2x16x82x128xi32, #tpu.memory_space<hbm>> -> memref<1x1x34x128xi32, #tpu.memory_space<hbm>>
      %dma_start3A_58 = tpu.memref_squeeze %dma_start3A_57 : memref<1x1x34x128xi32, #tpu.memory_space<hbm>> -> memref<34x128xi32, #tpu.memory_space<hbm>>
      tpu.enqueue_dma source(%dma_start3A_58 : memref<34x128xi32, #tpu.memory_space<hbm>>) target(%dma_start3A_54 : memref<34x128xi32, #tpu.memory_space<vmem>>) target_semaphore(%run_scoped3A : memref<!tpu.dma_semaphore, #tpu.memory_space<semaphore_mem>>)
      %dma_wait3A_59 = arith.constant 0 : i32
      %dma_wait3A_60 = arith.constant 0 : i32
      %dma_wait3A_61 = tpu.memref_slice %arg8[%dma_wait3A_59, %dma_wait3A_60] : memref<48x128xi32, #tpu.memory_space<vmem>> -> memref<34x128xi32, #tpu.memory_space<vmem>>
      %dma_wait3A_62 = arith.constant 48 : i32
      %dma_wait3A_63 = arith.constant 0 : i32
      %dma_wait3A_64 = tpu.memref_slice %arg4[%arg0, %arg1, %dma_wait3A_62, %dma_wait3A_63] : memref<2x16x82x128xi32, #tpu.memory_space<hbm>> -> memref<1x1x34x128xi32, #tpu.memory_space<hbm>>
      %dma_wait3A_65 = tpu.memref_squeeze %dma_wait3A_64 : memref<1x1x34x128xi32, #tpu.memory_space<hbm>> -> memref<34x128xi32, #tpu.memory_space<hbm>>
      %dma_wait3A_66 = arith.constant 0 : i32
      %dma_wait3A_67 = arith.constant 0 : i32
      %dma_wait3A_68 = tpu.memref_slice %arg8[%dma_wait3A_66, %dma_wait3A_67] : memref<48x128xi32, #tpu.memory_space<vmem>> -> memref<34x128xi32, #tpu.memory_space<vmem>>
      %dma_wait3A_69 = arith.constant 48 : i32
      %dma_wait3A_70 = arith.constant 0 : i32
      %dma_wait3A_71 = tpu.memref_slice %arg4[%arg0, %arg1, %dma_wait3A_69, %dma_wait3A_70] : memref<2x16x82x128xi32, #tpu.memory_space<hbm>> -> memref<1x1x34x128xi32, #tpu.memory_space<hbm>>
      %dma_wait3A_72 = tpu.memref_squeeze %dma_wait3A_71 : memref<1x1x34x128xi32, #tpu.memory_space<hbm>> -> memref<34x128xi32, #tpu.memory_space<hbm>>
      tpu.wait_dma2 semaphore(%run_scoped3A : memref<!tpu.dma_semaphore, #tpu.memory_space<semaphore_mem>>) src(%dma_wait3A_72 : memref<34x128xi32, #tpu.memory_space<hbm>>) dst(%dma_wait3A_68 : memref<34x128xi32, #tpu.memory_space<vmem>>)
      tpu.yield
    }) : () -> ()
    %scan3A_25 = arith.constant 0 : i32
    %scan3A_26 = arith.constant 17 : i32
    %scan3A_27 = arith.addi %scan3A_25, %scan3A_26 : i32
    %scan3A_28 = arith.constant 1 : i32
    scf.for %scan3A_45 = %scan3A_25 to %scan3A_27 step %scan3A_28  : i32 {
      %mul3A_46 = arith.constant 2 : i32
      %mul3A_47 = arith.muli %scan3A_45, %mul3A_46 : i32
      %add3A = arith.constant 0 : i32
      %add3A_48 = arith.addi %add3A, %mul3A_47 : i32
      %gt3A = arith.constant 0 : i32
      %gt3A_49 = arith.cmpi sgt, %add3A_48, %gt3A : i32
      %convert_element_type3A = arith.extui %gt3A_49 : i1 to i32
      %cond3A = arith.constant 0 : i32
      %cond3A_50 = arith.cmpi ne, %convert_element_type3A, %cond3A : i32
      scf.if %cond3A_50 {
        %dma_wait3A_72 = arith.constant 0 : i32
        %dma_wait3A_73 = tpu.memref_slice %arg8[%add3A_48, %dma_wait3A_72] : memref<48x128xi32, #tpu.memory_space<vmem>> -> memref<1x128xi32, #tpu.memory_space<vmem>>
        %dma_wait3A_74 = tpu.memref_squeeze %dma_wait3A_73 : memref<1x128xi32, #tpu.memory_space<vmem>> -> memref<128xi32, #tpu.memory_space<vmem>>
        %dma_wait3A_75 = arith.constant 0 : i32
        %dma_wait3A_76 = arith.constant 0 : i32
        %dma_wait3A_77 = tpu.memref_slice %arg11[%dma_wait3A_75, %dma_wait3A_76] : memref<10112x128xf32, #tpu.memory_space<vmem_shared>> -> memref<10112x128xf32, #tpu.memory_space<vmem_shared>>
        tpu.wait_indirect_dma semaphore(%arg14 : memref<!tpu.dma_semaphore, #tpu.memory_space<semaphore_mem>>) src(%arg9 : memref<128x128xf32, #tpu.memory_space<vmem>>) dst(%dma_wait3A_77 : memref<10112x128xf32, #tpu.memory_space<vmem_shared>>)
      } else {
      }
      "tpu.region"() ({
        %run_scoped3A = tpu.sem_alloc : memref<!tpu.dma_semaphore, #tpu.memory_space<semaphore_mem>>
        %dma_start3A_72 = arith.constant 0 : i32
        %dma_start3A_73 = tpu.memref_slice %arg7[%add3A_48, %dma_start3A_72] : memref<48x128xi32, #tpu.memory_space<vmem>> -> memref<1x128xi32, #tpu.memory_space<vmem>>
        %dma_start3A_74 = tpu.memref_squeeze %dma_start3A_73 : memref<1x128xi32, #tpu.memory_space<vmem>> -> memref<128xi32, #tpu.memory_space<vmem>>
        %dma_start3A_75 = arith.constant 0 : i32
        %dma_start3A_76 = arith.constant 0 : i32
        %dma_start3A_77 = tpu.memref_slice %arg2[%dma_start3A_75, %dma_start3A_76] : memref<10112x128xf32, #tpu.memory_space<hbm>> -> memref<10112x128xf32, #tpu.memory_space<hbm>>
        tpu.enqueue_indirect_dma source(%dma_start3A_77 : memref<10112x128xf32, #tpu.memory_space<hbm>>) target(%arg9 : memref<128x128xf32, #tpu.memory_space<vmem>>) offsets(%dma_start3A_74 : memref<128xi32, #tpu.memory_space<vmem>>) semaphore(%run_scoped3A : memref<!tpu.dma_semaphore, #tpu.memory_space<semaphore_mem>>)
        %dma_wait3A_78 = arith.constant 0 : i32
        %dma_wait3A_79 = tpu.memref_slice %arg7[%add3A_48, %dma_wait3A_78] : memref<48x128xi32, #tpu.memory_space<vmem>> -> memref<1x128xi32, #tpu.memory_space<vmem>>
        %dma_wait3A_80 = tpu.memref_squeeze %dma_wait3A_79 : memref<1x128xi32, #tpu.memory_space<vmem>> -> memref<128xi32, #tpu.memory_space<vmem>>
        %dma_wait3A_81 = arith.constant 0 : i32
        %dma_wait3A_82 = arith.constant 0 : i32
        %dma_wait3A_83 = tpu.memref_slice %arg2[%dma_wait3A_81, %dma_wait3A_82] : memref<10112x128xf32, #tpu.memory_space<hbm>> -> memref<10112x128xf32, #tpu.memory_space<hbm>>
        tpu.wait_indirect_dma semaphore(%run_scoped3A : memref<!tpu.dma_semaphore, #tpu.memory_space<semaphore_mem>>) src(%dma_wait3A_83 : memref<10112x128xf32, #tpu.memory_space<hbm>>) dst(%arg9 : memref<128x128xf32, #tpu.memory_space<vmem>>)
        tpu.yield
      }) : () -> ()
      %dma_start3A_51 = arith.constant 0 : i32
      %dma_start3A_52 = tpu.memref_slice %arg8[%add3A_48, %dma_start3A_51] : memref<48x128xi32, #tpu.memory_space<vmem>> -> memref<1x128xi32, #tpu.memory_space<vmem>>
      %dma_start3A_53 = tpu.memref_squeeze %dma_start3A_52 : memref<1x128xi32, #tpu.memory_space<vmem>> -> memref<128xi32, #tpu.memory_space<vmem>>
      %dma_start3A_54 = arith.constant 0 : i32
      %dma_start3A_55 = arith.constant 0 : i32
      %dma_start3A_56 = tpu.memref_slice %arg11[%dma_start3A_54, %dma_start3A_55] : memref<10112x128xf32, #tpu.memory_space<vmem_shared>> -> memref<10112x128xf32, #tpu.memory_space<vmem_shared>>
      tpu.enqueue_indirect_dma source(%arg9 : memref<128x128xf32, #tpu.memory_space<vmem>>) target(%dma_start3A_56 : memref<10112x128xf32, #tpu.memory_space<vmem_shared>>) offsets(%dma_start3A_53 : memref<128xi32, #tpu.memory_space<vmem>>) semaphore(%arg14 : memref<!tpu.dma_semaphore, #tpu.memory_space<semaphore_mem>>) {add = true}
      %gt3A_57 = arith.constant 0 : i32
      %gt3A_58 = arith.cmpi sgt, %add3A_48, %gt3A_57 : i32
      %convert_element_type3A_59 = arith.extui %gt3A_58 : i1 to i32
      %cond3A_60 = arith.constant 0 : i32
      %cond3A_61 = arith.cmpi ne, %convert_element_type3A_59, %cond3A_60 : i32
      scf.if %cond3A_61 {
        %dma_wait3A_72 = arith.constant 0 : i32
        %dma_wait3A_73 = tpu.memref_slice %arg8[%add3A_48, %dma_wait3A_72] : memref<48x128xi32, #tpu.memory_space<vmem>> -> memref<1x128xi32, #tpu.memory_space<vmem>>
        %dma_wait3A_74 = tpu.memref_squeeze %dma_wait3A_73 : memref<1x128xi32, #tpu.memory_space<vmem>> -> memref<128xi32, #tpu.memory_space<vmem>>
        %dma_wait3A_75 = arith.constant 0 : i32
        %dma_wait3A_76 = arith.constant 0 : i32
        %dma_wait3A_77 = tpu.memref_slice %arg11[%dma_wait3A_75, %dma_wait3A_76] : memref<10112x128xf32, #tpu.memory_space<vmem_shared>> -> memref<10112x128xf32, #tpu.memory_space<vmem_shared>>
        tpu.wait_indirect_dma semaphore(%arg15 : memref<!tpu.dma_semaphore, #tpu.memory_space<semaphore_mem>>) src(%arg10 : memref<128x128xf32, #tpu.memory_space<vmem>>) dst(%dma_wait3A_77 : memref<10112x128xf32, #tpu.memory_space<vmem_shared>>)
      } else {
      }
      %add3A_62 = arith.constant 1 : i32
      %add3A_63 = arith.addi %add3A_48, %add3A_62 : i32
      "tpu.region"() ({
        %run_scoped3A = tpu.sem_alloc : memref<!tpu.dma_semaphore, #tpu.memory_space<semaphore_mem>>
        %dma_start3A_72 = arith.constant 0 : i32
        %dma_start3A_73 = tpu.memref_slice %arg7[%add3A_63, %dma_start3A_72] : memref<48x128xi32, #tpu.memory_space<vmem>> -> memref<1x128xi32, #tpu.memory_space<vmem>>
        %dma_start3A_74 = tpu.memref_squeeze %dma_start3A_73 : memref<1x128xi32, #tpu.memory_space<vmem>> -> memref<128xi32, #tpu.memory_space<vmem>>
        %dma_start3A_75 = arith.constant 0 : i32
        %dma_start3A_76 = arith.constant 0 : i32
        %dma_start3A_77 = tpu.memref_slice %arg2[%dma_start3A_75, %dma_start3A_76] : memref<10112x128xf32, #tpu.memory_space<hbm>> -> memref<10112x128xf32, #tpu.memory_space<hbm>>
        tpu.enqueue_indirect_dma source(%dma_start3A_77 : memref<10112x128xf32, #tpu.memory_space<hbm>>) target(%arg10 : memref<128x128xf32, #tpu.memory_space<vmem>>) offsets(%dma_start3A_74 : memref<128xi32, #tpu.memory_space<vmem>>) semaphore(%run_scoped3A : memref<!tpu.dma_semaphore, #tpu.memory_space<semaphore_mem>>)
        %dma_wait3A_78 = arith.constant 0 : i32
        %dma_wait3A_79 = tpu.memref_slice %arg7[%add3A_63, %dma_wait3A_78] : memref<48x128xi32, #tpu.memory_space<vmem>> -> memref<1x128xi32, #tpu.memory_space<vmem>>
        %dma_wait3A_80 = tpu.memref_squeeze %dma_wait3A_79 : memref<1x128xi32, #tpu.memory_space<vmem>> -> memref<128xi32, #tpu.memory_space<vmem>>
        %dma_wait3A_81 = arith.constant 0 : i32
        %dma_wait3A_82 = arith.constant 0 : i32
        %dma_wait3A_83 = tpu.memref_slice %arg2[%dma_wait3A_81, %dma_wait3A_82] : memref<10112x128xf32, #tpu.memory_space<hbm>> -> memref<10112x128xf32, #tpu.memory_space<hbm>>
        tpu.wait_indirect_dma semaphore(%run_scoped3A : memref<!tpu.dma_semaphore, #tpu.memory_space<semaphore_mem>>) src(%dma_wait3A_83 : memref<10112x128xf32, #tpu.memory_space<hbm>>) dst(%arg10 : memref<128x128xf32, #tpu.memory_space<vmem>>)
        tpu.yield
      }) : () -> ()
      %add3A_64 = arith.constant 1 : i32
      %add3A_65 = arith.addi %add3A_48, %add3A_64 : i32
      %dma_start3A_66 = arith.constant 0 : i32
      %dma_start3A_67 = tpu.memref_slice %arg8[%add3A_65, %dma_start3A_66] : memref<48x128xi32, #tpu.memory_space<vmem>> -> memref<1x128xi32, #tpu.memory_space<vmem>>
      %dma_start3A_68 = tpu.memref_squeeze %dma_start3A_67 : memref<1x128xi32, #tpu.memory_space<vmem>> -> memref<128xi32, #tpu.memory_space<vmem>>
      %dma_start3A_69 = arith.constant 0 : i32
      %dma_start3A_70 = arith.constant 0 : i32
      %dma_start3A_71 = tpu.memref_slice %arg11[%dma_start3A_69, %dma_start3A_70] : memref<10112x128xf32, #tpu.memory_space<vmem_shared>> -> memref<10112x128xf32, #tpu.memory_space<vmem_shared>>
      tpu.enqueue_indirect_dma source(%arg10 : memref<128x128xf32, #tpu.memory_space<vmem>>) target(%dma_start3A_71 : memref<10112x128xf32, #tpu.memory_space<vmem_shared>>) offsets(%dma_start3A_68 : memref<128xi32, #tpu.memory_space<vmem>>) semaphore(%arg15 : memref<!tpu.dma_semaphore, #tpu.memory_space<semaphore_mem>>) {add = true}
    }
    %scan3A_29 = arith.constant 17 : i32
    %dma_wait3A_30 = arith.constant 0 : i32
    %dma_wait3A_31 = arith.constant 0 : i32
    %dma_wait3A_32 = tpu.memref_slice %arg8[%dma_wait3A_30, %dma_wait3A_31] : memref<48x128xi32, #tpu.memory_space<vmem>> -> memref<1x128xi32, #tpu.memory_space<vmem>>
    %dma_wait3A_33 = tpu.memref_squeeze %dma_wait3A_32 : memref<1x128xi32, #tpu.memory_space<vmem>> -> memref<128xi32, #tpu.memory_space<vmem>>
    %dma_wait3A_34 = arith.constant 0 : i32
    %dma_wait3A_35 = arith.constant 0 : i32
    %dma_wait3A_36 = tpu.memref_slice %arg11[%dma_wait3A_34, %dma_wait3A_35] : memref<10112x128xf32, #tpu.memory_space<vmem_shared>> -> memref<10112x128xf32, #tpu.memory_space<vmem_shared>>
    tpu.wait_indirect_dma semaphore(%arg14 : memref<!tpu.dma_semaphore, #tpu.memory_space<semaphore_mem>>) src(%arg9 : memref<128x128xf32, #tpu.memory_space<vmem>>) dst(%dma_wait3A_36 : memref<10112x128xf32, #tpu.memory_space<vmem_shared>>)
    %dma_wait3A_37 = arith.constant 1 : i32
    %dma_wait3A_38 = arith.constant 0 : i32
    %dma_wait3A_39 = tpu.memref_slice %arg8[%dma_wait3A_37, %dma_wait3A_38] : memref<48x128xi32, #tpu.memory_space<vmem>> -> memref<1x128xi32, #tpu.memory_space<vmem>>
    %dma_wait3A_40 = tpu.memref_squeeze %dma_wait3A_39 : memref<1x128xi32, #tpu.memory_space<vmem>> -> memref<128xi32, #tpu.memory_space<vmem>>
    %dma_wait3A_41 = arith.constant 0 : i32
    %dma_wait3A_42 = arith.constant 0 : i32
    %dma_wait3A_43 = tpu.memref_slice %arg11[%dma_wait3A_41, %dma_wait3A_42] : memref<10112x128xf32, #tpu.memory_space<vmem_shared>> -> memref<10112x128xf32, #tpu.memory_space<vmem_shared>>
    tpu.wait_indirect_dma semaphore(%arg15 : memref<!tpu.dma_semaphore, #tpu.memory_space<semaphore_mem>>) src(%arg10 : memref<128x128xf32, #tpu.memory_space<vmem>>) dst(%dma_wait3A_43 : memref<10112x128xf32, #tpu.memory_space<vmem_shared>>)
    %barrier3A_44 = arith.constant 0 : index
    tpu.barrier barrier_id(%barrier3A_44)
    "tpu.region"() ({
      %run_scoped3A = tpu.sem_alloc : memref<!tpu.dma_semaphore, #tpu.memory_space<semaphore_mem>>
      %dma_start3A_45 = arith.constant 0 : i32
      %dma_start3A_46 = tpu.memref_slice %arg6[%arg0, %mul3A_0, %dma_start3A_45] : memref<2x10112x128xf32, #tpu.memory_space<hbm>> -> memref<1x632x128xf32, #tpu.memory_space<hbm>>
      %dma_start3A_47 = tpu.memref_squeeze %dma_start3A_46 : memref<1x632x128xf32, #tpu.memory_space<hbm>> -> memref<632x128xf32, #tpu.memory_space<hbm>>
      %dma_start3A_48 = arith.constant 0 : i32
      %dma_start3A_49 = tpu.memref_slice %arg11[%mul3A_0, %dma_start3A_48] : memref<10112x128xf32, #tpu.memory_space<vmem_shared>> -> memref<632x128xf32, #tpu.memory_space<vmem_shared>>
      tpu.enqueue_dma source(%dma_start3A_49 : memref<632x128xf32, #tpu.memory_space<vmem_shared>>) target(%dma_start3A_47 : memref<632x128xf32, #tpu.memory_space<hbm>>) target_semaphore(%run_scoped3A : memref<!tpu.dma_semaphore, #tpu.memory_space<semaphore_mem>>)
      %dma_wait3A_50 = arith.constant 0 : i32
      %dma_wait3A_51 = tpu.memref_slice %arg6[%arg0, %mul3A_0, %dma_wait3A_50] : memref<2x10112x128xf32, #tpu.memory_space<hbm>> -> memref<1x632x128xf32, #tpu.memory_space<hbm>>
      %dma_wait3A_52 = tpu.memref_squeeze %dma_wait3A_51 : memref<1x632x128xf32, #tpu.memory_space<hbm>> -> memref<632x128xf32, #tpu.memory_space<hbm>>
      %dma_wait3A_53 = arith.constant 0 : i32
      %dma_wait3A_54 = tpu.memref_slice %arg11[%mul3A_0, %dma_wait3A_53] : memref<10112x128xf32, #tpu.memory_space<vmem_shared>> -> memref<632x128xf32, #tpu.memory_space<vmem_shared>>
      tpu.wait_dma2 semaphore(%run_scoped3A : memref<!tpu.dma_semaphore, #tpu.memory_space<semaphore_mem>>) src(%dma_wait3A_54 : memref<632x128xf32, #tpu.memory_space<vmem_shared>>) dst(%dma_wait3A_52 : memref<632x128xf32, #tpu.memory_space<hbm>>)
      tpu.yield
    }) : () -> ()
    return
  }
}

#map = affine_map<(d0, d1) -> (0, 0)>
#map1 = affine_map<(d0, d1) -> (0, 0, 0, 0)>
#map2 = affine_map<(d0, d1) -> (0, 0, 0)>
module attributes {stable_mosaic.version = 14 : i64} {
  func.func @_msg_kernel(%arg0: i32, %arg1: i32, %arg2: memref<10112x128xf32, #tpu.memory_space<hbm>>, %arg3: memref<2x16x82x128xi32, #tpu.memory_space<hbm>>, %arg4: memref<2x16x82x128xi32, #tpu.memory_space<hbm>>, %arg5: memref<10112x128xf32, #tpu.memory_space<hbm>>, %arg6: memref<2x10112x128xf32, #tpu.memory_space<hbm>>, %arg7: memref<48x128xi32, #tpu.memory_space<vmem>>, %arg8: memref<48x128xi32, #tpu.memory_space<vmem>>, %arg9: memref<128x128xf32, #tpu.memory_space<vmem>>, %arg10: memref<128x128xf32, #tpu.memory_space<vmem>>, %arg11: memref<10112x128xf32, #tpu.memory_space<vmem_shared>>, %arg12: memref<!tpu.dma_semaphore, #tpu.memory_space<semaphore_mem>>, %arg13: memref<!tpu.dma_semaphore, #tpu.memory_space<semaphore_mem>>, %arg14: memref<!tpu.dma_semaphore, #tpu.memory_space<semaphore_mem>>, %arg15: memref<!tpu.dma_semaphore, #tpu.memory_space<semaphore_mem>>) attributes {dimension_semantics = [#tpu.dimension_semantics<core_parallel>, #tpu.dimension_semantics<subcore_parallel>], iteration_bounds = array<i64: 2, 16>, scalar_prefetch = 0 : i64, scratch_operands = 9 : i64, tpu.core_type = #tpu.core_type<sc_vector_subcore>, window_params = [{transform_indices = #map}, {transform_indices = #map1}, {transform_indices = #map1}, {transform_indices = #map}, {transform_indices = #map2}]} {
    %mul3A = arith.constant 632 : i32
    %mul3A_0 = arith.muli %arg1, %mul3A : i32
    %dma_start3A = arith.constant 0 : i32
    %dma_start3A_1 = tpu.memref_slice %arg11[%mul3A_0, %dma_start3A] : memref<10112x128xf32, #tpu.memory_space<vmem_shared>> -> memref<632x128xf32, #tpu.memory_space<vmem_shared>>
    %dma_start3A_2 = arith.constant 0 : i32
    %dma_start3A_3 = tpu.memref_slice %arg5[%mul3A_0, %dma_start3A_2] : memref<10112x128xf32, #tpu.memory_space<hbm>> -> memref<632x128xf32, #tpu.memory_space<hbm>>
    tpu.enqueue_dma source(%dma_start3A_3 : memref<632x128xf32, #tpu.memory_space<hbm>>) target(%dma_start3A_1 : memref<632x128xf32, #tpu.memory_space<vmem_shared>>) target_semaphore(%arg14 : memref<!tpu.dma_semaphore, #tpu.memory_space<semaphore_mem>>)
    "tpu.region"() ({
      %run_scoped3A = tpu.sem_alloc : memref<!tpu.dma_semaphore, #tpu.memory_space<semaphore_mem>>
      %dma_start3A_45 = arith.constant 0 : i32
      %dma_start3A_46 = arith.constant 0 : i32
      %dma_start3A_47 = tpu.memref_slice %arg7[%dma_start3A_45, %dma_start3A_46] : memref<48x128xi32, #tpu.memory_space<vmem>> -> memref<48x128xi32, #tpu.memory_space<vmem>>
      %dma_start3A_48 = arith.constant 0 : i32
      %dma_start3A_49 = arith.constant 0 : i32
      %dma_start3A_50 = tpu.memref_slice %arg3[%arg0, %arg1, %dma_start3A_48, %dma_start3A_49] : memref<2x16x82x128xi32, #tpu.memory_space<hbm>> -> memref<1x1x48x128xi32, #tpu.memory_space<hbm>>
      %dma_start3A_51 = tpu.memref_squeeze %dma_start3A_50 : memref<1x1x48x128xi32, #tpu.memory_space<hbm>> -> memref<48x128xi32, #tpu.memory_space<hbm>>
      %dma_start3A_52 = arith.constant 0 : i32
      %dma_start3A_53 = arith.constant 0 : i32
      %dma_start3A_54 = tpu.memref_slice %arg7[%dma_start3A_52, %dma_start3A_53] : memref<48x128xi32, #tpu.memory_space<vmem>> -> memref<48x128xi32, #tpu.memory_space<vmem>>
      %dma_start3A_55 = arith.constant 0 : i32
      %dma_start3A_56 = arith.constant 0 : i32
      %dma_start3A_57 = tpu.memref_slice %arg3[%arg0, %arg1, %dma_start3A_55, %dma_start3A_56] : memref<2x16x82x128xi32, #tpu.memory_space<hbm>> -> memref<1x1x48x128xi32, #tpu.memory_space<hbm>>
      %dma_start3A_58 = tpu.memref_squeeze %dma_start3A_57 : memref<1x1x48x128xi32, #tpu.memory_space<hbm>> -> memref<48x128xi32, #tpu.memory_space<hbm>>
      tpu.enqueue_dma source(%dma_start3A_58 : memref<48x128xi32, #tpu.memory_space<hbm>>) target(%dma_start3A_54 : memref<48x128xi32, #tpu.memory_space<vmem>>) target_semaphore(%run_scoped3A : memref<!tpu.dma_semaphore, #tpu.memory_space<semaphore_mem>>)
      %dma_wait3A_59 = arith.constant 0 : i32
      %dma_wait3A_60 = arith.constant 0 : i32
      %dma_wait3A_61 = tpu.memref_slice %arg7[%dma_wait3A_59, %dma_wait3A_60] : memref<48x128xi32, #tpu.memory_space<vmem>> -> memref<48x128xi32, #tpu.memory_space<vmem>>
      %dma_wait3A_62 = arith.constant 0 : i32
      %dma_wait3A_63 = arith.constant 0 : i32
      %dma_wait3A_64 = tpu.memref_slice %arg3[%arg0, %arg1, %dma_wait3A_62, %dma_wait3A_63] : memref<2x16x82x128xi32, #tpu.memory_space<hbm>> -> memref<1x1x48x128xi32, #tpu.memory_space<hbm>>
      %dma_wait3A_65 = tpu.memref_squeeze %dma_wait3A_64 : memref<1x1x48x128xi32, #tpu.memory_space<hbm>> -> memref<48x128xi32, #tpu.memory_space<hbm>>
      %dma_wait3A_66 = arith.constant 0 : i32
      %dma_wait3A_67 = arith.constant 0 : i32
      %dma_wait3A_68 = tpu.memref_slice %arg7[%dma_wait3A_66, %dma_wait3A_67] : memref<48x128xi32, #tpu.memory_space<vmem>> -> memref<48x128xi32, #tpu.memory_space<vmem>>
      %dma_wait3A_69 = arith.constant 0 : i32
      %dma_wait3A_70 = arith.constant 0 : i32
      %dma_wait3A_71 = tpu.memref_slice %arg3[%arg0, %arg1, %dma_wait3A_69, %dma_wait3A_70] : memref<2x16x82x128xi32, #tpu.memory_space<hbm>> -> memref<1x1x48x128xi32, #tpu.memory_space<hbm>>
      %dma_wait3A_72 = tpu.memref_squeeze %dma_wait3A_71 : memref<1x1x48x128xi32, #tpu.memory_space<hbm>> -> memref<48x128xi32, #tpu.memory_space<hbm>>
      tpu.wait_dma2 semaphore(%run_scoped3A : memref<!tpu.dma_semaphore, #tpu.memory_space<semaphore_mem>>) src(%dma_wait3A_72 : memref<48x128xi32, #tpu.memory_space<hbm>>) dst(%dma_wait3A_68 : memref<48x128xi32, #tpu.memory_space<vmem>>)
      tpu.yield
    }) : () -> ()
    "tpu.region"() ({
      %run_scoped3A = tpu.sem_alloc : memref<!tpu.dma_semaphore, #tpu.memory_space<semaphore_mem>>
      %dma_start3A_45 = arith.constant 0 : i32
      %dma_start3A_46 = arith.constant 0 : i32
      %dma_start3A_47 = tpu.memref_slice %arg8[%dma_start3A_45, %dma_start3A_46] : memref<48x128xi32, #tpu.memory_space<vmem>> -> memref<48x128xi32, #tpu.memory_space<vmem>>
      %dma_start3A_48 = arith.constant 0 : i32
      %dma_start3A_49 = arith.constant 0 : i32
      %dma_start3A_50 = tpu.memref_slice %arg4[%arg0, %arg1, %dma_start3A_48, %dma_start3A_49] : memref<2x16x82x128xi32, #tpu.memory_space<hbm>> -> memref<1x1x48x128xi32, #tpu.memory_space<hbm>>
      %dma_start3A_51 = tpu.memref_squeeze %dma_start3A_50 : memref<1x1x48x128xi32, #tpu.memory_space<hbm>> -> memref<48x128xi32, #tpu.memory_space<hbm>>
      %dma_start3A_52 = arith.constant 0 : i32
      %dma_start3A_53 = arith.constant 0 : i32
      %dma_start3A_54 = tpu.memref_slice %arg8[%dma_start3A_52, %dma_start3A_53] : memref<48x128xi32, #tpu.memory_space<vmem>> -> memref<48x128xi32, #tpu.memory_space<vmem>>
      %dma_start3A_55 = arith.constant 0 : i32
      %dma_start3A_56 = arith.constant 0 : i32
      %dma_start3A_57 = tpu.memref_slice %arg4[%arg0, %arg1, %dma_start3A_55, %dma_start3A_56] : memref<2x16x82x128xi32, #tpu.memory_space<hbm>> -> memref<1x1x48x128xi32, #tpu.memory_space<hbm>>
      %dma_start3A_58 = tpu.memref_squeeze %dma_start3A_57 : memref<1x1x48x128xi32, #tpu.memory_space<hbm>> -> memref<48x128xi32, #tpu.memory_space<hbm>>
      tpu.enqueue_dma source(%dma_start3A_58 : memref<48x128xi32, #tpu.memory_space<hbm>>) target(%dma_start3A_54 : memref<48x128xi32, #tpu.memory_space<vmem>>) target_semaphore(%run_scoped3A : memref<!tpu.dma_semaphore, #tpu.memory_space<semaphore_mem>>)
      %dma_wait3A_59 = arith.constant 0 : i32
      %dma_wait3A_60 = arith.constant 0 : i32
      %dma_wait3A_61 = tpu.memref_slice %arg8[%dma_wait3A_59, %dma_wait3A_60] : memref<48x128xi32, #tpu.memory_space<vmem>> -> memref<48x128xi32, #tpu.memory_space<vmem>>
      %dma_wait3A_62 = arith.constant 0 : i32
      %dma_wait3A_63 = arith.constant 0 : i32
      %dma_wait3A_64 = tpu.memref_slice %arg4[%arg0, %arg1, %dma_wait3A_62, %dma_wait3A_63] : memref<2x16x82x128xi32, #tpu.memory_space<hbm>> -> memref<1x1x48x128xi32, #tpu.memory_space<hbm>>
      %dma_wait3A_65 = tpu.memref_squeeze %dma_wait3A_64 : memref<1x1x48x128xi32, #tpu.memory_space<hbm>> -> memref<48x128xi32, #tpu.memory_space<hbm>>
      %dma_wait3A_66 = arith.constant 0 : i32
      %dma_wait3A_67 = arith.constant 0 : i32
      %dma_wait3A_68 = tpu.memref_slice %arg8[%dma_wait3A_66, %dma_wait3A_67] : memref<48x128xi32, #tpu.memory_space<vmem>> -> memref<48x128xi32, #tpu.memory_space<vmem>>
      %dma_wait3A_69 = arith.constant 0 : i32
      %dma_wait3A_70 = arith.constant 0 : i32
      %dma_wait3A_71 = tpu.memref_slice %arg4[%arg0, %arg1, %dma_wait3A_69, %dma_wait3A_70] : memref<2x16x82x128xi32, #tpu.memory_space<hbm>> -> memref<1x1x48x128xi32, #tpu.memory_space<hbm>>
      %dma_wait3A_72 = tpu.memref_squeeze %dma_wait3A_71 : memref<1x1x48x128xi32, #tpu.memory_space<hbm>> -> memref<48x128xi32, #tpu.memory_space<hbm>>
      tpu.wait_dma2 semaphore(%run_scoped3A : memref<!tpu.dma_semaphore, #tpu.memory_space<semaphore_mem>>) src(%dma_wait3A_72 : memref<48x128xi32, #tpu.memory_space<hbm>>) dst(%dma_wait3A_68 : memref<48x128xi32, #tpu.memory_space<vmem>>)
      tpu.yield
    }) : () -> ()
    %dma_wait3A = arith.constant 0 : i32
    %dma_wait3A_4 = tpu.memref_slice %arg11[%mul3A_0, %dma_wait3A] : memref<10112x128xf32, #tpu.memory_space<vmem_shared>> -> memref<632x128xf32, #tpu.memory_space<vmem_shared>>
    %dma_wait3A_5 = arith.constant 0 : i32
    %dma_wait3A_6 = tpu.memref_slice %arg5[%mul3A_0, %dma_wait3A_5] : memref<10112x128xf32, #tpu.memory_space<hbm>> -> memref<632x128xf32, #tpu.memory_space<hbm>>
    tpu.wait_dma2 semaphore(%arg14 : memref<!tpu.dma_semaphore, #tpu.memory_space<semaphore_mem>>) src(%dma_wait3A_6 : memref<632x128xf32, #tpu.memory_space<hbm>>) dst(%dma_wait3A_4 : memref<632x128xf32, #tpu.memory_space<vmem_shared>>)
    %barrier3A = arith.constant 0 : index
    tpu.barrier barrier_id(%barrier3A)
    %scan3A = arith.constant 0 : i32
    %scan3A_7 = arith.constant 24 : i32
    %scan3A_8 = arith.addi %scan3A, %scan3A_7 : i32
    %scan3A_9 = arith.constant 1 : i32
    scf.for %scan3A_45 = %scan3A to %scan3A_8 step %scan3A_9  : i32 {
      %mul3A_46 = arith.constant 2 : i32
      %mul3A_47 = arith.muli %scan3A_45, %mul3A_46 : i32
      %add3A = arith.constant 0 : i32
      %add3A_48 = arith.addi %add3A, %mul3A_47 : i32
      %gt3A = arith.constant 0 : i32
      %gt3A_49 = arith.cmpi sgt, %add3A_48, %gt3A : i32
      %convert_element_type3A = arith.extui %gt3A_49 : i1 to i32
      %cond3A = arith.constant 0 : i32
      %cond3A_50 = arith.cmpi ne, %convert_element_type3A, %cond3A : i32
      scf.if %cond3A_50 {
        %dma_wait3A_72 = arith.constant 0 : i32
        %dma_wait3A_73 = tpu.memref_slice %arg8[%add3A_48, %dma_wait3A_72] : memref<48x128xi32, #tpu.memory_space<vmem>> -> memref<1x128xi32, #tpu.memory_space<vmem>>
        %dma_wait3A_74 = tpu.memref_squeeze %dma_wait3A_73 : memref<1x128xi32, #tpu.memory_space<vmem>> -> memref<128xi32, #tpu.memory_space<vmem>>
        %dma_wait3A_75 = arith.constant 0 : i32
        %dma_wait3A_76 = arith.constant 0 : i32
        %dma_wait3A_77 = tpu.memref_slice %arg11[%dma_wait3A_75, %dma_wait3A_76] : memref<10112x128xf32, #tpu.memory_space<vmem_shared>> -> memref<10112x128xf32, #tpu.memory_space<vmem_shared>>
        tpu.wait_indirect_dma semaphore(%arg14 : memref<!tpu.dma_semaphore, #tpu.memory_space<semaphore_mem>>) src(%arg9 : memref<128x128xf32, #tpu.memory_space<vmem>>) dst(%dma_wait3A_77 : memref<10112x128xf32, #tpu.memory_space<vmem_shared>>)
      } else {
      }
      "tpu.region"() ({
        %run_scoped3A = tpu.sem_alloc : memref<!tpu.dma_semaphore, #tpu.memory_space<semaphore_mem>>
        %dma_start3A_72 = arith.constant 0 : i32
        %dma_start3A_73 = tpu.memref_slice %arg7[%add3A_48, %dma_start3A_72] : memref<48x128xi32, #tpu.memory_space<vmem>> -> memref<1x128xi32, #tpu.memory_space<vmem>>
        %dma_start3A_74 = tpu.memref_squeeze %dma_start3A_73 : memref<1x128xi32, #tpu.memory_space<vmem>> -> memref<128xi32, #tpu.memory_space<vmem>>
        %dma_start3A_75 = arith.constant 0 : i32
        %dma_start3A_76 = arith.constant 0 : i32
        %dma_start3A_77 = tpu.memref_slice %arg2[%dma_start3A_75, %dma_start3A_76] : memref<10112x128xf32, #tpu.memory_space<hbm>> -> memref<10112x128xf32, #tpu.memory_space<hbm>>
        tpu.enqueue_indirect_dma source(%dma_start3A_77 : memref<10112x128xf32, #tpu.memory_space<hbm>>) target(%arg9 : memref<128x128xf32, #tpu.memory_space<vmem>>) offsets(%dma_start3A_74 : memref<128xi32, #tpu.memory_space<vmem>>) semaphore(%run_scoped3A : memref<!tpu.dma_semaphore, #tpu.memory_space<semaphore_mem>>)
        %dma_wait3A_78 = arith.constant 0 : i32
        %dma_wait3A_79 = tpu.memref_slice %arg7[%add3A_48, %dma_wait3A_78] : memref<48x128xi32, #tpu.memory_space<vmem>> -> memref<1x128xi32, #tpu.memory_space<vmem>>
        %dma_wait3A_80 = tpu.memref_squeeze %dma_wait3A_79 : memref<1x128xi32, #tpu.memory_space<vmem>> -> memref<128xi32, #tpu.memory_space<vmem>>
        %dma_wait3A_81 = arith.constant 0 : i32
        %dma_wait3A_82 = arith.constant 0 : i32
        %dma_wait3A_83 = tpu.memref_slice %arg2[%dma_wait3A_81, %dma_wait3A_82] : memref<10112x128xf32, #tpu.memory_space<hbm>> -> memref<10112x128xf32, #tpu.memory_space<hbm>>
        tpu.wait_indirect_dma semaphore(%run_scoped3A : memref<!tpu.dma_semaphore, #tpu.memory_space<semaphore_mem>>) src(%dma_wait3A_83 : memref<10112x128xf32, #tpu.memory_space<hbm>>) dst(%arg9 : memref<128x128xf32, #tpu.memory_space<vmem>>)
        tpu.yield
      }) : () -> ()
      %dma_start3A_51 = arith.constant 0 : i32
      %dma_start3A_52 = tpu.memref_slice %arg8[%add3A_48, %dma_start3A_51] : memref<48x128xi32, #tpu.memory_space<vmem>> -> memref<1x128xi32, #tpu.memory_space<vmem>>
      %dma_start3A_53 = tpu.memref_squeeze %dma_start3A_52 : memref<1x128xi32, #tpu.memory_space<vmem>> -> memref<128xi32, #tpu.memory_space<vmem>>
      %dma_start3A_54 = arith.constant 0 : i32
      %dma_start3A_55 = arith.constant 0 : i32
      %dma_start3A_56 = tpu.memref_slice %arg11[%dma_start3A_54, %dma_start3A_55] : memref<10112x128xf32, #tpu.memory_space<vmem_shared>> -> memref<10112x128xf32, #tpu.memory_space<vmem_shared>>
      tpu.enqueue_indirect_dma source(%arg9 : memref<128x128xf32, #tpu.memory_space<vmem>>) target(%dma_start3A_56 : memref<10112x128xf32, #tpu.memory_space<vmem_shared>>) offsets(%dma_start3A_53 : memref<128xi32, #tpu.memory_space<vmem>>) semaphore(%arg14 : memref<!tpu.dma_semaphore, #tpu.memory_space<semaphore_mem>>) {add = true}
      %gt3A_57 = arith.constant 0 : i32
      %gt3A_58 = arith.cmpi sgt, %add3A_48, %gt3A_57 : i32
      %convert_element_type3A_59 = arith.extui %gt3A_58 : i1 to i32
      %cond3A_60 = arith.constant 0 : i32
      %cond3A_61 = arith.cmpi ne, %convert_element_type3A_59, %cond3A_60 : i32
      scf.if %cond3A_61 {
        %dma_wait3A_72 = arith.constant 0 : i32
        %dma_wait3A_73 = tpu.memref_slice %arg8[%add3A_48, %dma_wait3A_72] : memref<48x128xi32, #tpu.memory_space<vmem>> -> memref<1x128xi32, #tpu.memory_space<vmem>>
        %dma_wait3A_74 = tpu.memref_squeeze %dma_wait3A_73 : memref<1x128xi32, #tpu.memory_space<vmem>> -> memref<128xi32, #tpu.memory_space<vmem>>
        %dma_wait3A_75 = arith.constant 0 : i32
        %dma_wait3A_76 = arith.constant 0 : i32
        %dma_wait3A_77 = tpu.memref_slice %arg11[%dma_wait3A_75, %dma_wait3A_76] : memref<10112x128xf32, #tpu.memory_space<vmem_shared>> -> memref<10112x128xf32, #tpu.memory_space<vmem_shared>>
        tpu.wait_indirect_dma semaphore(%arg15 : memref<!tpu.dma_semaphore, #tpu.memory_space<semaphore_mem>>) src(%arg10 : memref<128x128xf32, #tpu.memory_space<vmem>>) dst(%dma_wait3A_77 : memref<10112x128xf32, #tpu.memory_space<vmem_shared>>)
      } else {
      }
      %add3A_62 = arith.constant 1 : i32
      %add3A_63 = arith.addi %add3A_48, %add3A_62 : i32
      "tpu.region"() ({
        %run_scoped3A = tpu.sem_alloc : memref<!tpu.dma_semaphore, #tpu.memory_space<semaphore_mem>>
        %dma_start3A_72 = arith.constant 0 : i32
        %dma_start3A_73 = tpu.memref_slice %arg7[%add3A_63, %dma_start3A_72] : memref<48x128xi32, #tpu.memory_space<vmem>> -> memref<1x128xi32, #tpu.memory_space<vmem>>
        %dma_start3A_74 = tpu.memref_squeeze %dma_start3A_73 : memref<1x128xi32, #tpu.memory_space<vmem>> -> memref<128xi32, #tpu.memory_space<vmem>>
        %dma_start3A_75 = arith.constant 0 : i32
        %dma_start3A_76 = arith.constant 0 : i32
        %dma_start3A_77 = tpu.memref_slice %arg2[%dma_start3A_75, %dma_start3A_76] : memref<10112x128xf32, #tpu.memory_space<hbm>> -> memref<10112x128xf32, #tpu.memory_space<hbm>>
        tpu.enqueue_indirect_dma source(%dma_start3A_77 : memref<10112x128xf32, #tpu.memory_space<hbm>>) target(%arg10 : memref<128x128xf32, #tpu.memory_space<vmem>>) offsets(%dma_start3A_74 : memref<128xi32, #tpu.memory_space<vmem>>) semaphore(%run_scoped3A : memref<!tpu.dma_semaphore, #tpu.memory_space<semaphore_mem>>)
        %dma_wait3A_78 = arith.constant 0 : i32
        %dma_wait3A_79 = tpu.memref_slice %arg7[%add3A_63, %dma_wait3A_78] : memref<48x128xi32, #tpu.memory_space<vmem>> -> memref<1x128xi32, #tpu.memory_space<vmem>>
        %dma_wait3A_80 = tpu.memref_squeeze %dma_wait3A_79 : memref<1x128xi32, #tpu.memory_space<vmem>> -> memref<128xi32, #tpu.memory_space<vmem>>
        %dma_wait3A_81 = arith.constant 0 : i32
        %dma_wait3A_82 = arith.constant 0 : i32
        %dma_wait3A_83 = tpu.memref_slice %arg2[%dma_wait3A_81, %dma_wait3A_82] : memref<10112x128xf32, #tpu.memory_space<hbm>> -> memref<10112x128xf32, #tpu.memory_space<hbm>>
        tpu.wait_indirect_dma semaphore(%run_scoped3A : memref<!tpu.dma_semaphore, #tpu.memory_space<semaphore_mem>>) src(%dma_wait3A_83 : memref<10112x128xf32, #tpu.memory_space<hbm>>) dst(%arg10 : memref<128x128xf32, #tpu.memory_space<vmem>>)
        tpu.yield
      }) : () -> ()
      %add3A_64 = arith.constant 1 : i32
      %add3A_65 = arith.addi %add3A_48, %add3A_64 : i32
      %dma_start3A_66 = arith.constant 0 : i32
      %dma_start3A_67 = tpu.memref_slice %arg8[%add3A_65, %dma_start3A_66] : memref<48x128xi32, #tpu.memory_space<vmem>> -> memref<1x128xi32, #tpu.memory_space<vmem>>
      %dma_start3A_68 = tpu.memref_squeeze %dma_start3A_67 : memref<1x128xi32, #tpu.memory_space<vmem>> -> memref<128xi32, #tpu.memory_space<vmem>>
      %dma_start3A_69 = arith.constant 0 : i32
      %dma_start3A_70 = arith.constant 0 : i32
      %dma_start3A_71 = tpu.memref_slice %arg11[%dma_start3A_69, %dma_start3A_70] : memref<10112x128xf32, #tpu.memory_space<vmem_shared>> -> memref<10112x128xf32, #tpu.memory_space<vmem_shared>>
      tpu.enqueue_indirect_dma source(%arg10 : memref<128x128xf32, #tpu.memory_space<vmem>>) target(%dma_start3A_71 : memref<10112x128xf32, #tpu.memory_space<vmem_shared>>) offsets(%dma_start3A_68 : memref<128xi32, #tpu.memory_space<vmem>>) semaphore(%arg15 : memref<!tpu.dma_semaphore, #tpu.memory_space<semaphore_mem>>) {add = true}
    }
    %scan3A_10 = arith.constant 24 : i32
    %dma_wait3A_11 = arith.constant 0 : i32
    %dma_wait3A_12 = arith.constant 0 : i32
    %dma_wait3A_13 = tpu.memref_slice %arg8[%dma_wait3A_11, %dma_wait3A_12] : memref<48x128xi32, #tpu.memory_space<vmem>> -> memref<1x128xi32, #tpu.memory_space<vmem>>
    %dma_wait3A_14 = tpu.memref_squeeze %dma_wait3A_13 : memref<1x128xi32, #tpu.memory_space<vmem>> -> memref<128xi32, #tpu.memory_space<vmem>>
    %dma_wait3A_15 = arith.constant 0 : i32
    %dma_wait3A_16 = arith.constant 0 : i32
    %dma_wait3A_17 = tpu.memref_slice %arg11[%dma_wait3A_15, %dma_wait3A_16] : memref<10112x128xf32, #tpu.memory_space<vmem_shared>> -> memref<10112x128xf32, #tpu.memory_space<vmem_shared>>
    tpu.wait_indirect_dma semaphore(%arg14 : memref<!tpu.dma_semaphore, #tpu.memory_space<semaphore_mem>>) src(%arg9 : memref<128x128xf32, #tpu.memory_space<vmem>>) dst(%dma_wait3A_17 : memref<10112x128xf32, #tpu.memory_space<vmem_shared>>)
    %dma_wait3A_18 = arith.constant 1 : i32
    %dma_wait3A_19 = arith.constant 0 : i32
    %dma_wait3A_20 = tpu.memref_slice %arg8[%dma_wait3A_18, %dma_wait3A_19] : memref<48x128xi32, #tpu.memory_space<vmem>> -> memref<1x128xi32, #tpu.memory_space<vmem>>
    %dma_wait3A_21 = tpu.memref_squeeze %dma_wait3A_20 : memref<1x128xi32, #tpu.memory_space<vmem>> -> memref<128xi32, #tpu.memory_space<vmem>>
    %dma_wait3A_22 = arith.constant 0 : i32
    %dma_wait3A_23 = arith.constant 0 : i32
    %dma_wait3A_24 = tpu.memref_slice %arg11[%dma_wait3A_22, %dma_wait3A_23] : memref<10112x128xf32, #tpu.memory_space<vmem_shared>> -> memref<10112x128xf32, #tpu.memory_space<vmem_shared>>
    tpu.wait_indirect_dma semaphore(%arg15 : memref<!tpu.dma_semaphore, #tpu.memory_space<semaphore_mem>>) src(%arg10 : memref<128x128xf32, #tpu.memory_space<vmem>>) dst(%dma_wait3A_24 : memref<10112x128xf32, #tpu.memory_space<vmem_shared>>)
    "tpu.region"() ({
      %run_scoped3A = tpu.sem_alloc : memref<!tpu.dma_semaphore, #tpu.memory_space<semaphore_mem>>
      %dma_start3A_45 = arith.constant 0 : i32
      %dma_start3A_46 = arith.constant 0 : i32
      %dma_start3A_47 = tpu.memref_slice %arg7[%dma_start3A_45, %dma_start3A_46] : memref<48x128xi32, #tpu.memory_space<vmem>> -> memref<34x128xi32, #tpu.memory_space<vmem>>
      %dma_start3A_48 = arith.constant 48 : i32
      %dma_start3A_49 = arith.constant 0 : i32
      %dma_start3A_50 = tpu.memref_slice %arg3[%arg0, %arg1, %dma_start3A_48, %dma_start3A_49] : memref<2x16x82x128xi32, #tpu.memory_space<hbm>> -> memref<1x1x34x128xi32, #tpu.memory_space<hbm>>
      %dma_start3A_51 = tpu.memref_squeeze %dma_start3A_50 : memref<1x1x34x128xi32, #tpu.memory_space<hbm>> -> memref<34x128xi32, #tpu.memory_space<hbm>>
      %dma_start3A_52 = arith.constant 0 : i32
      %dma_start3A_53 = arith.constant 0 : i32
      %dma_start3A_54 = tpu.memref_slice %arg7[%dma_start3A_52, %dma_start3A_53] : memref<48x128xi32, #tpu.memory_space<vmem>> -> memref<34x128xi32, #tpu.memory_space<vmem>>
      %dma_start3A_55 = arith.constant 48 : i32
      %dma_start3A_56 = arith.constant 0 : i32
      %dma_start3A_57 = tpu.memref_slice %arg3[%arg0, %arg1, %dma_start3A_55, %dma_start3A_56] : memref<2x16x82x128xi32, #tpu.memory_space<hbm>> -> memref<1x1x34x128xi32, #tpu.memory_space<hbm>>
      %dma_start3A_58 = tpu.memref_squeeze %dma_start3A_57 : memref<1x1x34x128xi32, #tpu.memory_space<hbm>> -> memref<34x128xi32, #tpu.memory_space<hbm>>
      tpu.enqueue_dma source(%dma_start3A_58 : memref<34x128xi32, #tpu.memory_space<hbm>>) target(%dma_start3A_54 : memref<34x128xi32, #tpu.memory_space<vmem>>) target_semaphore(%run_scoped3A : memref<!tpu.dma_semaphore, #tpu.memory_space<semaphore_mem>>)
      %dma_wait3A_59 = arith.constant 0 : i32
      %dma_wait3A_60 = arith.constant 0 : i32
      %dma_wait3A_61 = tpu.memref_slice %arg7[%dma_wait3A_59, %dma_wait3A_60] : memref<48x128xi32, #tpu.memory_space<vmem>> -> memref<34x128xi32, #tpu.memory_space<vmem>>
      %dma_wait3A_62 = arith.constant 48 : i32
      %dma_wait3A_63 = arith.constant 0 : i32
      %dma_wait3A_64 = tpu.memref_slice %arg3[%arg0, %arg1, %dma_wait3A_62, %dma_wait3A_63] : memref<2x16x82x128xi32, #tpu.memory_space<hbm>> -> memref<1x1x34x128xi32, #tpu.memory_space<hbm>>
      %dma_wait3A_65 = tpu.memref_squeeze %dma_wait3A_64 : memref<1x1x34x128xi32, #tpu.memory_space<hbm>> -> memref<34x128xi32, #tpu.memory_space<hbm>>
      %dma_wait3A_66 = arith.constant 0 : i32
      %dma_wait3A_67 = arith.constant 0 : i32
      %dma_wait3A_68 = tpu.memref_slice %arg7[%dma_wait3A_66, %dma_wait3A_67] : memref<48x128xi32, #tpu.memory_space<vmem>> -> memref<34x128xi32, #tpu.memory_space<vmem>>
      %dma_wait3A_69 = arith.constant 48 : i32
      %dma_wait3A_70 = arith.constant 0 : i32
      %dma_wait3A_71 = tpu.memref_slice %arg3[%arg0, %arg1, %dma_wait3A_69, %dma_wait3A_70] : memref<2x16x82x128xi32, #tpu.memory_space<hbm>> -> memref<1x1x34x128xi32, #tpu.memory_space<hbm>>
      %dma_wait3A_72 = tpu.memref_squeeze %dma_wait3A_71 : memref<1x1x34x128xi32, #tpu.memory_space<hbm>> -> memref<34x128xi32, #tpu.memory_space<hbm>>
      tpu.wait_dma2 semaphore(%run_scoped3A : memref<!tpu.dma_semaphore, #tpu.memory_space<semaphore_mem>>) src(%dma_wait3A_72 : memref<34x128xi32, #tpu.memory_space<hbm>>) dst(%dma_wait3A_68 : memref<34x128xi32, #tpu.memory_space<vmem>>)
      tpu.yield
    }) : () -> ()
    "tpu.region"() ({
      %run_scoped3A = tpu.sem_alloc : memref<!tpu.dma_semaphore, #tpu.memory_space<semaphore_mem>>
      %dma_start3A_45 = arith.constant 0 : i32
      %dma_start3A_46 = arith.constant 0 : i32
      %dma_start3A_47 = tpu.memref_slice %arg8[%dma_start3A_45, %dma_start3A_46] : memref<48x128xi32, #tpu.memory_space<vmem>> -> memref<34x128xi32, #tpu.memory_space<vmem>>
      %dma_start3A_48 = arith.constant 48 : i32
      %dma_start3A_49 = arith.constant 0 : i32
      %dma_start3A_50 = tpu.memref_slice %arg4[%arg0, %arg1, %dma_start3A_48, %dma_start3A_49] : memref<2x16x82x128xi32, #tpu.memory_space<hbm>> -> memref<1x1x34x128xi32, #tpu.memory_space<hbm>>
      %dma_start3A_51 = tpu.memref_squeeze %dma_start3A_50 : memref<1x1x34x128xi32, #tpu.memory_space<hbm>> -> memref<34x128xi32, #tpu.memory_space<hbm>>
      %dma_start3A_52 = arith.constant 0 : i32
      %dma_start3A_53 = arith.constant 0 : i32
      %dma_start3A_54 = tpu.memref_slice %arg8[%dma_start3A_52, %dma_start3A_53] : memref<48x128xi32, #tpu.memory_space<vmem>> -> memref<34x128xi32, #tpu.memory_space<vmem>>
      %dma_start3A_55 = arith.constant 48 : i32
      %dma_start3A_56 = arith.constant 0 : i32
      %dma_start3A_57 = tpu.memref_slice %arg4[%arg0, %arg1, %dma_start3A_55, %dma_start3A_56] : memref<2x16x82x128xi32, #tpu.memory_space<hbm>> -> memref<1x1x34x128xi32, #tpu.memory_space<hbm>>
      %dma_start3A_58 = tpu.memref_squeeze %dma_start3A_57 : memref<1x1x34x128xi32, #tpu.memory_space<hbm>> -> memref<34x128xi32, #tpu.memory_space<hbm>>
      tpu.enqueue_dma source(%dma_start3A_58 : memref<34x128xi32, #tpu.memory_space<hbm>>) target(%dma_start3A_54 : memref<34x128xi32, #tpu.memory_space<vmem>>) target_semaphore(%run_scoped3A : memref<!tpu.dma_semaphore, #tpu.memory_space<semaphore_mem>>)
      %dma_wait3A_59 = arith.constant 0 : i32
      %dma_wait3A_60 = arith.constant 0 : i32
      %dma_wait3A_61 = tpu.memref_slice %arg8[%dma_wait3A_59, %dma_wait3A_60] : memref<48x128xi32, #tpu.memory_space<vmem>> -> memref<34x128xi32, #tpu.memory_space<vmem>>
      %dma_wait3A_62 = arith.constant 48 : i32
      %dma_wait3A_63 = arith.constant 0 : i32
      %dma_wait3A_64 = tpu.memref_slice %arg4[%arg0, %arg1, %dma_wait3A_62, %dma_wait3A_63] : memref<2x16x82x128xi32, #tpu.memory_space<hbm>> -> memref<1x1x34x128xi32, #tpu.memory_space<hbm>>
      %dma_wait3A_65 = tpu.memref_squeeze %dma_wait3A_64 : memref<1x1x34x128xi32, #tpu.memory_space<hbm>> -> memref<34x128xi32, #tpu.memory_space<hbm>>
      %dma_wait3A_66 = arith.constant 0 : i32
      %dma_wait3A_67 = arith.constant 0 : i32
      %dma_wait3A_68 = tpu.memref_slice %arg8[%dma_wait3A_66, %dma_wait3A_67] : memref<48x128xi32, #tpu.memory_space<vmem>> -> memref<34x128xi32, #tpu.memory_space<vmem>>
      %dma_wait3A_69 = arith.constant 48 : i32
      %dma_wait3A_70 = arith.constant 0 : i32
      %dma_wait3A_71 = tpu.memref_slice %arg4[%arg0, %arg1, %dma_wait3A_69, %dma_wait3A_70] : memref<2x16x82x128xi32, #tpu.memory_space<hbm>> -> memref<1x1x34x128xi32, #tpu.memory_space<hbm>>
      %dma_wait3A_72 = tpu.memref_squeeze %dma_wait3A_71 : memref<1x1x34x128xi32, #tpu.memory_space<hbm>> -> memref<34x128xi32, #tpu.memory_space<hbm>>
      tpu.wait_dma2 semaphore(%run_scoped3A : memref<!tpu.dma_semaphore, #tpu.memory_space<semaphore_mem>>) src(%dma_wait3A_72 : memref<34x128xi32, #tpu.memory_space<hbm>>) dst(%dma_wait3A_68 : memref<34x128xi32, #tpu.memory_space<vmem>>)
      tpu.yield
    }) : () -> ()
    %scan3A_25 = arith.constant 0 : i32
    %scan3A_26 = arith.constant 17 : i32
    %scan3A_27 = arith.addi %scan3A_25, %scan3A_26 : i32
    %scan3A_28 = arith.constant 1 : i32
    scf.for %scan3A_45 = %scan3A_25 to %scan3A_27 step %scan3A_28  : i32 {
      %mul3A_46 = arith.constant 2 : i32
      %mul3A_47 = arith.muli %scan3A_45, %mul3A_46 : i32
      %add3A = arith.constant 0 : i32
      %add3A_48 = arith.addi %add3A, %mul3A_47 : i32
      %gt3A = arith.constant 0 : i32
      %gt3A_49 = arith.cmpi sgt, %add3A_48, %gt3A : i32
      %convert_element_type3A = arith.extui %gt3A_49 : i1 to i32
      %cond3A = arith.constant 0 : i32
      %cond3A_50 = arith.cmpi ne, %convert_element_type3A, %cond3A : i32
      scf.if %cond3A_50 {
        %dma_wait3A_72 = arith.constant 0 : i32
        %dma_wait3A_73 = tpu.memref_slice %arg8[%add3A_48, %dma_wait3A_72] : memref<48x128xi32, #tpu.memory_space<vmem>> -> memref<1x128xi32, #tpu.memory_space<vmem>>
        %dma_wait3A_74 = tpu.memref_squeeze %dma_wait3A_73 : memref<1x128xi32, #tpu.memory_space<vmem>> -> memref<128xi32, #tpu.memory_space<vmem>>
        %dma_wait3A_75 = arith.constant 0 : i32
        %dma_wait3A_76 = arith.constant 0 : i32
        %dma_wait3A_77 = tpu.memref_slice %arg11[%dma_wait3A_75, %dma_wait3A_76] : memref<10112x128xf32, #tpu.memory_space<vmem_shared>> -> memref<10112x128xf32, #tpu.memory_space<vmem_shared>>
        tpu.wait_indirect_dma semaphore(%arg14 : memref<!tpu.dma_semaphore, #tpu.memory_space<semaphore_mem>>) src(%arg9 : memref<128x128xf32, #tpu.memory_space<vmem>>) dst(%dma_wait3A_77 : memref<10112x128xf32, #tpu.memory_space<vmem_shared>>)
      } else {
      }
      "tpu.region"() ({
        %run_scoped3A = tpu.sem_alloc : memref<!tpu.dma_semaphore, #tpu.memory_space<semaphore_mem>>
        %dma_start3A_72 = arith.constant 0 : i32
        %dma_start3A_73 = tpu.memref_slice %arg7[%add3A_48, %dma_start3A_72] : memref<48x128xi32, #tpu.memory_space<vmem>> -> memref<1x128xi32, #tpu.memory_space<vmem>>
        %dma_start3A_74 = tpu.memref_squeeze %dma_start3A_73 : memref<1x128xi32, #tpu.memory_space<vmem>> -> memref<128xi32, #tpu.memory_space<vmem>>
        %dma_start3A_75 = arith.constant 0 : i32
        %dma_start3A_76 = arith.constant 0 : i32
        %dma_start3A_77 = tpu.memref_slice %arg2[%dma_start3A_75, %dma_start3A_76] : memref<10112x128xf32, #tpu.memory_space<hbm>> -> memref<10112x128xf32, #tpu.memory_space<hbm>>
        tpu.enqueue_indirect_dma source(%dma_start3A_77 : memref<10112x128xf32, #tpu.memory_space<hbm>>) target(%arg9 : memref<128x128xf32, #tpu.memory_space<vmem>>) offsets(%dma_start3A_74 : memref<128xi32, #tpu.memory_space<vmem>>) semaphore(%run_scoped3A : memref<!tpu.dma_semaphore, #tpu.memory_space<semaphore_mem>>)
        %dma_wait3A_78 = arith.constant 0 : i32
        %dma_wait3A_79 = tpu.memref_slice %arg7[%add3A_48, %dma_wait3A_78] : memref<48x128xi32, #tpu.memory_space<vmem>> -> memref<1x128xi32, #tpu.memory_space<vmem>>
        %dma_wait3A_80 = tpu.memref_squeeze %dma_wait3A_79 : memref<1x128xi32, #tpu.memory_space<vmem>> -> memref<128xi32, #tpu.memory_space<vmem>>
        %dma_wait3A_81 = arith.constant 0 : i32
        %dma_wait3A_82 = arith.constant 0 : i32
        %dma_wait3A_83 = tpu.memref_slice %arg2[%dma_wait3A_81, %dma_wait3A_82] : memref<10112x128xf32, #tpu.memory_space<hbm>> -> memref<10112x128xf32, #tpu.memory_space<hbm>>
        tpu.wait_indirect_dma semaphore(%run_scoped3A : memref<!tpu.dma_semaphore, #tpu.memory_space<semaphore_mem>>) src(%dma_wait3A_83 : memref<10112x128xf32, #tpu.memory_space<hbm>>) dst(%arg9 : memref<128x128xf32, #tpu.memory_space<vmem>>)
        tpu.yield
      }) : () -> ()
      %dma_start3A_51 = arith.constant 0 : i32
      %dma_start3A_52 = tpu.memref_slice %arg8[%add3A_48, %dma_start3A_51] : memref<48x128xi32, #tpu.memory_space<vmem>> -> memref<1x128xi32, #tpu.memory_space<vmem>>
      %dma_start3A_53 = tpu.memref_squeeze %dma_start3A_52 : memref<1x128xi32, #tpu.memory_space<vmem>> -> memref<128xi32, #tpu.memory_space<vmem>>
      %dma_start3A_54 = arith.constant 0 : i32
      %dma_start3A_55 = arith.constant 0 : i32
      %dma_start3A_56 = tpu.memref_slice %arg11[%dma_start3A_54, %dma_start3A_55] : memref<10112x128xf32, #tpu.memory_space<vmem_shared>> -> memref<10112x128xf32, #tpu.memory_space<vmem_shared>>
      tpu.enqueue_indirect_dma source(%arg9 : memref<128x128xf32, #tpu.memory_space<vmem>>) target(%dma_start3A_56 : memref<10112x128xf32, #tpu.memory_space<vmem_shared>>) offsets(%dma_start3A_53 : memref<128xi32, #tpu.memory_space<vmem>>) semaphore(%arg14 : memref<!tpu.dma_semaphore, #tpu.memory_space<semaphore_mem>>) {add = true}
      %gt3A_57 = arith.constant 0 : i32
      %gt3A_58 = arith.cmpi sgt, %add3A_48, %gt3A_57 : i32
      %convert_element_type3A_59 = arith.extui %gt3A_58 : i1 to i32
      %cond3A_60 = arith.constant 0 : i32
      %cond3A_61 = arith.cmpi ne, %convert_element_type3A_59, %cond3A_60 : i32
      scf.if %cond3A_61 {
        %dma_wait3A_72 = arith.constant 0 : i32
        %dma_wait3A_73 = tpu.memref_slice %arg8[%add3A_48, %dma_wait3A_72] : memref<48x128xi32, #tpu.memory_space<vmem>> -> memref<1x128xi32, #tpu.memory_space<vmem>>
        %dma_wait3A_74 = tpu.memref_squeeze %dma_wait3A_73 : memref<1x128xi32, #tpu.memory_space<vmem>> -> memref<128xi32, #tpu.memory_space<vmem>>
        %dma_wait3A_75 = arith.constant 0 : i32
        %dma_wait3A_76 = arith.constant 0 : i32
        %dma_wait3A_77 = tpu.memref_slice %arg11[%dma_wait3A_75, %dma_wait3A_76] : memref<10112x128xf32, #tpu.memory_space<vmem_shared>> -> memref<10112x128xf32, #tpu.memory_space<vmem_shared>>
        tpu.wait_indirect_dma semaphore(%arg15 : memref<!tpu.dma_semaphore, #tpu.memory_space<semaphore_mem>>) src(%arg10 : memref<128x128xf32, #tpu.memory_space<vmem>>) dst(%dma_wait3A_77 : memref<10112x128xf32, #tpu.memory_space<vmem_shared>>)
      } else {
      }
      %add3A_62 = arith.constant 1 : i32
      %add3A_63 = arith.addi %add3A_48, %add3A_62 : i32
      "tpu.region"() ({
        %run_scoped3A = tpu.sem_alloc : memref<!tpu.dma_semaphore, #tpu.memory_space<semaphore_mem>>
        %dma_start3A_72 = arith.constant 0 : i32
        %dma_start3A_73 = tpu.memref_slice %arg7[%add3A_63, %dma_start3A_72] : memref<48x128xi32, #tpu.memory_space<vmem>> -> memref<1x128xi32, #tpu.memory_space<vmem>>
        %dma_start3A_74 = tpu.memref_squeeze %dma_start3A_73 : memref<1x128xi32, #tpu.memory_space<vmem>> -> memref<128xi32, #tpu.memory_space<vmem>>
        %dma_start3A_75 = arith.constant 0 : i32
        %dma_start3A_76 = arith.constant 0 : i32
        %dma_start3A_77 = tpu.memref_slice %arg2[%dma_start3A_75, %dma_start3A_76] : memref<10112x128xf32, #tpu.memory_space<hbm>> -> memref<10112x128xf32, #tpu.memory_space<hbm>>
        tpu.enqueue_indirect_dma source(%dma_start3A_77 : memref<10112x128xf32, #tpu.memory_space<hbm>>) target(%arg10 : memref<128x128xf32, #tpu.memory_space<vmem>>) offsets(%dma_start3A_74 : memref<128xi32, #tpu.memory_space<vmem>>) semaphore(%run_scoped3A : memref<!tpu.dma_semaphore, #tpu.memory_space<semaphore_mem>>)
        %dma_wait3A_78 = arith.constant 0 : i32
        %dma_wait3A_79 = tpu.memref_slice %arg7[%add3A_63, %dma_wait3A_78] : memref<48x128xi32, #tpu.memory_space<vmem>> -> memref<1x128xi32, #tpu.memory_space<vmem>>
        %dma_wait3A_80 = tpu.memref_squeeze %dma_wait3A_79 : memref<1x128xi32, #tpu.memory_space<vmem>> -> memref<128xi32, #tpu.memory_space<vmem>>
        %dma_wait3A_81 = arith.constant 0 : i32
        %dma_wait3A_82 = arith.constant 0 : i32
        %dma_wait3A_83 = tpu.memref_slice %arg2[%dma_wait3A_81, %dma_wait3A_82] : memref<10112x128xf32, #tpu.memory_space<hbm>> -> memref<10112x128xf32, #tpu.memory_space<hbm>>
        tpu.wait_indirect_dma semaphore(%run_scoped3A : memref<!tpu.dma_semaphore, #tpu.memory_space<semaphore_mem>>) src(%dma_wait3A_83 : memref<10112x128xf32, #tpu.memory_space<hbm>>) dst(%arg10 : memref<128x128xf32, #tpu.memory_space<vmem>>)
        tpu.yield
      }) : () -> ()
      %add3A_64 = arith.constant 1 : i32
      %add3A_65 = arith.addi %add3A_48, %add3A_64 : i32
      %dma_start3A_66 = arith.constant 0 : i32
      %dma_start3A_67 = tpu.memref_slice %arg8[%add3A_65, %dma_start3A_66] : memref<48x128xi32, #tpu.memory_space<vmem>> -> memref<1x128xi32, #tpu.memory_space<vmem>>
      %dma_start3A_68 = tpu.memref_squeeze %dma_start3A_67 : memref<1x128xi32, #tpu.memory_space<vmem>> -> memref<128xi32, #tpu.memory_space<vmem>>
      %dma_start3A_69 = arith.constant 0 : i32
      %dma_start3A_70 = arith.constant 0 : i32
      %dma_start3A_71 = tpu.memref_slice %arg11[%dma_start3A_69, %dma_start3A_70] : memref<10112x128xf32, #tpu.memory_space<vmem_shared>> -> memref<10112x128xf32, #tpu.memory_space<vmem_shared>>
      tpu.enqueue_indirect_dma source(%arg10 : memref<128x128xf32, #tpu.memory_space<vmem>>) target(%dma_start3A_71 : memref<10112x128xf32, #tpu.memory_space<vmem_shared>>) offsets(%dma_start3A_68 : memref<128xi32, #tpu.memory_space<vmem>>) semaphore(%arg15 : memref<!tpu.dma_semaphore, #tpu.memory_space<semaphore_mem>>) {add = true}
    }
    %scan3A_29 = arith.constant 17 : i32
    %dma_wait3A_30 = arith.constant 0 : i32
    %dma_wait3A_31 = arith.constant 0 : i32
    %dma_wait3A_32 = tpu.memref_slice %arg8[%dma_wait3A_30, %dma_wait3A_31] : memref<48x128xi32, #tpu.memory_space<vmem>> -> memref<1x128xi32, #tpu.memory_space<vmem>>
    %dma_wait3A_33 = tpu.memref_squeeze %dma_wait3A_32 : memref<1x128xi32, #tpu.memory_space<vmem>> -> memref<128xi32, #tpu.memory_space<vmem>>
    %dma_wait3A_34 = arith.constant 0 : i32
    %dma_wait3A_35 = arith.constant 0 : i32
    %dma_wait3A_36 = tpu.memref_slice %arg11[%dma_wait3A_34, %dma_wait3A_35] : memref<10112x128xf32, #tpu.memory_space<vmem_shared>> -> memref<10112x128xf32, #tpu.memory_space<vmem_shared>>
    tpu.wait_indirect_dma semaphore(%arg14 : memref<!tpu.dma_semaphore, #tpu.memory_space<semaphore_mem>>) src(%arg9 : memref<128x128xf32, #tpu.memory_space<vmem>>) dst(%dma_wait3A_36 : memref<10112x128xf32, #tpu.memory_space<vmem_shared>>)
    %dma_wait3A_37 = arith.constant 1 : i32
    %dma_wait3A_38 = arith.constant 0 : i32
    %dma_wait3A_39 = tpu.memref_slice %arg8[%dma_wait3A_37, %dma_wait3A_38] : memref<48x128xi32, #tpu.memory_space<vmem>> -> memref<1x128xi32, #tpu.memory_space<vmem>>
    %dma_wait3A_40 = tpu.memref_squeeze %dma_wait3A_39 : memref<1x128xi32, #tpu.memory_space<vmem>> -> memref<128xi32, #tpu.memory_space<vmem>>
    %dma_wait3A_41 = arith.constant 0 : i32
    %dma_wait3A_42 = arith.constant 0 : i32
    %dma_wait3A_43 = tpu.memref_slice %arg11[%dma_wait3A_41, %dma_wait3A_42] : memref<10112x128xf32, #tpu.memory_space<vmem_shared>> -> memref<10112x128xf32, #tpu.memory_space<vmem_shared>>
    tpu.wait_indirect_dma semaphore(%arg15 : memref<!tpu.dma_semaphore, #tpu.memory_space<semaphore_mem>>) src(%arg10 : memref<128x128xf32, #tpu.memory_space<vmem>>) dst(%dma_wait3A_43 : memref<10112x128xf32, #tpu.memory_space<vmem_shared>>)
    %barrier3A_44 = arith.constant 0 : index
    tpu.barrier barrier_id(%barrier3A_44)
    "tpu.region"() ({
      %run_scoped3A = tpu.sem_alloc : memref<!tpu.dma_semaphore, #tpu.memory_space<semaphore_mem>>
      %dma_start3A_45 = arith.constant 0 : i32
      %dma_start3A_46 = tpu.memref_slice %arg6[%arg0, %mul3A_0, %dma_start3A_45] : memref<2x10112x128xf32, #tpu.memory_space<hbm>> -> memref<1x632x128xf32, #tpu.memory_space<hbm>>
      %dma_start3A_47 = tpu.memref_squeeze %dma_start3A_46 : memref<1x632x128xf32, #tpu.memory_space<hbm>> -> memref<632x128xf32, #tpu.memory_space<hbm>>
      %dma_start3A_48 = arith.constant 0 : i32
      %dma_start3A_49 = tpu.memref_slice %arg11[%mul3A_0, %dma_start3A_48] : memref<10112x128xf32, #tpu.memory_space<vmem_shared>> -> memref<632x128xf32, #tpu.memory_space<vmem_shared>>
      tpu.enqueue_dma source(%dma_start3A_49 : memref<632x128xf32, #tpu.memory_space<vmem_shared>>) target(%dma_start3A_47 : memref<632x128xf32, #tpu.memory_space<hbm>>) target_semaphore(%run_scoped3A : memref<!tpu.dma_semaphore, #tpu.memory_space<semaphore_mem>>)
      %dma_wait3A_50 = arith.constant 0 : i32
      %dma_wait3A_51 = tpu.memref_slice %arg6[%arg0, %mul3A_0, %dma_wait3A_50] : memref<2x10112x128xf32, #tpu.memory_space<hbm>> -> memref<1x632x128xf32, #tpu.memory_space<hbm>>
      %dma_wait3A_52 = tpu.memref_squeeze %dma_wait3A_51 : memref<1x632x128xf32, #tpu.memory_space<hbm>> -> memref<632x128xf32, #tpu.memory_space<hbm>>
      %dma_wait3A_53 = arith.constant 0 : i32
      %dma_wait3A_54 = tpu.memref_slice %arg11[%mul3A_0, %dma_wait3A_53] : memref<10112x128xf32, #tpu.memory_space<vmem_shared>> -> memref<632x128xf32, #tpu.memory_space<vmem_shared>>
      tpu.wait_dma2 semaphore(%run_scoped3A : memref<!tpu.dma_semaphore, #tpu.memory_space<semaphore_mem>>) src(%dma_wait3A_54 : memref<632x128xf32, #tpu.memory_space<vmem_shared>>) dst(%dma_wait3A_52 : memref<632x128xf32, #tpu.memory_space<hbm>>)
      tpu.yield
    }) : () -> ()
    return
  }
}

#map = affine_map<(d0, d1) -> (0, 0)>
#map1 = affine_map<(d0, d1) -> (0, 0, 0, 0)>
#map2 = affine_map<(d0, d1) -> (0, 0, 0)>
module attributes {stable_mosaic.version = 14 : i64} {
  func.func @_msg_kernel(%arg0: i32, %arg1: i32, %arg2: memref<10112x128xf32, #tpu.memory_space<hbm>>, %arg3: memref<2x16x82x128xi32, #tpu.memory_space<hbm>>, %arg4: memref<2x16x82x128xi32, #tpu.memory_space<hbm>>, %arg5: memref<10112x128xf32, #tpu.memory_space<hbm>>, %arg6: memref<2x10112x128xf32, #tpu.memory_space<hbm>>, %arg7: memref<48x128xi32, #tpu.memory_space<vmem>>, %arg8: memref<48x128xi32, #tpu.memory_space<vmem>>, %arg9: memref<128x128xf32, #tpu.memory_space<vmem>>, %arg10: memref<128x128xf32, #tpu.memory_space<vmem>>, %arg11: memref<10112x128xf32, #tpu.memory_space<vmem_shared>>, %arg12: memref<!tpu.dma_semaphore, #tpu.memory_space<semaphore_mem>>, %arg13: memref<!tpu.dma_semaphore, #tpu.memory_space<semaphore_mem>>, %arg14: memref<!tpu.dma_semaphore, #tpu.memory_space<semaphore_mem>>, %arg15: memref<!tpu.dma_semaphore, #tpu.memory_space<semaphore_mem>>) attributes {dimension_semantics = [#tpu.dimension_semantics<core_parallel>, #tpu.dimension_semantics<subcore_parallel>], iteration_bounds = array<i64: 2, 16>, scalar_prefetch = 0 : i64, scratch_operands = 9 : i64, tpu.core_type = #tpu.core_type<sc_vector_subcore>, window_params = [{transform_indices = #map}, {transform_indices = #map1}, {transform_indices = #map1}, {transform_indices = #map}, {transform_indices = #map2}]} {
    %mul3A = arith.constant 632 : i32
    %mul3A_0 = arith.muli %arg1, %mul3A : i32
    %dma_start3A = arith.constant 0 : i32
    %dma_start3A_1 = tpu.memref_slice %arg11[%mul3A_0, %dma_start3A] : memref<10112x128xf32, #tpu.memory_space<vmem_shared>> -> memref<632x128xf32, #tpu.memory_space<vmem_shared>>
    %dma_start3A_2 = arith.constant 0 : i32
    %dma_start3A_3 = tpu.memref_slice %arg5[%mul3A_0, %dma_start3A_2] : memref<10112x128xf32, #tpu.memory_space<hbm>> -> memref<632x128xf32, #tpu.memory_space<hbm>>
    tpu.enqueue_dma source(%dma_start3A_3 : memref<632x128xf32, #tpu.memory_space<hbm>>) target(%dma_start3A_1 : memref<632x128xf32, #tpu.memory_space<vmem_shared>>) target_semaphore(%arg14 : memref<!tpu.dma_semaphore, #tpu.memory_space<semaphore_mem>>)
    "tpu.region"() ({
      %run_scoped3A = tpu.sem_alloc : memref<!tpu.dma_semaphore, #tpu.memory_space<semaphore_mem>>
      %dma_start3A_45 = arith.constant 0 : i32
      %dma_start3A_46 = arith.constant 0 : i32
      %dma_start3A_47 = tpu.memref_slice %arg7[%dma_start3A_45, %dma_start3A_46] : memref<48x128xi32, #tpu.memory_space<vmem>> -> memref<48x128xi32, #tpu.memory_space<vmem>>
      %dma_start3A_48 = arith.constant 0 : i32
      %dma_start3A_49 = arith.constant 0 : i32
      %dma_start3A_50 = tpu.memref_slice %arg3[%arg0, %arg1, %dma_start3A_48, %dma_start3A_49] : memref<2x16x82x128xi32, #tpu.memory_space<hbm>> -> memref<1x1x48x128xi32, #tpu.memory_space<hbm>>
      %dma_start3A_51 = tpu.memref_squeeze %dma_start3A_50 : memref<1x1x48x128xi32, #tpu.memory_space<hbm>> -> memref<48x128xi32, #tpu.memory_space<hbm>>
      %dma_start3A_52 = arith.constant 0 : i32
      %dma_start3A_53 = arith.constant 0 : i32
      %dma_start3A_54 = tpu.memref_slice %arg7[%dma_start3A_52, %dma_start3A_53] : memref<48x128xi32, #tpu.memory_space<vmem>> -> memref<48x128xi32, #tpu.memory_space<vmem>>
      %dma_start3A_55 = arith.constant 0 : i32
      %dma_start3A_56 = arith.constant 0 : i32
      %dma_start3A_57 = tpu.memref_slice %arg3[%arg0, %arg1, %dma_start3A_55, %dma_start3A_56] : memref<2x16x82x128xi32, #tpu.memory_space<hbm>> -> memref<1x1x48x128xi32, #tpu.memory_space<hbm>>
      %dma_start3A_58 = tpu.memref_squeeze %dma_start3A_57 : memref<1x1x48x128xi32, #tpu.memory_space<hbm>> -> memref<48x128xi32, #tpu.memory_space<hbm>>
      tpu.enqueue_dma source(%dma_start3A_58 : memref<48x128xi32, #tpu.memory_space<hbm>>) target(%dma_start3A_54 : memref<48x128xi32, #tpu.memory_space<vmem>>) target_semaphore(%run_scoped3A : memref<!tpu.dma_semaphore, #tpu.memory_space<semaphore_mem>>)
      %dma_wait3A_59 = arith.constant 0 : i32
      %dma_wait3A_60 = arith.constant 0 : i32
      %dma_wait3A_61 = tpu.memref_slice %arg7[%dma_wait3A_59, %dma_wait3A_60] : memref<48x128xi32, #tpu.memory_space<vmem>> -> memref<48x128xi32, #tpu.memory_space<vmem>>
      %dma_wait3A_62 = arith.constant 0 : i32
      %dma_wait3A_63 = arith.constant 0 : i32
      %dma_wait3A_64 = tpu.memref_slice %arg3[%arg0, %arg1, %dma_wait3A_62, %dma_wait3A_63] : memref<2x16x82x128xi32, #tpu.memory_space<hbm>> -> memref<1x1x48x128xi32, #tpu.memory_space<hbm>>
      %dma_wait3A_65 = tpu.memref_squeeze %dma_wait3A_64 : memref<1x1x48x128xi32, #tpu.memory_space<hbm>> -> memref<48x128xi32, #tpu.memory_space<hbm>>
      %dma_wait3A_66 = arith.constant 0 : i32
      %dma_wait3A_67 = arith.constant 0 : i32
      %dma_wait3A_68 = tpu.memref_slice %arg7[%dma_wait3A_66, %dma_wait3A_67] : memref<48x128xi32, #tpu.memory_space<vmem>> -> memref<48x128xi32, #tpu.memory_space<vmem>>
      %dma_wait3A_69 = arith.constant 0 : i32
      %dma_wait3A_70 = arith.constant 0 : i32
      %dma_wait3A_71 = tpu.memref_slice %arg3[%arg0, %arg1, %dma_wait3A_69, %dma_wait3A_70] : memref<2x16x82x128xi32, #tpu.memory_space<hbm>> -> memref<1x1x48x128xi32, #tpu.memory_space<hbm>>
      %dma_wait3A_72 = tpu.memref_squeeze %dma_wait3A_71 : memref<1x1x48x128xi32, #tpu.memory_space<hbm>> -> memref<48x128xi32, #tpu.memory_space<hbm>>
      tpu.wait_dma2 semaphore(%run_scoped3A : memref<!tpu.dma_semaphore, #tpu.memory_space<semaphore_mem>>) src(%dma_wait3A_72 : memref<48x128xi32, #tpu.memory_space<hbm>>) dst(%dma_wait3A_68 : memref<48x128xi32, #tpu.memory_space<vmem>>)
      tpu.yield
    }) : () -> ()
    "tpu.region"() ({
      %run_scoped3A = tpu.sem_alloc : memref<!tpu.dma_semaphore, #tpu.memory_space<semaphore_mem>>
      %dma_start3A_45 = arith.constant 0 : i32
      %dma_start3A_46 = arith.constant 0 : i32
      %dma_start3A_47 = tpu.memref_slice %arg8[%dma_start3A_45, %dma_start3A_46] : memref<48x128xi32, #tpu.memory_space<vmem>> -> memref<48x128xi32, #tpu.memory_space<vmem>>
      %dma_start3A_48 = arith.constant 0 : i32
      %dma_start3A_49 = arith.constant 0 : i32
      %dma_start3A_50 = tpu.memref_slice %arg4[%arg0, %arg1, %dma_start3A_48, %dma_start3A_49] : memref<2x16x82x128xi32, #tpu.memory_space<hbm>> -> memref<1x1x48x128xi32, #tpu.memory_space<hbm>>
      %dma_start3A_51 = tpu.memref_squeeze %dma_start3A_50 : memref<1x1x48x128xi32, #tpu.memory_space<hbm>> -> memref<48x128xi32, #tpu.memory_space<hbm>>
      %dma_start3A_52 = arith.constant 0 : i32
      %dma_start3A_53 = arith.constant 0 : i32
      %dma_start3A_54 = tpu.memref_slice %arg8[%dma_start3A_52, %dma_start3A_53] : memref<48x128xi32, #tpu.memory_space<vmem>> -> memref<48x128xi32, #tpu.memory_space<vmem>>
      %dma_start3A_55 = arith.constant 0 : i32
      %dma_start3A_56 = arith.constant 0 : i32
      %dma_start3A_57 = tpu.memref_slice %arg4[%arg0, %arg1, %dma_start3A_55, %dma_start3A_56] : memref<2x16x82x128xi32, #tpu.memory_space<hbm>> -> memref<1x1x48x128xi32, #tpu.memory_space<hbm>>
      %dma_start3A_58 = tpu.memref_squeeze %dma_start3A_57 : memref<1x1x48x128xi32, #tpu.memory_space<hbm>> -> memref<48x128xi32, #tpu.memory_space<hbm>>
      tpu.enqueue_dma source(%dma_start3A_58 : memref<48x128xi32, #tpu.memory_space<hbm>>) target(%dma_start3A_54 : memref<48x128xi32, #tpu.memory_space<vmem>>) target_semaphore(%run_scoped3A : memref<!tpu.dma_semaphore, #tpu.memory_space<semaphore_mem>>)
      %dma_wait3A_59 = arith.constant 0 : i32
      %dma_wait3A_60 = arith.constant 0 : i32
      %dma_wait3A_61 = tpu.memref_slice %arg8[%dma_wait3A_59, %dma_wait3A_60] : memref<48x128xi32, #tpu.memory_space<vmem>> -> memref<48x128xi32, #tpu.memory_space<vmem>>
      %dma_wait3A_62 = arith.constant 0 : i32
      %dma_wait3A_63 = arith.constant 0 : i32
      %dma_wait3A_64 = tpu.memref_slice %arg4[%arg0, %arg1, %dma_wait3A_62, %dma_wait3A_63] : memref<2x16x82x128xi32, #tpu.memory_space<hbm>> -> memref<1x1x48x128xi32, #tpu.memory_space<hbm>>
      %dma_wait3A_65 = tpu.memref_squeeze %dma_wait3A_64 : memref<1x1x48x128xi32, #tpu.memory_space<hbm>> -> memref<48x128xi32, #tpu.memory_space<hbm>>
      %dma_wait3A_66 = arith.constant 0 : i32
      %dma_wait3A_67 = arith.constant 0 : i32
      %dma_wait3A_68 = tpu.memref_slice %arg8[%dma_wait3A_66, %dma_wait3A_67] : memref<48x128xi32, #tpu.memory_space<vmem>> -> memref<48x128xi32, #tpu.memory_space<vmem>>
      %dma_wait3A_69 = arith.constant 0 : i32
      %dma_wait3A_70 = arith.constant 0 : i32
      %dma_wait3A_71 = tpu.memref_slice %arg4[%arg0, %arg1, %dma_wait3A_69, %dma_wait3A_70] : memref<2x16x82x128xi32, #tpu.memory_space<hbm>> -> memref<1x1x48x128xi32, #tpu.memory_space<hbm>>
      %dma_wait3A_72 = tpu.memref_squeeze %dma_wait3A_71 : memref<1x1x48x128xi32, #tpu.memory_space<hbm>> -> memref<48x128xi32, #tpu.memory_space<hbm>>
      tpu.wait_dma2 semaphore(%run_scoped3A : memref<!tpu.dma_semaphore, #tpu.memory_space<semaphore_mem>>) src(%dma_wait3A_72 : memref<48x128xi32, #tpu.memory_space<hbm>>) dst(%dma_wait3A_68 : memref<48x128xi32, #tpu.memory_space<vmem>>)
      tpu.yield
    }) : () -> ()
    %dma_wait3A = arith.constant 0 : i32
    %dma_wait3A_4 = tpu.memref_slice %arg11[%mul3A_0, %dma_wait3A] : memref<10112x128xf32, #tpu.memory_space<vmem_shared>> -> memref<632x128xf32, #tpu.memory_space<vmem_shared>>
    %dma_wait3A_5 = arith.constant 0 : i32
    %dma_wait3A_6 = tpu.memref_slice %arg5[%mul3A_0, %dma_wait3A_5] : memref<10112x128xf32, #tpu.memory_space<hbm>> -> memref<632x128xf32, #tpu.memory_space<hbm>>
    tpu.wait_dma2 semaphore(%arg14 : memref<!tpu.dma_semaphore, #tpu.memory_space<semaphore_mem>>) src(%dma_wait3A_6 : memref<632x128xf32, #tpu.memory_space<hbm>>) dst(%dma_wait3A_4 : memref<632x128xf32, #tpu.memory_space<vmem_shared>>)
    %barrier3A = arith.constant 0 : index
    tpu.barrier barrier_id(%barrier3A)
    %scan3A = arith.constant 0 : i32
    %scan3A_7 = arith.constant 24 : i32
    %scan3A_8 = arith.addi %scan3A, %scan3A_7 : i32
    %scan3A_9 = arith.constant 1 : i32
    scf.for %scan3A_45 = %scan3A to %scan3A_8 step %scan3A_9  : i32 {
      %mul3A_46 = arith.constant 2 : i32
      %mul3A_47 = arith.muli %scan3A_45, %mul3A_46 : i32
      %add3A = arith.constant 0 : i32
      %add3A_48 = arith.addi %add3A, %mul3A_47 : i32
      %gt3A = arith.constant 0 : i32
      %gt3A_49 = arith.cmpi sgt, %add3A_48, %gt3A : i32
      %convert_element_type3A = arith.extui %gt3A_49 : i1 to i32
      %cond3A = arith.constant 0 : i32
      %cond3A_50 = arith.cmpi ne, %convert_element_type3A, %cond3A : i32
      scf.if %cond3A_50 {
        %dma_wait3A_72 = arith.constant 0 : i32
        %dma_wait3A_73 = tpu.memref_slice %arg8[%add3A_48, %dma_wait3A_72] : memref<48x128xi32, #tpu.memory_space<vmem>> -> memref<1x128xi32, #tpu.memory_space<vmem>>
        %dma_wait3A_74 = tpu.memref_squeeze %dma_wait3A_73 : memref<1x128xi32, #tpu.memory_space<vmem>> -> memref<128xi32, #tpu.memory_space<vmem>>
        %dma_wait3A_75 = arith.constant 0 : i32
        %dma_wait3A_76 = arith.constant 0 : i32
        %dma_wait3A_77 = tpu.memref_slice %arg11[%dma_wait3A_75, %dma_wait3A_76] : memref<10112x128xf32, #tpu.memory_space<vmem_shared>> -> memref<10112x128xf32, #tpu.memory_space<vmem_shared>>
        tpu.wait_indirect_dma semaphore(%arg14 : memref<!tpu.dma_semaphore, #tpu.memory_space<semaphore_mem>>) src(%arg9 : memref<128x128xf32, #tpu.memory_space<vmem>>) dst(%dma_wait3A_77 : memref<10112x128xf32, #tpu.memory_space<vmem_shared>>)
      } else {
      }
      "tpu.region"() ({
        %run_scoped3A = tpu.sem_alloc : memref<!tpu.dma_semaphore, #tpu.memory_space<semaphore_mem>>
        %dma_start3A_72 = arith.constant 0 : i32
        %dma_start3A_73 = tpu.memref_slice %arg7[%add3A_48, %dma_start3A_72] : memref<48x128xi32, #tpu.memory_space<vmem>> -> memref<1x128xi32, #tpu.memory_space<vmem>>
        %dma_start3A_74 = tpu.memref_squeeze %dma_start3A_73 : memref<1x128xi32, #tpu.memory_space<vmem>> -> memref<128xi32, #tpu.memory_space<vmem>>
        %dma_start3A_75 = arith.constant 0 : i32
        %dma_start3A_76 = arith.constant 0 : i32
        %dma_start3A_77 = tpu.memref_slice %arg2[%dma_start3A_75, %dma_start3A_76] : memref<10112x128xf32, #tpu.memory_space<hbm>> -> memref<10112x128xf32, #tpu.memory_space<hbm>>
        tpu.enqueue_indirect_dma source(%dma_start3A_77 : memref<10112x128xf32, #tpu.memory_space<hbm>>) target(%arg9 : memref<128x128xf32, #tpu.memory_space<vmem>>) offsets(%dma_start3A_74 : memref<128xi32, #tpu.memory_space<vmem>>) semaphore(%run_scoped3A : memref<!tpu.dma_semaphore, #tpu.memory_space<semaphore_mem>>)
        %dma_wait3A_78 = arith.constant 0 : i32
        %dma_wait3A_79 = tpu.memref_slice %arg7[%add3A_48, %dma_wait3A_78] : memref<48x128xi32, #tpu.memory_space<vmem>> -> memref<1x128xi32, #tpu.memory_space<vmem>>
        %dma_wait3A_80 = tpu.memref_squeeze %dma_wait3A_79 : memref<1x128xi32, #tpu.memory_space<vmem>> -> memref<128xi32, #tpu.memory_space<vmem>>
        %dma_wait3A_81 = arith.constant 0 : i32
        %dma_wait3A_82 = arith.constant 0 : i32
        %dma_wait3A_83 = tpu.memref_slice %arg2[%dma_wait3A_81, %dma_wait3A_82] : memref<10112x128xf32, #tpu.memory_space<hbm>> -> memref<10112x128xf32, #tpu.memory_space<hbm>>
        tpu.wait_indirect_dma semaphore(%run_scoped3A : memref<!tpu.dma_semaphore, #tpu.memory_space<semaphore_mem>>) src(%dma_wait3A_83 : memref<10112x128xf32, #tpu.memory_space<hbm>>) dst(%arg9 : memref<128x128xf32, #tpu.memory_space<vmem>>)
        tpu.yield
      }) : () -> ()
      %dma_start3A_51 = arith.constant 0 : i32
      %dma_start3A_52 = tpu.memref_slice %arg8[%add3A_48, %dma_start3A_51] : memref<48x128xi32, #tpu.memory_space<vmem>> -> memref<1x128xi32, #tpu.memory_space<vmem>>
      %dma_start3A_53 = tpu.memref_squeeze %dma_start3A_52 : memref<1x128xi32, #tpu.memory_space<vmem>> -> memref<128xi32, #tpu.memory_space<vmem>>
      %dma_start3A_54 = arith.constant 0 : i32
      %dma_start3A_55 = arith.constant 0 : i32
      %dma_start3A_56 = tpu.memref_slice %arg11[%dma_start3A_54, %dma_start3A_55] : memref<10112x128xf32, #tpu.memory_space<vmem_shared>> -> memref<10112x128xf32, #tpu.memory_space<vmem_shared>>
      tpu.enqueue_indirect_dma source(%arg9 : memref<128x128xf32, #tpu.memory_space<vmem>>) target(%dma_start3A_56 : memref<10112x128xf32, #tpu.memory_space<vmem_shared>>) offsets(%dma_start3A_53 : memref<128xi32, #tpu.memory_space<vmem>>) semaphore(%arg14 : memref<!tpu.dma_semaphore, #tpu.memory_space<semaphore_mem>>) {add = true}
      %gt3A_57 = arith.constant 0 : i32
      %gt3A_58 = arith.cmpi sgt, %add3A_48, %gt3A_57 : i32
      %convert_element_type3A_59 = arith.extui %gt3A_58 : i1 to i32
      %cond3A_60 = arith.constant 0 : i32
      %cond3A_61 = arith.cmpi ne, %convert_element_type3A_59, %cond3A_60 : i32
      scf.if %cond3A_61 {
        %dma_wait3A_72 = arith.constant 0 : i32
        %dma_wait3A_73 = tpu.memref_slice %arg8[%add3A_48, %dma_wait3A_72] : memref<48x128xi32, #tpu.memory_space<vmem>> -> memref<1x128xi32, #tpu.memory_space<vmem>>
        %dma_wait3A_74 = tpu.memref_squeeze %dma_wait3A_73 : memref<1x128xi32, #tpu.memory_space<vmem>> -> memref<128xi32, #tpu.memory_space<vmem>>
        %dma_wait3A_75 = arith.constant 0 : i32
        %dma_wait3A_76 = arith.constant 0 : i32
        %dma_wait3A_77 = tpu.memref_slice %arg11[%dma_wait3A_75, %dma_wait3A_76] : memref<10112x128xf32, #tpu.memory_space<vmem_shared>> -> memref<10112x128xf32, #tpu.memory_space<vmem_shared>>
        tpu.wait_indirect_dma semaphore(%arg15 : memref<!tpu.dma_semaphore, #tpu.memory_space<semaphore_mem>>) src(%arg10 : memref<128x128xf32, #tpu.memory_space<vmem>>) dst(%dma_wait3A_77 : memref<10112x128xf32, #tpu.memory_space<vmem_shared>>)
      } else {
      }
      %add3A_62 = arith.constant 1 : i32
      %add3A_63 = arith.addi %add3A_48, %add3A_62 : i32
      "tpu.region"() ({
        %run_scoped3A = tpu.sem_alloc : memref<!tpu.dma_semaphore, #tpu.memory_space<semaphore_mem>>
        %dma_start3A_72 = arith.constant 0 : i32
        %dma_start3A_73 = tpu.memref_slice %arg7[%add3A_63, %dma_start3A_72] : memref<48x128xi32, #tpu.memory_space<vmem>> -> memref<1x128xi32, #tpu.memory_space<vmem>>
        %dma_start3A_74 = tpu.memref_squeeze %dma_start3A_73 : memref<1x128xi32, #tpu.memory_space<vmem>> -> memref<128xi32, #tpu.memory_space<vmem>>
        %dma_start3A_75 = arith.constant 0 : i32
        %dma_start3A_76 = arith.constant 0 : i32
        %dma_start3A_77 = tpu.memref_slice %arg2[%dma_start3A_75, %dma_start3A_76] : memref<10112x128xf32, #tpu.memory_space<hbm>> -> memref<10112x128xf32, #tpu.memory_space<hbm>>
        tpu.enqueue_indirect_dma source(%dma_start3A_77 : memref<10112x128xf32, #tpu.memory_space<hbm>>) target(%arg10 : memref<128x128xf32, #tpu.memory_space<vmem>>) offsets(%dma_start3A_74 : memref<128xi32, #tpu.memory_space<vmem>>) semaphore(%run_scoped3A : memref<!tpu.dma_semaphore, #tpu.memory_space<semaphore_mem>>)
        %dma_wait3A_78 = arith.constant 0 : i32
        %dma_wait3A_79 = tpu.memref_slice %arg7[%add3A_63, %dma_wait3A_78] : memref<48x128xi32, #tpu.memory_space<vmem>> -> memref<1x128xi32, #tpu.memory_space<vmem>>
        %dma_wait3A_80 = tpu.memref_squeeze %dma_wait3A_79 : memref<1x128xi32, #tpu.memory_space<vmem>> -> memref<128xi32, #tpu.memory_space<vmem>>
        %dma_wait3A_81 = arith.constant 0 : i32
        %dma_wait3A_82 = arith.constant 0 : i32
        %dma_wait3A_83 = tpu.memref_slice %arg2[%dma_wait3A_81, %dma_wait3A_82] : memref<10112x128xf32, #tpu.memory_space<hbm>> -> memref<10112x128xf32, #tpu.memory_space<hbm>>
        tpu.wait_indirect_dma semaphore(%run_scoped3A : memref<!tpu.dma_semaphore, #tpu.memory_space<semaphore_mem>>) src(%dma_wait3A_83 : memref<10112x128xf32, #tpu.memory_space<hbm>>) dst(%arg10 : memref<128x128xf32, #tpu.memory_space<vmem>>)
        tpu.yield
      }) : () -> ()
      %add3A_64 = arith.constant 1 : i32
      %add3A_65 = arith.addi %add3A_48, %add3A_64 : i32
      %dma_start3A_66 = arith.constant 0 : i32
      %dma_start3A_67 = tpu.memref_slice %arg8[%add3A_65, %dma_start3A_66] : memref<48x128xi32, #tpu.memory_space<vmem>> -> memref<1x128xi32, #tpu.memory_space<vmem>>
      %dma_start3A_68 = tpu.memref_squeeze %dma_start3A_67 : memref<1x128xi32, #tpu.memory_space<vmem>> -> memref<128xi32, #tpu.memory_space<vmem>>
      %dma_start3A_69 = arith.constant 0 : i32
      %dma_start3A_70 = arith.constant 0 : i32
      %dma_start3A_71 = tpu.memref_slice %arg11[%dma_start3A_69, %dma_start3A_70] : memref<10112x128xf32, #tpu.memory_space<vmem_shared>> -> memref<10112x128xf32, #tpu.memory_space<vmem_shared>>
      tpu.enqueue_indirect_dma source(%arg10 : memref<128x128xf32, #tpu.memory_space<vmem>>) target(%dma_start3A_71 : memref<10112x128xf32, #tpu.memory_space<vmem_shared>>) offsets(%dma_start3A_68 : memref<128xi32, #tpu.memory_space<vmem>>) semaphore(%arg15 : memref<!tpu.dma_semaphore, #tpu.memory_space<semaphore_mem>>) {add = true}
    }
    %scan3A_10 = arith.constant 24 : i32
    %dma_wait3A_11 = arith.constant 0 : i32
    %dma_wait3A_12 = arith.constant 0 : i32
    %dma_wait3A_13 = tpu.memref_slice %arg8[%dma_wait3A_11, %dma_wait3A_12] : memref<48x128xi32, #tpu.memory_space<vmem>> -> memref<1x128xi32, #tpu.memory_space<vmem>>
    %dma_wait3A_14 = tpu.memref_squeeze %dma_wait3A_13 : memref<1x128xi32, #tpu.memory_space<vmem>> -> memref<128xi32, #tpu.memory_space<vmem>>
    %dma_wait3A_15 = arith.constant 0 : i32
    %dma_wait3A_16 = arith.constant 0 : i32
    %dma_wait3A_17 = tpu.memref_slice %arg11[%dma_wait3A_15, %dma_wait3A_16] : memref<10112x128xf32, #tpu.memory_space<vmem_shared>> -> memref<10112x128xf32, #tpu.memory_space<vmem_shared>>
    tpu.wait_indirect_dma semaphore(%arg14 : memref<!tpu.dma_semaphore, #tpu.memory_space<semaphore_mem>>) src(%arg9 : memref<128x128xf32, #tpu.memory_space<vmem>>) dst(%dma_wait3A_17 : memref<10112x128xf32, #tpu.memory_space<vmem_shared>>)
    %dma_wait3A_18 = arith.constant 1 : i32
    %dma_wait3A_19 = arith.constant 0 : i32
    %dma_wait3A_20 = tpu.memref_slice %arg8[%dma_wait3A_18, %dma_wait3A_19] : memref<48x128xi32, #tpu.memory_space<vmem>> -> memref<1x128xi32, #tpu.memory_space<vmem>>
    %dma_wait3A_21 = tpu.memref_squeeze %dma_wait3A_20 : memref<1x128xi32, #tpu.memory_space<vmem>> -> memref<128xi32, #tpu.memory_space<vmem>>
    %dma_wait3A_22 = arith.constant 0 : i32
    %dma_wait3A_23 = arith.constant 0 : i32
    %dma_wait3A_24 = tpu.memref_slice %arg11[%dma_wait3A_22, %dma_wait3A_23] : memref<10112x128xf32, #tpu.memory_space<vmem_shared>> -> memref<10112x128xf32, #tpu.memory_space<vmem_shared>>
    tpu.wait_indirect_dma semaphore(%arg15 : memref<!tpu.dma_semaphore, #tpu.memory_space<semaphore_mem>>) src(%arg10 : memref<128x128xf32, #tpu.memory_space<vmem>>) dst(%dma_wait3A_24 : memref<10112x128xf32, #tpu.memory_space<vmem_shared>>)
    "tpu.region"() ({
      %run_scoped3A = tpu.sem_alloc : memref<!tpu.dma_semaphore, #tpu.memory_space<semaphore_mem>>
      %dma_start3A_45 = arith.constant 0 : i32
      %dma_start3A_46 = arith.constant 0 : i32
      %dma_start3A_47 = tpu.memref_slice %arg7[%dma_start3A_45, %dma_start3A_46] : memref<48x128xi32, #tpu.memory_space<vmem>> -> memref<34x128xi32, #tpu.memory_space<vmem>>
      %dma_start3A_48 = arith.constant 48 : i32
      %dma_start3A_49 = arith.constant 0 : i32
      %dma_start3A_50 = tpu.memref_slice %arg3[%arg0, %arg1, %dma_start3A_48, %dma_start3A_49] : memref<2x16x82x128xi32, #tpu.memory_space<hbm>> -> memref<1x1x34x128xi32, #tpu.memory_space<hbm>>
      %dma_start3A_51 = tpu.memref_squeeze %dma_start3A_50 : memref<1x1x34x128xi32, #tpu.memory_space<hbm>> -> memref<34x128xi32, #tpu.memory_space<hbm>>
      %dma_start3A_52 = arith.constant 0 : i32
      %dma_start3A_53 = arith.constant 0 : i32
      %dma_start3A_54 = tpu.memref_slice %arg7[%dma_start3A_52, %dma_start3A_53] : memref<48x128xi32, #tpu.memory_space<vmem>> -> memref<34x128xi32, #tpu.memory_space<vmem>>
      %dma_start3A_55 = arith.constant 48 : i32
      %dma_start3A_56 = arith.constant 0 : i32
      %dma_start3A_57 = tpu.memref_slice %arg3[%arg0, %arg1, %dma_start3A_55, %dma_start3A_56] : memref<2x16x82x128xi32, #tpu.memory_space<hbm>> -> memref<1x1x34x128xi32, #tpu.memory_space<hbm>>
      %dma_start3A_58 = tpu.memref_squeeze %dma_start3A_57 : memref<1x1x34x128xi32, #tpu.memory_space<hbm>> -> memref<34x128xi32, #tpu.memory_space<hbm>>
      tpu.enqueue_dma source(%dma_start3A_58 : memref<34x128xi32, #tpu.memory_space<hbm>>) target(%dma_start3A_54 : memref<34x128xi32, #tpu.memory_space<vmem>>) target_semaphore(%run_scoped3A : memref<!tpu.dma_semaphore, #tpu.memory_space<semaphore_mem>>)
      %dma_wait3A_59 = arith.constant 0 : i32
      %dma_wait3A_60 = arith.constant 0 : i32
      %dma_wait3A_61 = tpu.memref_slice %arg7[%dma_wait3A_59, %dma_wait3A_60] : memref<48x128xi32, #tpu.memory_space<vmem>> -> memref<34x128xi32, #tpu.memory_space<vmem>>
      %dma_wait3A_62 = arith.constant 48 : i32
      %dma_wait3A_63 = arith.constant 0 : i32
      %dma_wait3A_64 = tpu.memref_slice %arg3[%arg0, %arg1, %dma_wait3A_62, %dma_wait3A_63] : memref<2x16x82x128xi32, #tpu.memory_space<hbm>> -> memref<1x1x34x128xi32, #tpu.memory_space<hbm>>
      %dma_wait3A_65 = tpu.memref_squeeze %dma_wait3A_64 : memref<1x1x34x128xi32, #tpu.memory_space<hbm>> -> memref<34x128xi32, #tpu.memory_space<hbm>>
      %dma_wait3A_66 = arith.constant 0 : i32
      %dma_wait3A_67 = arith.constant 0 : i32
      %dma_wait3A_68 = tpu.memref_slice %arg7[%dma_wait3A_66, %dma_wait3A_67] : memref<48x128xi32, #tpu.memory_space<vmem>> -> memref<34x128xi32, #tpu.memory_space<vmem>>
      %dma_wait3A_69 = arith.constant 48 : i32
      %dma_wait3A_70 = arith.constant 0 : i32
      %dma_wait3A_71 = tpu.memref_slice %arg3[%arg0, %arg1, %dma_wait3A_69, %dma_wait3A_70] : memref<2x16x82x128xi32, #tpu.memory_space<hbm>> -> memref<1x1x34x128xi32, #tpu.memory_space<hbm>>
      %dma_wait3A_72 = tpu.memref_squeeze %dma_wait3A_71 : memref<1x1x34x128xi32, #tpu.memory_space<hbm>> -> memref<34x128xi32, #tpu.memory_space<hbm>>
      tpu.wait_dma2 semaphore(%run_scoped3A : memref<!tpu.dma_semaphore, #tpu.memory_space<semaphore_mem>>) src(%dma_wait3A_72 : memref<34x128xi32, #tpu.memory_space<hbm>>) dst(%dma_wait3A_68 : memref<34x128xi32, #tpu.memory_space<vmem>>)
      tpu.yield
    }) : () -> ()
    "tpu.region"() ({
      %run_scoped3A = tpu.sem_alloc : memref<!tpu.dma_semaphore, #tpu.memory_space<semaphore_mem>>
      %dma_start3A_45 = arith.constant 0 : i32
      %dma_start3A_46 = arith.constant 0 : i32
      %dma_start3A_47 = tpu.memref_slice %arg8[%dma_start3A_45, %dma_start3A_46] : memref<48x128xi32, #tpu.memory_space<vmem>> -> memref<34x128xi32, #tpu.memory_space<vmem>>
      %dma_start3A_48 = arith.constant 48 : i32
      %dma_start3A_49 = arith.constant 0 : i32
      %dma_start3A_50 = tpu.memref_slice %arg4[%arg0, %arg1, %dma_start3A_48, %dma_start3A_49] : memref<2x16x82x128xi32, #tpu.memory_space<hbm>> -> memref<1x1x34x128xi32, #tpu.memory_space<hbm>>
      %dma_start3A_51 = tpu.memref_squeeze %dma_start3A_50 : memref<1x1x34x128xi32, #tpu.memory_space<hbm>> -> memref<34x128xi32, #tpu.memory_space<hbm>>
      %dma_start3A_52 = arith.constant 0 : i32
      %dma_start3A_53 = arith.constant 0 : i32
      %dma_start3A_54 = tpu.memref_slice %arg8[%dma_start3A_52, %dma_start3A_53] : memref<48x128xi32, #tpu.memory_space<vmem>> -> memref<34x128xi32, #tpu.memory_space<vmem>>
      %dma_start3A_55 = arith.constant 48 : i32
      %dma_start3A_56 = arith.constant 0 : i32
      %dma_start3A_57 = tpu.memref_slice %arg4[%arg0, %arg1, %dma_start3A_55, %dma_start3A_56] : memref<2x16x82x128xi32, #tpu.memory_space<hbm>> -> memref<1x1x34x128xi32, #tpu.memory_space<hbm>>
      %dma_start3A_58 = tpu.memref_squeeze %dma_start3A_57 : memref<1x1x34x128xi32, #tpu.memory_space<hbm>> -> memref<34x128xi32, #tpu.memory_space<hbm>>
      tpu.enqueue_dma source(%dma_start3A_58 : memref<34x128xi32, #tpu.memory_space<hbm>>) target(%dma_start3A_54 : memref<34x128xi32, #tpu.memory_space<vmem>>) target_semaphore(%run_scoped3A : memref<!tpu.dma_semaphore, #tpu.memory_space<semaphore_mem>>)
      %dma_wait3A_59 = arith.constant 0 : i32
      %dma_wait3A_60 = arith.constant 0 : i32
      %dma_wait3A_61 = tpu.memref_slice %arg8[%dma_wait3A_59, %dma_wait3A_60] : memref<48x128xi32, #tpu.memory_space<vmem>> -> memref<34x128xi32, #tpu.memory_space<vmem>>
      %dma_wait3A_62 = arith.constant 48 : i32
      %dma_wait3A_63 = arith.constant 0 : i32
      %dma_wait3A_64 = tpu.memref_slice %arg4[%arg0, %arg1, %dma_wait3A_62, %dma_wait3A_63] : memref<2x16x82x128xi32, #tpu.memory_space<hbm>> -> memref<1x1x34x128xi32, #tpu.memory_space<hbm>>
      %dma_wait3A_65 = tpu.memref_squeeze %dma_wait3A_64 : memref<1x1x34x128xi32, #tpu.memory_space<hbm>> -> memref<34x128xi32, #tpu.memory_space<hbm>>
      %dma_wait3A_66 = arith.constant 0 : i32
      %dma_wait3A_67 = arith.constant 0 : i32
      %dma_wait3A_68 = tpu.memref_slice %arg8[%dma_wait3A_66, %dma_wait3A_67] : memref<48x128xi32, #tpu.memory_space<vmem>> -> memref<34x128xi32, #tpu.memory_space<vmem>>
      %dma_wait3A_69 = arith.constant 48 : i32
      %dma_wait3A_70 = arith.constant 0 : i32
      %dma_wait3A_71 = tpu.memref_slice %arg4[%arg0, %arg1, %dma_wait3A_69, %dma_wait3A_70] : memref<2x16x82x128xi32, #tpu.memory_space<hbm>> -> memref<1x1x34x128xi32, #tpu.memory_space<hbm>>
      %dma_wait3A_72 = tpu.memref_squeeze %dma_wait3A_71 : memref<1x1x34x128xi32, #tpu.memory_space<hbm>> -> memref<34x128xi32, #tpu.memory_space<hbm>>
      tpu.wait_dma2 semaphore(%run_scoped3A : memref<!tpu.dma_semaphore, #tpu.memory_space<semaphore_mem>>) src(%dma_wait3A_72 : memref<34x128xi32, #tpu.memory_space<hbm>>) dst(%dma_wait3A_68 : memref<34x128xi32, #tpu.memory_space<vmem>>)
      tpu.yield
    }) : () -> ()
    %scan3A_25 = arith.constant 0 : i32
    %scan3A_26 = arith.constant 17 : i32
    %scan3A_27 = arith.addi %scan3A_25, %scan3A_26 : i32
    %scan3A_28 = arith.constant 1 : i32
    scf.for %scan3A_45 = %scan3A_25 to %scan3A_27 step %scan3A_28  : i32 {
      %mul3A_46 = arith.constant 2 : i32
      %mul3A_47 = arith.muli %scan3A_45, %mul3A_46 : i32
      %add3A = arith.constant 0 : i32
      %add3A_48 = arith.addi %add3A, %mul3A_47 : i32
      %gt3A = arith.constant 0 : i32
      %gt3A_49 = arith.cmpi sgt, %add3A_48, %gt3A : i32
      %convert_element_type3A = arith.extui %gt3A_49 : i1 to i32
      %cond3A = arith.constant 0 : i32
      %cond3A_50 = arith.cmpi ne, %convert_element_type3A, %cond3A : i32
      scf.if %cond3A_50 {
        %dma_wait3A_72 = arith.constant 0 : i32
        %dma_wait3A_73 = tpu.memref_slice %arg8[%add3A_48, %dma_wait3A_72] : memref<48x128xi32, #tpu.memory_space<vmem>> -> memref<1x128xi32, #tpu.memory_space<vmem>>
        %dma_wait3A_74 = tpu.memref_squeeze %dma_wait3A_73 : memref<1x128xi32, #tpu.memory_space<vmem>> -> memref<128xi32, #tpu.memory_space<vmem>>
        %dma_wait3A_75 = arith.constant 0 : i32
        %dma_wait3A_76 = arith.constant 0 : i32
        %dma_wait3A_77 = tpu.memref_slice %arg11[%dma_wait3A_75, %dma_wait3A_76] : memref<10112x128xf32, #tpu.memory_space<vmem_shared>> -> memref<10112x128xf32, #tpu.memory_space<vmem_shared>>
        tpu.wait_indirect_dma semaphore(%arg14 : memref<!tpu.dma_semaphore, #tpu.memory_space<semaphore_mem>>) src(%arg9 : memref<128x128xf32, #tpu.memory_space<vmem>>) dst(%dma_wait3A_77 : memref<10112x128xf32, #tpu.memory_space<vmem_shared>>)
      } else {
      }
      "tpu.region"() ({
        %run_scoped3A = tpu.sem_alloc : memref<!tpu.dma_semaphore, #tpu.memory_space<semaphore_mem>>
        %dma_start3A_72 = arith.constant 0 : i32
        %dma_start3A_73 = tpu.memref_slice %arg7[%add3A_48, %dma_start3A_72] : memref<48x128xi32, #tpu.memory_space<vmem>> -> memref<1x128xi32, #tpu.memory_space<vmem>>
        %dma_start3A_74 = tpu.memref_squeeze %dma_start3A_73 : memref<1x128xi32, #tpu.memory_space<vmem>> -> memref<128xi32, #tpu.memory_space<vmem>>
        %dma_start3A_75 = arith.constant 0 : i32
        %dma_start3A_76 = arith.constant 0 : i32
        %dma_start3A_77 = tpu.memref_slice %arg2[%dma_start3A_75, %dma_start3A_76] : memref<10112x128xf32, #tpu.memory_space<hbm>> -> memref<10112x128xf32, #tpu.memory_space<hbm>>
        tpu.enqueue_indirect_dma source(%dma_start3A_77 : memref<10112x128xf32, #tpu.memory_space<hbm>>) target(%arg9 : memref<128x128xf32, #tpu.memory_space<vmem>>) offsets(%dma_start3A_74 : memref<128xi32, #tpu.memory_space<vmem>>) semaphore(%run_scoped3A : memref<!tpu.dma_semaphore, #tpu.memory_space<semaphore_mem>>)
        %dma_wait3A_78 = arith.constant 0 : i32
        %dma_wait3A_79 = tpu.memref_slice %arg7[%add3A_48, %dma_wait3A_78] : memref<48x128xi32, #tpu.memory_space<vmem>> -> memref<1x128xi32, #tpu.memory_space<vmem>>
        %dma_wait3A_80 = tpu.memref_squeeze %dma_wait3A_79 : memref<1x128xi32, #tpu.memory_space<vmem>> -> memref<128xi32, #tpu.memory_space<vmem>>
        %dma_wait3A_81 = arith.constant 0 : i32
        %dma_wait3A_82 = arith.constant 0 : i32
        %dma_wait3A_83 = tpu.memref_slice %arg2[%dma_wait3A_81, %dma_wait3A_82] : memref<10112x128xf32, #tpu.memory_space<hbm>> -> memref<10112x128xf32, #tpu.memory_space<hbm>>
        tpu.wait_indirect_dma semaphore(%run_scoped3A : memref<!tpu.dma_semaphore, #tpu.memory_space<semaphore_mem>>) src(%dma_wait3A_83 : memref<10112x128xf32, #tpu.memory_space<hbm>>) dst(%arg9 : memref<128x128xf32, #tpu.memory_space<vmem>>)
        tpu.yield
      }) : () -> ()
      %dma_start3A_51 = arith.constant 0 : i32
      %dma_start3A_52 = tpu.memref_slice %arg8[%add3A_48, %dma_start3A_51] : memref<48x128xi32, #tpu.memory_space<vmem>> -> memref<1x128xi32, #tpu.memory_space<vmem>>
      %dma_start3A_53 = tpu.memref_squeeze %dma_start3A_52 : memref<1x128xi32, #tpu.memory_space<vmem>> -> memref<128xi32, #tpu.memory_space<vmem>>
      %dma_start3A_54 = arith.constant 0 : i32
      %dma_start3A_55 = arith.constant 0 : i32
      %dma_start3A_56 = tpu.memref_slice %arg11[%dma_start3A_54, %dma_start3A_55] : memref<10112x128xf32, #tpu.memory_space<vmem_shared>> -> memref<10112x128xf32, #tpu.memory_space<vmem_shared>>
      tpu.enqueue_indirect_dma source(%arg9 : memref<128x128xf32, #tpu.memory_space<vmem>>) target(%dma_start3A_56 : memref<10112x128xf32, #tpu.memory_space<vmem_shared>>) offsets(%dma_start3A_53 : memref<128xi32, #tpu.memory_space<vmem>>) semaphore(%arg14 : memref<!tpu.dma_semaphore, #tpu.memory_space<semaphore_mem>>) {add = true}
      %gt3A_57 = arith.constant 0 : i32
      %gt3A_58 = arith.cmpi sgt, %add3A_48, %gt3A_57 : i32
      %convert_element_type3A_59 = arith.extui %gt3A_58 : i1 to i32
      %cond3A_60 = arith.constant 0 : i32
      %cond3A_61 = arith.cmpi ne, %convert_element_type3A_59, %cond3A_60 : i32
      scf.if %cond3A_61 {
        %dma_wait3A_72 = arith.constant 0 : i32
        %dma_wait3A_73 = tpu.memref_slice %arg8[%add3A_48, %dma_wait3A_72] : memref<48x128xi32, #tpu.memory_space<vmem>> -> memref<1x128xi32, #tpu.memory_space<vmem>>
        %dma_wait3A_74 = tpu.memref_squeeze %dma_wait3A_73 : memref<1x128xi32, #tpu.memory_space<vmem>> -> memref<128xi32, #tpu.memory_space<vmem>>
        %dma_wait3A_75 = arith.constant 0 : i32
        %dma_wait3A_76 = arith.constant 0 : i32
        %dma_wait3A_77 = tpu.memref_slice %arg11[%dma_wait3A_75, %dma_wait3A_76] : memref<10112x128xf32, #tpu.memory_space<vmem_shared>> -> memref<10112x128xf32, #tpu.memory_space<vmem_shared>>
        tpu.wait_indirect_dma semaphore(%arg15 : memref<!tpu.dma_semaphore, #tpu.memory_space<semaphore_mem>>) src(%arg10 : memref<128x128xf32, #tpu.memory_space<vmem>>) dst(%dma_wait3A_77 : memref<10112x128xf32, #tpu.memory_space<vmem_shared>>)
      } else {
      }
      %add3A_62 = arith.constant 1 : i32
      %add3A_63 = arith.addi %add3A_48, %add3A_62 : i32
      "tpu.region"() ({
        %run_scoped3A = tpu.sem_alloc : memref<!tpu.dma_semaphore, #tpu.memory_space<semaphore_mem>>
        %dma_start3A_72 = arith.constant 0 : i32
        %dma_start3A_73 = tpu.memref_slice %arg7[%add3A_63, %dma_start3A_72] : memref<48x128xi32, #tpu.memory_space<vmem>> -> memref<1x128xi32, #tpu.memory_space<vmem>>
        %dma_start3A_74 = tpu.memref_squeeze %dma_start3A_73 : memref<1x128xi32, #tpu.memory_space<vmem>> -> memref<128xi32, #tpu.memory_space<vmem>>
        %dma_start3A_75 = arith.constant 0 : i32
        %dma_start3A_76 = arith.constant 0 : i32
        %dma_start3A_77 = tpu.memref_slice %arg2[%dma_start3A_75, %dma_start3A_76] : memref<10112x128xf32, #tpu.memory_space<hbm>> -> memref<10112x128xf32, #tpu.memory_space<hbm>>
        tpu.enqueue_indirect_dma source(%dma_start3A_77 : memref<10112x128xf32, #tpu.memory_space<hbm>>) target(%arg10 : memref<128x128xf32, #tpu.memory_space<vmem>>) offsets(%dma_start3A_74 : memref<128xi32, #tpu.memory_space<vmem>>) semaphore(%run_scoped3A : memref<!tpu.dma_semaphore, #tpu.memory_space<semaphore_mem>>)
        %dma_wait3A_78 = arith.constant 0 : i32
        %dma_wait3A_79 = tpu.memref_slice %arg7[%add3A_63, %dma_wait3A_78] : memref<48x128xi32, #tpu.memory_space<vmem>> -> memref<1x128xi32, #tpu.memory_space<vmem>>
        %dma_wait3A_80 = tpu.memref_squeeze %dma_wait3A_79 : memref<1x128xi32, #tpu.memory_space<vmem>> -> memref<128xi32, #tpu.memory_space<vmem>>
        %dma_wait3A_81 = arith.constant 0 : i32
        %dma_wait3A_82 = arith.constant 0 : i32
        %dma_wait3A_83 = tpu.memref_slice %arg2[%dma_wait3A_81, %dma_wait3A_82] : memref<10112x128xf32, #tpu.memory_space<hbm>> -> memref<10112x128xf32, #tpu.memory_space<hbm>>
        tpu.wait_indirect_dma semaphore(%run_scoped3A : memref<!tpu.dma_semaphore, #tpu.memory_space<semaphore_mem>>) src(%dma_wait3A_83 : memref<10112x128xf32, #tpu.memory_space<hbm>>) dst(%arg10 : memref<128x128xf32, #tpu.memory_space<vmem>>)
        tpu.yield
      }) : () -> ()
      %add3A_64 = arith.constant 1 : i32
      %add3A_65 = arith.addi %add3A_48, %add3A_64 : i32
      %dma_start3A_66 = arith.constant 0 : i32
      %dma_start3A_67 = tpu.memref_slice %arg8[%add3A_65, %dma_start3A_66] : memref<48x128xi32, #tpu.memory_space<vmem>> -> memref<1x128xi32, #tpu.memory_space<vmem>>
      %dma_start3A_68 = tpu.memref_squeeze %dma_start3A_67 : memref<1x128xi32, #tpu.memory_space<vmem>> -> memref<128xi32, #tpu.memory_space<vmem>>
      %dma_start3A_69 = arith.constant 0 : i32
      %dma_start3A_70 = arith.constant 0 : i32
      %dma_start3A_71 = tpu.memref_slice %arg11[%dma_start3A_69, %dma_start3A_70] : memref<10112x128xf32, #tpu.memory_space<vmem_shared>> -> memref<10112x128xf32, #tpu.memory_space<vmem_shared>>
      tpu.enqueue_indirect_dma source(%arg10 : memref<128x128xf32, #tpu.memory_space<vmem>>) target(%dma_start3A_71 : memref<10112x128xf32, #tpu.memory_space<vmem_shared>>) offsets(%dma_start3A_68 : memref<128xi32, #tpu.memory_space<vmem>>) semaphore(%arg15 : memref<!tpu.dma_semaphore, #tpu.memory_space<semaphore_mem>>) {add = true}
    }
    %scan3A_29 = arith.constant 17 : i32
    %dma_wait3A_30 = arith.constant 0 : i32
    %dma_wait3A_31 = arith.constant 0 : i32
    %dma_wait3A_32 = tpu.memref_slice %arg8[%dma_wait3A_30, %dma_wait3A_31] : memref<48x128xi32, #tpu.memory_space<vmem>> -> memref<1x128xi32, #tpu.memory_space<vmem>>
    %dma_wait3A_33 = tpu.memref_squeeze %dma_wait3A_32 : memref<1x128xi32, #tpu.memory_space<vmem>> -> memref<128xi32, #tpu.memory_space<vmem>>
    %dma_wait3A_34 = arith.constant 0 : i32
    %dma_wait3A_35 = arith.constant 0 : i32
    %dma_wait3A_36 = tpu.memref_slice %arg11[%dma_wait3A_34, %dma_wait3A_35] : memref<10112x128xf32, #tpu.memory_space<vmem_shared>> -> memref<10112x128xf32, #tpu.memory_space<vmem_shared>>
    tpu.wait_indirect_dma semaphore(%arg14 : memref<!tpu.dma_semaphore, #tpu.memory_space<semaphore_mem>>) src(%arg9 : memref<128x128xf32, #tpu.memory_space<vmem>>) dst(%dma_wait3A_36 : memref<10112x128xf32, #tpu.memory_space<vmem_shared>>)
    %dma_wait3A_37 = arith.constant 1 : i32
    %dma_wait3A_38 = arith.constant 0 : i32
    %dma_wait3A_39 = tpu.memref_slice %arg8[%dma_wait3A_37, %dma_wait3A_38] : memref<48x128xi32, #tpu.memory_space<vmem>> -> memref<1x128xi32, #tpu.memory_space<vmem>>
    %dma_wait3A_40 = tpu.memref_squeeze %dma_wait3A_39 : memref<1x128xi32, #tpu.memory_space<vmem>> -> memref<128xi32, #tpu.memory_space<vmem>>
    %dma_wait3A_41 = arith.constant 0 : i32
    %dma_wait3A_42 = arith.constant 0 : i32
    %dma_wait3A_43 = tpu.memref_slice %arg11[%dma_wait3A_41, %dma_wait3A_42] : memref<10112x128xf32, #tpu.memory_space<vmem_shared>> -> memref<10112x128xf32, #tpu.memory_space<vmem_shared>>
    tpu.wait_indirect_dma semaphore(%arg15 : memref<!tpu.dma_semaphore, #tpu.memory_space<semaphore_mem>>) src(%arg10 : memref<128x128xf32, #tpu.memory_space<vmem>>) dst(%dma_wait3A_43 : memref<10112x128xf32, #tpu.memory_space<vmem_shared>>)
    %barrier3A_44 = arith.constant 0 : index
    tpu.barrier barrier_id(%barrier3A_44)
    "tpu.region"() ({
      %run_scoped3A = tpu.sem_alloc : memref<!tpu.dma_semaphore, #tpu.memory_space<semaphore_mem>>
      %dma_start3A_45 = arith.constant 0 : i32
      %dma_start3A_46 = tpu.memref_slice %arg6[%arg0, %mul3A_0, %dma_start3A_45] : memref<2x10112x128xf32, #tpu.memory_space<hbm>> -> memref<1x632x128xf32, #tpu.memory_space<hbm>>
      %dma_start3A_47 = tpu.memref_squeeze %dma_start3A_46 : memref<1x632x128xf32, #tpu.memory_space<hbm>> -> memref<632x128xf32, #tpu.memory_space<hbm>>
      %dma_start3A_48 = arith.constant 0 : i32
      %dma_start3A_49 = tpu.memref_slice %arg11[%mul3A_0, %dma_start3A_48] : memref<10112x128xf32, #tpu.memory_space<vmem_shared>> -> memref<632x128xf32, #tpu.memory_space<vmem_shared>>
      tpu.enqueue_dma source(%dma_start3A_49 : memref<632x128xf32, #tpu.memory_space<vmem_shared>>) target(%dma_start3A_47 : memref<632x128xf32, #tpu.memory_space<hbm>>) target_semaphore(%run_scoped3A : memref<!tpu.dma_semaphore, #tpu.memory_space<semaphore_mem>>)
      %dma_wait3A_50 = arith.constant 0 : i32
      %dma_wait3A_51 = tpu.memref_slice %arg6[%arg0, %mul3A_0, %dma_wait3A_50] : memref<2x10112x128xf32, #tpu.memory_space<hbm>> -> memref<1x632x128xf32, #tpu.memory_space<hbm>>
      %dma_wait3A_52 = tpu.memref_squeeze %dma_wait3A_51 : memref<1x632x128xf32, #tpu.memory_space<hbm>> -> memref<632x128xf32, #tpu.memory_space<hbm>>
      %dma_wait3A_53 = arith.constant 0 : i32
      %dma_wait3A_54 = tpu.memref_slice %arg11[%mul3A_0, %dma_wait3A_53] : memref<10112x128xf32, #tpu.memory_space<vmem_shared>> -> memref<632x128xf32, #tpu.memory_space<vmem_shared>>
      tpu.wait_dma2 semaphore(%run_scoped3A : memref<!tpu.dma_semaphore, #tpu.memory_space<semaphore_mem>>) src(%dma_wait3A_54 : memref<632x128xf32, #tpu.memory_space<vmem_shared>>) dst(%dma_wait3A_52 : memref<632x128xf32, #tpu.memory_space<hbm>>)
      tpu.yield
    }) : () -> ()
    return
  }
}

module attributes {stable_mosaic.version = 14 : i64} {
  func.func @_tc_scale_body(%arg0: memref<10112x128xf32, #tpu.memory_space<vmem>>, %arg1: memref<128x128xf32, #tpu.memory_space<vmem>>, %arg2: memref<10112x32xf32, #tpu.memory_space<vmem>>, %arg3: memref<10112x128xf32, #tpu.memory_space<vmem>>, %arg4: memref<10112x2xf32, #tpu.memory_space<vmem>>) attributes {dimension_semantics = [], scalar_prefetch = 0 : i64, scratch_operands = 0 : i64, tpu.core_type = #tpu.core_type<tc>} {
    %get3A = arith.constant 0 : index
    %get3A_0 = arith.constant 0 : index
    %get3A_1 = vector.load %arg2[%get3A, %get3A_0] : memref<10112x32xf32, #tpu.memory_space<vmem>>, vector<10112x32xf32>
    %reduce_sum3A = arith.constant dense<0.000000e+00> : vector<10112xf32>
    %reduce_sum3A_2 = vector.multi_reduction <add>, %get3A_1, %reduce_sum3A [1] : vector<10112x32xf32> to vector<10112xf32>
    %broadcast_in_dim3A = vector.shape_cast %reduce_sum3A_2 : vector<10112xf32> to vector<10112x1xf32>
    %broadcast_in_dim3A_3 = arith.constant 0.000000e+00 : f32
    %broadcast_in_dim3A_4 = vector.broadcast %broadcast_in_dim3A_3 : f32 to vector<10112x1xf32>
    %concatenate3A = tpu.concatenate %broadcast_in_dim3A, %broadcast_in_dim3A_4 in 1 : vector<10112x1xf32>, vector<10112x1xf32> -> vector<10112x2xf32>
    %swap3A = arith.constant 0 : index
    %swap3A_5 = arith.constant 0 : index
    %swap3A_6 = vector.load %arg4[%swap3A, %swap3A_5] : memref<10112x2xf32, #tpu.memory_space<vmem>>, vector<10112x2xf32>
    tpu.vector_store %arg4[%swap3A, %swap3A_5], %concatenate3A {strides = array<i32>} : memref<10112x2xf32, #tpu.memory_space<vmem>>, vector<10112x2xf32>,
    %get3A_7 = arith.constant 0 : index
    %get3A_8 = arith.constant 0 : index
    %get3A_9 = vector.load %arg0[%get3A_7, %get3A_8] : memref<10112x128xf32, #tpu.memory_space<vmem>>, vector<10112x128xf32>
    %get3A_10 = arith.constant 0 : index
    %get3A_11 = arith.constant 0 : index
    %get3A_12 = vector.load %arg1[%get3A_10, %get3A_11] : memref<128x128xf32, #tpu.memory_space<vmem>>, vector<128x128xf32>
    %dot_general3A = arith.constant dense<0.000000e+00> : vector<10112x128xf32>
    %dot_general3A_13 = tpu.matmul %get3A_9, %get3A_12, %dot_general3A {dimension_numbers = #tpu.dot_dimension_numbers<[1], [0], [0], [1], [0, 0, 1, 1], [], []>, transpose_lhs_hint = false} : vector<10112x128xf32>, vector<128x128xf32>, vector<10112x128xf32> -> vector<10112x128xf32>
    %slice3A = vector.extract_strided_slice %concatenate3A {offsets = [0, 0], sizes = [10112, 1], strides = [1, 1]} : vector<10112x2xf32> to vector<10112x1xf32>
    %slice3A_14 = vector.extract_strided_slice %concatenate3A {offsets = [0, 1], sizes = [10112, 1], strides = [1, 1]} : vector<10112x2xf32> to vector<10112x1xf32>
    %add3A = arith.addf %slice3A, %slice3A_14 : vector<10112x1xf32>
    %max3A = arith.constant 1.000000e+00 : f32
    %max3A_15 = vector.broadcast %max3A : f32 to vector<10112x1xf32>
    %max3A_16 = arith.maximumf %add3A, %max3A_15 : vector<10112x1xf32>
    %rsqrt3A = math.rsqrt %max3A_16 : vector<10112x1xf32>
    %mul3A = vector.broadcast %rsqrt3A : vector<10112x1xf32> to vector<10112x128xf32>
    %mul3A_17 = arith.mulf %dot_general3A_13, %mul3A : vector<10112x128xf32>
    %swap3A_18 = arith.constant 0 : index
    %swap3A_19 = arith.constant 0 : index
    %swap3A_20 = vector.load %arg3[%swap3A_18, %swap3A_19] : memref<10112x128xf32, #tpu.memory_space<vmem>>, vector<10112x128xf32>
    tpu.vector_store %arg3[%swap3A_18, %swap3A_19], %mul3A_17 {strides = array<i32>} : memref<10112x128xf32, #tpu.memory_space<vmem>>, vector<10112x128xf32>,
    return
  }
}

module attributes {stable_mosaic.version = 14 : i64} {
  func.func @_tc_layer_body(%arg0: memref<2x10112x128xf32, #tpu.memory_space<vmem>>, %arg1: memref<10112x2xf32, #tpu.memory_space<vmem>>, %arg2: memref<1x128xf32, #tpu.memory_space<vmem>>, %arg3: memref<1x128xf32, #tpu.memory_space<vmem>>, %arg4: memref<1x128xf32, #tpu.memory_space<vmem>>, %arg5: memref<128x128xf32, #tpu.memory_space<vmem>>, %arg6: memref<10112x128xf32, #tpu.memory_space<vmem>>) attributes {dimension_semantics = [], scalar_prefetch = 0 : i64, scratch_operands = 0 : i64, tpu.core_type = #tpu.core_type<tc>} {
    %get3A = arith.constant 0 : index
    %get3A_0 = arith.constant 0 : index
    %get3A_1 = vector.load %arg1[%get3A, %get3A_0] : memref<10112x2xf32, #tpu.memory_space<vmem>>, vector<10112x2xf32>
    %slice3A = vector.extract_strided_slice %get3A_1 {offsets = [0, 0], sizes = [10112, 1], strides = [1, 1]} : vector<10112x2xf32> to vector<10112x1xf32>
    %slice3A_2 = vector.extract_strided_slice %get3A_1 {offsets = [0, 1], sizes = [10112, 1], strides = [1, 1]} : vector<10112x2xf32> to vector<10112x1xf32>
    %add3A = arith.addf %slice3A, %slice3A_2 : vector<10112x1xf32>
    %max3A = arith.constant 1.000000e+00 : f32
    %max3A_3 = vector.broadcast %max3A : f32 to vector<10112x1xf32>
    %max3A_4 = arith.maximumf %add3A, %max3A_3 : vector<10112x1xf32>
    %rsqrt3A = math.rsqrt %max3A_4 : vector<10112x1xf32>
    %get3A_5 = arith.constant 0 : index
    %get3A_6 = arith.constant 0 : index
    %get3A_7 = arith.constant 0 : index
    %get3A_8 = vector.load %arg0[%get3A_5, %get3A_6, %get3A_7] : memref<2x10112x128xf32, #tpu.memory_space<vmem>>, vector<1x10112x128xf32>
    %get3A_9 = vector.shape_cast %get3A_8 : vector<1x10112x128xf32> to vector<10112x128xf32>
    %get3A_10 = arith.constant 1 : index
    %get3A_11 = arith.constant 0 : index
    %get3A_12 = arith.constant 0 : index
    %get3A_13 = vector.load %arg0[%get3A_10, %get3A_11, %get3A_12] : memref<2x10112x128xf32, #tpu.memory_space<vmem>>, vector<1x10112x128xf32>
    %get3A_14 = vector.shape_cast %get3A_13 : vector<1x10112x128xf32> to vector<10112x128xf32>
    %add3A_15 = arith.addf %get3A_9, %get3A_14 : vector<10112x128xf32>
    %mul3A = vector.broadcast %rsqrt3A : vector<10112x1xf32> to vector<10112x128xf32>
    %mul3A_16 = arith.mulf %add3A_15, %mul3A : vector<10112x128xf32>
    %get3A_17 = arith.constant 0 : index
    %get3A_18 = arith.constant 0 : index
    %get3A_19 = vector.load %arg2[%get3A_17, %get3A_18] : memref<1x128xf32, #tpu.memory_space<vmem>>, vector<1x128xf32>
    %add3A_20 = vector.broadcast %get3A_19 : vector<1x128xf32> to vector<10112x128xf32>
    %add3A_21 = arith.addf %mul3A_16, %add3A_20 : vector<10112x128xf32>
    %iota3A = tpu.iota {dimensions = array<i32: 0>} : vector<10112x1xi32>
    %lt3A = arith.constant 10000 : i32
    %lt3A_22 = vector.broadcast %lt3A : i32 to vector<10112x1xi32>
    %lt3A_23 = arith.cmpi slt, %iota3A, %lt3A_22 : vector<10112x1xi32>
    %jit3A = arith.constant 0.000000e+00 : f32
    %broadcast_in_dim3A = vector.shape_cast %lt3A_23 : vector<10112x1xi1> to vector<10112x1xi1>
    %broadcast_in_dim3A_24 = vector.broadcast %broadcast_in_dim3A : vector<10112x1xi1> to vector<10112x128xi1>
    %broadcast_in_dim3A_25 = vector.broadcast %jit3A : f32 to vector<10112x128xf32>
    %select_n3A = arith.select %broadcast_in_dim3A_24, %add3A_21, %broadcast_in_dim3A_25 : vector<10112x128xi1>, vector<10112x128xf32>
    %reduce_sum3A = arith.constant dense<0.000000e+00> : vector<128xf32>
    %reduce_sum3A_26 = vector.multi_reduction <add>, %select_n3A, %reduce_sum3A [0] : vector<10112x128xf32> to vector<128xf32>
    %broadcast_in_dim3A_27 = vector.shape_cast %reduce_sum3A_26 : vector<128xf32> to vector<1x128xf32>
    %mul3A_28 = arith.constant 9.99999974E-5 : f32
    %mul3A_29 = vector.broadcast %mul3A_28 : f32 to vector<1x128xf32>
    %mul3A_30 = arith.mulf %broadcast_in_dim3A_27, %mul3A_29 : vector<1x128xf32>
    %sub3A = vector.broadcast %mul3A_30 : vector<1x128xf32> to vector<10112x128xf32>
    %sub3A_31 = arith.subf %add3A_21, %sub3A : vector<10112x128xf32>
    %jit3A_32 = arith.constant 0.000000e+00 : f32
    %broadcast_in_dim3A_33 = vector.shape_cast %lt3A_23 : vector<10112x1xi1> to vector<10112x1xi1>
    %broadcast_in_dim3A_34 = vector.broadcast %broadcast_in_dim3A_33 : vector<10112x1xi1> to vector<10112x128xi1>
    %broadcast_in_dim3A_35 = vector.broadcast %jit3A_32 : f32 to vector<10112x128xf32>
    %select_n3A_36 = arith.select %broadcast_in_dim3A_34, %sub3A_31, %broadcast_in_dim3A_35 : vector<10112x128xi1>, vector<10112x128xf32>
    %mul3A_37 = arith.mulf %select_n3A_36, %select_n3A_36 : vector<10112x128xf32>
    %reduce_sum3A_38 = arith.constant dense<0.000000e+00> : vector<128xf32>
    %reduce_sum3A_39 = vector.multi_reduction <add>, %mul3A_37, %reduce_sum3A_38 [0] : vector<10112x128xf32> to vector<128xf32>
    %broadcast_in_dim3A_40 = vector.shape_cast %reduce_sum3A_39 : vector<128xf32> to vector<1x128xf32>
    %mul3A_41 = arith.constant 9.99999974E-5 : f32
    %mul3A_42 = vector.broadcast %mul3A_41 : f32 to vector<1x128xf32>
    %mul3A_43 = arith.mulf %broadcast_in_dim3A_40, %mul3A_42 : vector<1x128xf32>
    %sub3A_44 = vector.broadcast %mul3A_30 : vector<1x128xf32> to vector<10112x128xf32>
    %sub3A_45 = arith.subf %add3A_21, %sub3A_44 : vector<10112x128xf32>
    %add3A_46 = arith.constant 9.99999974E-6 : f32
    %add3A_47 = vector.broadcast %add3A_46 : f32 to vector<1x128xf32>
    %add3A_48 = arith.addf %mul3A_43, %add3A_47 : vector<1x128xf32>
    %rsqrt3A_49 = math.rsqrt %add3A_48 : vector<1x128xf32>
    %mul3A_50 = vector.broadcast %rsqrt3A_49 : vector<1x128xf32> to vector<10112x128xf32>
    %mul3A_51 = arith.mulf %sub3A_45, %mul3A_50 : vector<10112x128xf32>
    %get3A_52 = arith.constant 0 : index
    %get3A_53 = arith.constant 0 : index
    %get3A_54 = vector.load %arg3[%get3A_52, %get3A_53] : memref<1x128xf32, #tpu.memory_space<vmem>>, vector<1x128xf32>
    %mul3A_55 = vector.broadcast %get3A_54 : vector<1x128xf32> to vector<10112x128xf32>
    %mul3A_56 = arith.mulf %mul3A_51, %mul3A_55 : vector<10112x128xf32>
    %get3A_57 = arith.constant 0 : index
    %get3A_58 = arith.constant 0 : index
    %get3A_59 = vector.load %arg4[%get3A_57, %get3A_58] : memref<1x128xf32, #tpu.memory_space<vmem>>, vector<1x128xf32>
    %add3A_60 = vector.broadcast %get3A_59 : vector<1x128xf32> to vector<10112x128xf32>
    %add3A_61 = arith.addf %mul3A_56, %add3A_60 : vector<10112x128xf32>
    %max3A_62 = arith.constant 0.000000e+00 : f32
    %max3A_63 = vector.broadcast %max3A_62 : f32 to vector<10112x128xf32>
    %max3A_64 = arith.maximumf %add3A_61, %max3A_63 : vector<10112x128xf32>
    %jit3A_65 = arith.constant 0.000000e+00 : f32
    %broadcast_in_dim3A_66 = vector.shape_cast %lt3A_23 : vector<10112x1xi1> to vector<10112x1xi1>
    %broadcast_in_dim3A_67 = vector.broadcast %broadcast_in_dim3A_66 : vector<10112x1xi1> to vector<10112x128xi1>
    %broadcast_in_dim3A_68 = vector.broadcast %jit3A_65 : f32 to vector<10112x128xf32>
    %select_n3A_69 = arith.select %broadcast_in_dim3A_67, %max3A_64, %broadcast_in_dim3A_68 : vector<10112x128xi1>, vector<10112x128xf32>
    %mul3A_70 = vector.broadcast %rsqrt3A : vector<10112x1xf32> to vector<10112x128xf32>
    %mul3A_71 = arith.mulf %select_n3A_69, %mul3A_70 : vector<10112x128xf32>
    %get3A_72 = arith.constant 0 : index
    %get3A_73 = arith.constant 0 : index
    %get3A_74 = vector.load %arg5[%get3A_72, %get3A_73] : memref<128x128xf32, #tpu.memory_space<vmem>>, vector<128x128xf32>
    %dot_general3A = arith.constant dense<0.000000e+00> : vector<10112x128xf32>
    %dot_general3A_75 = tpu.matmul %mul3A_71, %get3A_74, %dot_general3A {dimension_numbers = #tpu.dot_dimension_numbers<[1], [0], [0], [1], [0, 0, 1, 1], [], []>, transpose_lhs_hint = false} : vector<10112x128xf32>, vector<128x128xf32>, vector<10112x128xf32> -> vector<10112x128xf32>
    %swap3A = arith.constant 0 : index
    %swap3A_76 = arith.constant 0 : index
    %swap3A_77 = vector.load %arg6[%swap3A, %swap3A_76] : memref<10112x128xf32, #tpu.memory_space<vmem>>, vector<10112x128xf32>
    tpu.vector_store %arg6[%swap3A, %swap3A_76], %dot_general3A_75 {strides = array<i32>} : memref<10112x128xf32, #tpu.memory_space<vmem>>, vector<10112x128xf32>,
    return
  }
}

module attributes {stable_mosaic.version = 14 : i64} {
  func.func @_tc_head_body(%arg0: memref<2x10112x128xf32, #tpu.memory_space<vmem>>, %arg1: memref<10112x2xf32, #tpu.memory_space<vmem>>, %arg2: memref<1x128xf32, #tpu.memory_space<vmem>>, %arg3: memref<1x128xf32, #tpu.memory_space<vmem>>, %arg4: memref<1x128xf32, #tpu.memory_space<vmem>>, %arg5: memref<1x10112xi32, #tpu.memory_space<vmem>>, %arg6: memref<128x128xf32, #tpu.memory_space<vmem>>, %arg7: memref<1x128xf32, #tpu.memory_space<vmem>>, %arg8: memref<128x16xf32, #tpu.memory_space<vmem>>, %arg9: memref<1x16xf32, #tpu.memory_space<vmem>>, %arg10: memref<64x16xf32, #tpu.memory_space<vmem>>) attributes {dimension_semantics = [], scalar_prefetch = 0 : i64, scratch_operands = 0 : i64, tpu.core_type = #tpu.core_type<tc>} {
    %get3A = arith.constant 0 : index
    %get3A_0 = arith.constant 0 : index
    %get3A_1 = vector.load %arg1[%get3A, %get3A_0] : memref<10112x2xf32, #tpu.memory_space<vmem>>, vector<10112x2xf32>
    %slice3A = vector.extract_strided_slice %get3A_1 {offsets = [0, 0], sizes = [10112, 1], strides = [1, 1]} : vector<10112x2xf32> to vector<10112x1xf32>
    %slice3A_2 = vector.extract_strided_slice %get3A_1 {offsets = [0, 1], sizes = [10112, 1], strides = [1, 1]} : vector<10112x2xf32> to vector<10112x1xf32>
    %add3A = arith.addf %slice3A, %slice3A_2 : vector<10112x1xf32>
    %max3A = arith.constant 1.000000e+00 : f32
    %max3A_3 = vector.broadcast %max3A : f32 to vector<10112x1xf32>
    %max3A_4 = arith.maximumf %add3A, %max3A_3 : vector<10112x1xf32>
    %rsqrt3A = math.rsqrt %max3A_4 : vector<10112x1xf32>
    %get3A_5 = arith.constant 0 : index
    %get3A_6 = arith.constant 0 : index
    %get3A_7 = arith.constant 0 : index
    %get3A_8 = vector.load %arg0[%get3A_5, %get3A_6, %get3A_7] : memref<2x10112x128xf32, #tpu.memory_space<vmem>>, vector<1x10112x128xf32>
    %get3A_9 = vector.shape_cast %get3A_8 : vector<1x10112x128xf32> to vector<10112x128xf32>
    %get3A_10 = arith.constant 1 : index
    %get3A_11 = arith.constant 0 : index
    %get3A_12 = arith.constant 0 : index
    %get3A_13 = vector.load %arg0[%get3A_10, %get3A_11, %get3A_12] : memref<2x10112x128xf32, #tpu.memory_space<vmem>>, vector<1x10112x128xf32>
    %get3A_14 = vector.shape_cast %get3A_13 : vector<1x10112x128xf32> to vector<10112x128xf32>
    %add3A_15 = arith.addf %get3A_9, %get3A_14 : vector<10112x128xf32>
    %mul3A = vector.broadcast %rsqrt3A : vector<10112x1xf32> to vector<10112x128xf32>
    %mul3A_16 = arith.mulf %add3A_15, %mul3A : vector<10112x128xf32>
    %get3A_17 = arith.constant 0 : index
    %get3A_18 = arith.constant 0 : index
    %get3A_19 = vector.load %arg2[%get3A_17, %get3A_18] : memref<1x128xf32, #tpu.memory_space<vmem>>, vector<1x128xf32>
    %add3A_20 = vector.broadcast %get3A_19 : vector<1x128xf32> to vector<10112x128xf32>
    %add3A_21 = arith.addf %mul3A_16, %add3A_20 : vector<10112x128xf32>
    %iota3A = tpu.iota {dimensions = array<i32: 0>} : vector<10112x1xi32>
    %lt3A = arith.constant 10000 : i32
    %lt3A_22 = vector.broadcast %lt3A : i32 to vector<10112x1xi32>
    %lt3A_23 = arith.cmpi slt, %iota3A, %lt3A_22 : vector<10112x1xi32>
    %jit3A = arith.constant 0.000000e+00 : f32
    %broadcast_in_dim3A = vector.shape_cast %lt3A_23 : vector<10112x1xi1> to vector<10112x1xi1>
    %broadcast_in_dim3A_24 = vector.broadcast %broadcast_in_dim3A : vector<10112x1xi1> to vector<10112x128xi1>
    %broadcast_in_dim3A_25 = vector.broadcast %jit3A : f32 to vector<10112x128xf32>
    %select_n3A = arith.select %broadcast_in_dim3A_24, %add3A_21, %broadcast_in_dim3A_25 : vector<10112x128xi1>, vector<10112x128xf32>
    %reduce_sum3A = arith.constant dense<0.000000e+00> : vector<128xf32>
    %reduce_sum3A_26 = vector.multi_reduction <add>, %select_n3A, %reduce_sum3A [0] : vector<10112x128xf32> to vector<128xf32>
    %broadcast_in_dim3A_27 = vector.shape_cast %reduce_sum3A_26 : vector<128xf32> to vector<1x128xf32>
    %mul3A_28 = arith.constant 9.99999974E-5 : f32
    %mul3A_29 = vector.broadcast %mul3A_28 : f32 to vector<1x128xf32>
    %mul3A_30 = arith.mulf %broadcast_in_dim3A_27, %mul3A_29 : vector<1x128xf32>
    %sub3A = vector.broadcast %mul3A_30 : vector<1x128xf32> to vector<10112x128xf32>
    %sub3A_31 = arith.subf %add3A_21, %sub3A : vector<10112x128xf32>
    %jit3A_32 = arith.constant 0.000000e+00 : f32
    %broadcast_in_dim3A_33 = vector.shape_cast %lt3A_23 : vector<10112x1xi1> to vector<10112x1xi1>
    %broadcast_in_dim3A_34 = vector.broadcast %broadcast_in_dim3A_33 : vector<10112x1xi1> to vector<10112x128xi1>
    %broadcast_in_dim3A_35 = vector.broadcast %jit3A_32 : f32 to vector<10112x128xf32>
    %select_n3A_36 = arith.select %broadcast_in_dim3A_34, %sub3A_31, %broadcast_in_dim3A_35 : vector<10112x128xi1>, vector<10112x128xf32>
    %mul3A_37 = arith.mulf %select_n3A_36, %select_n3A_36 : vector<10112x128xf32>
    %reduce_sum3A_38 = arith.constant dense<0.000000e+00> : vector<128xf32>
    %reduce_sum3A_39 = vector.multi_reduction <add>, %mul3A_37, %reduce_sum3A_38 [0] : vector<10112x128xf32> to vector<128xf32>
    %broadcast_in_dim3A_40 = vector.shape_cast %reduce_sum3A_39 : vector<128xf32> to vector<1x128xf32>
    %mul3A_41 = arith.constant 9.99999974E-5 : f32
    %mul3A_42 = vector.broadcast %mul3A_41 : f32 to vector<1x128xf32>
    %mul3A_43 = arith.mulf %broadcast_in_dim3A_40, %mul3A_42 : vector<1x128xf32>
    %sub3A_44 = vector.broadcast %mul3A_30 : vector<1x128xf32> to vector<10112x128xf32>
    %sub3A_45 = arith.subf %add3A_21, %sub3A_44 : vector<10112x128xf32>
    %add3A_46 = arith.constant 9.99999974E-6 : f32
    %add3A_47 = vector.broadcast %add3A_46 : f32 to vector<1x128xf32>
    %add3A_48 = arith.addf %mul3A_43, %add3A_47 : vector<1x128xf32>
    %rsqrt3A_49 = math.rsqrt %add3A_48 : vector<1x128xf32>
    %mul3A_50 = vector.broadcast %rsqrt3A_49 : vector<1x128xf32> to vector<10112x128xf32>
    %mul3A_51 = arith.mulf %sub3A_45, %mul3A_50 : vector<10112x128xf32>
    %get3A_52 = arith.constant 0 : index
    %get3A_53 = arith.constant 0 : index
    %get3A_54 = vector.load %arg3[%get3A_52, %get3A_53] : memref<1x128xf32, #tpu.memory_space<vmem>>, vector<1x128xf32>
    %mul3A_55 = vector.broadcast %get3A_54 : vector<1x128xf32> to vector<10112x128xf32>
    %mul3A_56 = arith.mulf %mul3A_51, %mul3A_55 : vector<10112x128xf32>
    %get3A_57 = arith.constant 0 : index
    %get3A_58 = arith.constant 0 : index
    %get3A_59 = vector.load %arg4[%get3A_57, %get3A_58] : memref<1x128xf32, #tpu.memory_space<vmem>>, vector<1x128xf32>
    %add3A_60 = vector.broadcast %get3A_59 : vector<1x128xf32> to vector<10112x128xf32>
    %add3A_61 = arith.addf %mul3A_56, %add3A_60 : vector<10112x128xf32>
    %max3A_62 = arith.constant 0.000000e+00 : f32
    %max3A_63 = vector.broadcast %max3A_62 : f32 to vector<10112x128xf32>
    %max3A_64 = arith.maximumf %add3A_61, %max3A_63 : vector<10112x128xf32>
    %jit3A_65 = arith.constant 0.000000e+00 : f32
    %broadcast_in_dim3A_66 = vector.shape_cast %lt3A_23 : vector<10112x1xi1> to vector<10112x1xi1>
    %broadcast_in_dim3A_67 = vector.broadcast %broadcast_in_dim3A_66 : vector<10112x1xi1> to vector<10112x128xi1>
    %broadcast_in_dim3A_68 = vector.broadcast %jit3A_65 : f32 to vector<10112x128xf32>
    %select_n3A_69 = arith.select %broadcast_in_dim3A_67, %max3A_64, %broadcast_in_dim3A_68 : vector<10112x128xi1>, vector<10112x128xf32>
    %iota3A_70 = tpu.iota {dimensions = array<i32: 0>} : vector<64x1xi32>
    %get3A_71 = arith.constant 0 : index
    %get3A_72 = arith.constant 0 : index
    %get3A_73 = vector.load %arg5[%get3A_71, %get3A_72] : memref<1x10112xi32, #tpu.memory_space<vmem>>, vector<1x10112xi32>
    %eq3A = vector.broadcast %get3A_73 : vector<1x10112xi32> to vector<64x10112xi32>
    %eq3A_74 = vector.broadcast %iota3A_70 : vector<64x1xi32> to vector<64x10112xi32>
    %eq3A_75 = arith.cmpi eq, %eq3A, %eq3A_74 : vector<64x10112xi32>
    %convert_element_type3A = arith.extui %eq3A_75 : vector<64x10112xi1> to vector<64x10112xi32>
    %convert_element_type3A_76 = arith.sitofp %convert_element_type3A : vector<64x10112xi32> to vector<64x10112xf32>
    %dot_general3A = arith.constant dense<0.000000e+00> : vector<64x128xf32>
    %dot_general3A_77 = tpu.matmul %convert_element_type3A_76, %select_n3A_69, %dot_general3A {dimension_numbers = #tpu.dot_dimension_numbers<[1], [0], [0], [1], [0, 0, 1, 1], [], []>, transpose_lhs_hint = false} : vector<64x10112xf32>, vector<10112x128xf32>, vector<64x128xf32> -> vector<64x128xf32>
    %reduce_sum3A_78 = arith.constant dense<0.000000e+00> : vector<64xf32>
    %reduce_sum3A_79 = vector.multi_reduction <add>, %convert_element_type3A_76, %reduce_sum3A_78 [1] : vector<64x10112xf32> to vector<64xf32>
    %broadcast_in_dim3A_80 = vector.shape_cast %reduce_sum3A_79 : vector<64xf32> to vector<64x1xf32>
    %max3A_81 = arith.constant 1.000000e+00 : f32
    %max3A_82 = vector.broadcast %max3A_81 : f32 to vector<64x1xf32>
    %max3A_83 = arith.maximumf %broadcast_in_dim3A_80, %max3A_82 : vector<64x1xf32>
    %div3A = vector.broadcast %max3A_83 : vector<64x1xf32> to vector<64x128xf32>
    %div3A_84 = arith.divf %dot_general3A_77, %div3A : vector<64x128xf32>
    %get3A_85 = arith.constant 0 : index
    %get3A_86 = arith.constant 0 : index
    %get3A_87 = vector.load %arg6[%get3A_85, %get3A_86] : memref<128x128xf32, #tpu.memory_space<vmem>>, vector<128x128xf32>
    %dot_general3A_88 = arith.constant dense<0.000000e+00> : vector<64x128xf32>
    %dot_general3A_89 = tpu.matmul %div3A_84, %get3A_87, %dot_general3A_88 {dimension_numbers = #tpu.dot_dimension_numbers<[1], [0], [0], [1], [0, 0, 1, 1], [], []>, transpose_lhs_hint = false} : vector<64x128xf32>, vector<128x128xf32>, vector<64x128xf32> -> vector<64x128xf32>
    %get3A_90 = arith.constant 0 : index
    %get3A_91 = arith.constant 0 : index
    %get3A_92 = vector.load %arg7[%get3A_90, %get3A_91] : memref<1x128xf32, #tpu.memory_space<vmem>>, vector<1x128xf32>
    %add3A_93 = vector.broadcast %get3A_92 : vector<1x128xf32> to vector<64x128xf32>
    %add3A_94 = arith.addf %dot_general3A_89, %add3A_93 : vector<64x128xf32>
    %max3A_95 = arith.constant 0.000000e+00 : f32
    %max3A_96 = vector.broadcast %max3A_95 : f32 to vector<64x128xf32>
    %max3A_97 = arith.maximumf %add3A_94, %max3A_96 : vector<64x128xf32>
    %get3A_98 = arith.constant 0 : index
    %get3A_99 = arith.constant 0 : index
    %get3A_100 = vector.load %arg8[%get3A_98, %get3A_99] : memref<128x16xf32, #tpu.memory_space<vmem>>, vector<128x16xf32>
    %dot_general3A_101 = arith.constant dense<0.000000e+00> : vector<64x16xf32>
    %dot_general3A_102 = tpu.matmul %max3A_97, %get3A_100, %dot_general3A_101 {dimension_numbers = #tpu.dot_dimension_numbers<[1], [0], [0], [1], [0, 0, 1, 1], [], []>, transpose_lhs_hint = false} : vector<64x128xf32>, vector<128x16xf32>, vector<64x16xf32> -> vector<64x16xf32>
    %get3A_103 = arith.constant 0 : index
    %get3A_104 = arith.constant 0 : index
    %get3A_105 = vector.load %arg9[%get3A_103, %get3A_104] : memref<1x16xf32, #tpu.memory_space<vmem>>, vector<1x16xf32>
    %add3A_106 = vector.broadcast %get3A_105 : vector<1x16xf32> to vector<64x16xf32>
    %add3A_107 = arith.addf %dot_general3A_102, %add3A_106 : vector<64x16xf32>
    %swap3A = arith.constant 0 : index
    %swap3A_108 = arith.constant 0 : index
    %swap3A_109 = vector.load %arg10[%swap3A, %swap3A_108] : memref<64x16xf32, #tpu.memory_space<vmem>>, vector<64x16xf32>
    tpu.vector_store %arg10[%swap3A, %swap3A_108], %add3A_107 {strides = array<i32>} : memref<64x16xf32, #tpu.memory_space<vmem>>, vector<64x16xf32>,
    return
  }
}

</mosaic_0001>

<sc_bundles>
// kernel: kernel.10.cloned.1.call-start
scs
__scs_entry_jumppad:
0x0: {  	(pc) =	sbr.rel $0x88, $3  }
0x1: {  	(tag) =	ssettag $0x0;
	lr =	simm.s32 $0x1  }
0x2: {  	[smem:$0x3F8E] =	sst lr;
	_ =	strace $0xD0000000  }
0x3: {  	_ = 	snop  }
0x4: {  	_ = 	snop  }
0x5: {  	_ = 	snop  }
0x6: {  	_ = 	snop  }
0x7: {  	_ = 	snop  }
__scs_overlays_trampoline_lowered:
0x8: {  	[smem:$0x3F9D] =	sst s0  }
0x9: {  	[smem:$0x3F9E] =	sst s1  }
0xa: {  	[smem:$0x3F9F] =	sst s2  }
0xb: {  	[smem:$0x3FA0] =	sst s3  }
0xc: {  	[smem:$0x3FA1] =	sst s4  }
0xd: {  	[smem:$0x3FA2] =	sst s5  }
0xe: {  	[smem:$0x3FA3] =	sst s6  }
0xf: {  	[smem:$0x3FA4] =	sst s7  }
0x10: {  	[smem:$0x3FA5] =	sst s8  }
0x11: {  	[smem:$0x3FA6] =	sst s9;
	s0 =	simm.s32 @!p0 $0x0  }
0x12: {  	s1 =	sld [smem:$0x3F8C];
	s0 =	simm.s32 @p0 $0x1  }
0x13: {  	[smem:$0x3FA7] =	sst s0;
	s0 =	simm.s32 @!p1 $0x0  }
0x14: {  	s2 =	sld [smem:$0x3F8B];
	s0 =	simm.s32 @p1 $0x1  }
0x15: {  	[smem:$0x3FA8] =	sst s0;
	s0 =	simm.s32 @!p2 $0x0  }
0x16: {  	s3 =	sld [smem:$0x3FDB];
	s0 =	simm.s32 @p2 $0x1  }
0x17: {  	s4 =	simm.s32 $0x1BF5;
	[smem:$0x3FAA] =	sst s0  }
0x18: {  	s0 =	sld [smem:$0x3F8D];
	_ =	swait.ge [sflag:s4], $0x0  }
0x19: {  	s7 =	sld [smem:$0x3F8E]  }
0x1a: {  	s8 =	sadd.s32 $0xFFFFE003, lr  }
0x1b: {  	s9 =	sadd.s32 $0xFFFFFEF7, lr;
	s5 =	simm.s32 $0xFFFFFFFF;
	p2 =	slt.u32 s8, $0xFFFFF086  }
0x1c: {  	p1 =	slt.u32 s9, $0xF7A;
	s5 =	simm.s32 @!p2 $0x0  }
0x1d: {  	s5 =	simm.s32 @p1 $0x1;
	p0 =	seq.s32 s7, s2  }
0x1e: {  	s7 =	smul.u32 @!p0 $0xF7A, s2;
	p2 =	seq.s32 @!p0 s5, $0x0  }
0x1f: {  	s9 =	smul.u32 $0xF7A, s1;
	s8 =	simm.s32 @!p0 $0x1BF5;
	p2 =	por !p2, p0  }
0x20: {  	[sflag:s8] =	ssyncset.s32 @!p0 $0xFFFFF086;
	s6 =	sadd.s32 @!p0 s3, s7;
	s7 =	simm.s32 @!p0 $0x108  }
0x21: {  	s3 =	sadd.s32 s3, s9;
	s6 =	sadd.s32 @!p0 $0x88, s6;
	s7 =	simm.s32 @p2 $0x1082  }
0x22: {  	[simem:s7], [sflag:s8] =	dma.local @!p0 [hbm:s6], $0xF7A  }
0x23: {  	s9 =	sor.u32 $0xD0000000, s2;
	s6 =	simm.s32 $0x108;
	_ =	swait.ge @!p0 [sflag:s8], $0x0  }
0x24: {  	s3 =	sadd.s32 $0x88, s3;
	s6 =	simm.s32 @!p1 $0x1082;
	[sflag:s4] =	ssyncset.s32 $0xFFFFF086  }
0x25: {  	[simem:s6], [sflag:s4] =	dma.local [hbm:s3], $0xF7A  }
0x26: {  	[smem:$0x3F8E] =	sst s1;
	(tag) =	ssettag s2;
	_ =	strace s9  }
0x27: {  	s1 =	sld [smem:$0x3F9E]  }
0x28: {  	s2 =	sld [smem:$0x3F9F]  }
0x29: {  	s4 =	sld [smem:$0x3FA1]  }
0x2a: {  	p0 =	seq.s32 s5, $0x0;
	s5 =	sld [smem:$0x3FA2]  }
0x2b: {  	s6 =	sld [smem:$0x3FA3]  }
0x2c: {  	s7 =	sld [smem:$0x3FA4]  }
0x2d: {  	s3 =	simm.s32 $0x108;
	s8 =	sld [smem:$0x3FA5]  }
0x2e: {  	s3 =	simm.s32 @!p0 $0x1082;
	s9 =	sld [smem:$0x3FA6]  }
0x2f: {  	lr =	sadd.s32 s0, s3;
	s0 =	sld [smem:$0x3F9D]  }
0x30: {  	s3 =	sld [smem:$0x3FA0]  }
0x31: {  	[smem:$0x3FA9] =	sst s10  }
0x32: {  	s10 =	sld [smem:$0x3FA7];
	_ =	sdelay $0x3  }
0x33: {  	p0 =	seq.s32 s10, $0x1;
	s10 =	sld [smem:$0x3FA9];
	_ =	sdelay $0x3  }
0x34: {  	[smem:$0x3FA9] =	sst s10  }
0x35: {  	s10 =	sld [smem:$0x3FA8];
	_ =	sdelay $0x3  }
0x36: {  	p1 =	seq.s32 s10, $0x1;
	s10 =	sld [smem:$0x3FA9];
	_ =	sdelay $0x3  }
0x37: {  	[smem:$0x3FA9] =	sst s10  }
0x38: {  	s10 =	sld [smem:$0x3FAA]  }
0x39: {  	_ = 	snop;
	(pc) =	sbr.ind lr, $3  }
0x3a: {  	_ = 	snop  }
0x3b: {  	_ = 	snop  }
0x3c: {  	p2 =	seq.s32 s10, $0x1;
	s10 =	sld [smem:$0x3FA9]  }
0x3d: {  	_ =	shalt  }
0x3e: {  	_ =	shalt  }
0x3f: {  	_ =	shalt  }
0x40: {  	_ =	shalt  }
0x41: {  	_ =	shalt  }
0x42: {  	_ =	shalt  }
0x43: {  	_ =	shalt  }
0x44: {  	_ =	shalt  }
0x45: {  	_ =	shalt  }
0x46: {  	_ =	shalt  }
0x47: {  	_ =	shalt  }
0x48: {  	_ =	shalt  }
0x49: {  	_ =	shalt  }
0x4a: {  	_ =	shalt  }
0x4b: {  	_ =	shalt  }
0x4c: {  	_ =	shalt  }
0x4d: {  	_ =	shalt  }
0x4e: {  	_ =	shalt  }
0x4f: {  	_ =	shalt  }
0x50: {  	_ =	shalt  }
0x51: {  	_ =	shalt  }
0x52: {  	_ =	shalt  }
0x53: {  	_ =	shalt  }
0x54: {  	_ =	shalt  }
0x55: {  	_ =	shalt  }
0x56: {  	_ =	shalt  }
0x57: {  	_ =	shalt  }
0x58: {  	_ =	shalt  }
0x59: {  	_ =	shalt  }
0x5a: {  	_ =	shalt  }
0x5b: {  	_ =	shalt  }
0x5c: {  	_ =	shalt  }
0x5d: {  	_ =	shalt  }
0x5e: {  	_ =	shalt  }
0x5f: {  	_ =	shalt  }
0x60: {  	_ =	shalt  }
0x61: {  	_ =	shalt  }
0x62: {  	_ =	shalt  }
0x63: {  	_ =	shalt  }
0x64: {  	_ =	shalt  }
0x65: {  	_ =	shalt  }
0x66: {  	_ =	shalt  }
0x67: {  	_ =	shalt  }
0x68: {  	_ =	shalt  }
0x69: {  	_ =	shalt  }
0x6a: {  	_ =	shalt  }
0x6b: {  	_ =	shalt  }
0x6c: {  	_ =	shalt  }
0x6d: {  	_ =	shalt  }
0x6e: {  	_ =	shalt  }
0x6f: {  	_ =	shalt  }
0x70: {  	_ =	shalt  }
0x71: {  	_ =	shalt  }
0x72: {  	_ =	shalt  }
0x73: {  	_ =	shalt  }
0x74: {  	_ =	shalt  }
0x75: {  	_ =	shalt  }
0x76: {  	_ =	shalt  }
0x77: {  	_ =	shalt  }
0x78: {  	_ =	shalt  }
0x79: {  	_ =	shalt  }
0x7a: {  	_ =	shalt  }
0x7b: {  	_ =	shalt  }
0x7c: {  	_ =	shalt  }
0x7d: {  	_ =	shalt  }
0x7e: {  	_ =	shalt  }
0x7f: {  	_ =	shalt  }
0x80: {  	_ =	shalt  }
0x81: {  	_ =	shalt  }
0x82: {  	_ =	shalt  }
0x83: {  	_ =	shalt  }
0x84: {  	_ =	shalt  }
0x85: {  	_ =	shalt  }
0x86: {  	_ =	shalt  }
0x87: {  	_ =	shalt  }
.Lfunc_end0:
.L_simem_size_0:
called_computation_lowered:
.L_overlay_start_0:
0x88: {  	s2 =	sld [smem:$0x3FD9]  }
0x89: {  	s3 =	sld [smem:$0x3FFE];
	_ =	sdelay $0x1  }
0x8a: {  	s1 =	srdreg.scid  }
0x8b: {  	s0 =	sand.u32 $0x1, s1  }
0x8c: {  	s16 =	sshll.u32 s0, $0xA;
	s2 =	sadd.s32 s3, s2  }
0x8d: {  	s2 =	sadd.s32 s2, s16  }
0x8e: {  	[smem:$0x3FB5] =	sst s2  }
0x8f: {  	_ = 	snop  }
0x90: {  	(tm) =	ssettm $0x1  }
0x91: {  	s17 =	sld [smem:$0x3FFB];
	_ =	sdelay $0x3  }
0x92: {  	_ =	strace s17  }
0x93: {  	s2 =	sld [smem:$0x3FFC];
	_ =	sdelay $0x3  }
0x94: {  	_ =	strace s2  }
0x95: {  	s2 =	sld [smem:$0x3FFD];
	_ =	sdelay $0x3  }
0x96: {  	_ =	strace s2  }
0x97: {  	_ =	strace $0x8FFFFFFF  }
0x98: {  	s18 =	sld [smem:$0x3FDB];
	_ =	sdelay $0x1  }
0x99: {  	s19 =	simm.s32 $_scs_section_size  }
0x9a: {  	s4 =	simm.s32 $_size__tile_overlayer_lowered;
	s5 =	simm.s32 $_tile_overlayer_lowered  }
0x9b: {  	s22 =	simm.s32 $0x1BFF;
	s21 =	sshll.u32 s5, $0x1;
	s2 =	sadd.s32 s19, s18  }
0x9c: {  	s6 =	simm.s32 $0x0;
	s20 =	sshll.u32 s4, $0x1;
	s4 =	sadd.s32 s21, s2  }
0x9d: {  	[timem:s6], [sflag:s22] =	dma.local [hbm:s4], s20  }
0x9e: {  	_ =	swait.ge [sflag:s22], s20  }
0x9f: {  	s3 =	ssub.s32 $0x0, s20;
	[sflag:s22] =	ssyncset.done $0x0  }
0xa0: {  	[sflag:s22] =	ssyncadd.s32 s3;
	_ =	sdelay $0x1  }
0xa1: {  	s23 =	simm.s32 $0x1B8B  }
0xa2: {  	_ =	swait.ge [sflag:s23], $0x1  }
0xa3: {  	[sflag:s23] =	ssyncset.done $0x0  }
0xa4: {  	s25 =	simm.s32 $0x1B8E;
	s24 =	sld [smem:$0x3FFE];
	[sflag:s23] =	ssyncadd.s32 $0xFFFFFFFF  }
0xa5: {  	s26 =	simm.s32 $execute0_lowered;
	[smem:$0x3FD2] =	sst s25  }
0xa6: {  	s4 =	sshll.u32 s26, $0x1;
	_ =	strace $0x80000046;
	[dreg:$0x1] =	wrdreg $0xFFFFFFFF  }
0xa7: {  	s28 =	simm.s32 $_size_execute0_lowered;
	s2 =	sadd.s32 s2, s4;
	[dreg:$0x0] =	wrdreg $0x0  }
0xa8: {  	s4 =	sshll.u32 s28, $0x1;
	[dreg:$0x2] =	wrdreg s2  }
0xa9: {  	[dreg:$0x3] =	wrdreg s4  }
0xaa: {  	[dreg:$0x4] =	wrdreg $0xC0  }
0xab: {  	_ =	task [dreg:s6], $0x5FFFF  }
0xac: {  	[dreg:$0x1] =	wrdreg $0xFFFFFFFF  }
0xad: {  	[dreg:$0x0] =	wrdreg $0x60  }
0xae: {  	[dreg:$0x2] =	wrdreg s24  }
0xaf: {  	[dreg:$0x3] =	wrdreg $0x9  }
0xb0: {  	_ =	task.clear_ibuf [dreg:s6], $0x4FFFF;
	_ =	strace $0x90000046  }
0xb1: {  	s29 =	simm.s32 $0x9;
	_ =	strace $0x80000048  }
0xb2: {  	_ =	swait.ge [sflag:s29], $0x1  }
0xb3: {  	[sflag:s29] =	ssyncadd.s32 $0xFFFFFFFF  }
0xb4: {  	_ =	strace $0x90000048  }
0xb5: {  	_ =	sfence  }
0xb6: {  	s30 =	sld [smem:$0x0];
	_ =	sdelay $0x2  }
0xb7: {  	s31 =	sshll.u32 s1, $0xD;
	s1 =	sshrl.u32 s1, $0x2  }
0xb8: {  	s3 =	sand.u32 $0x4000, s31;
	s1 =	sadd.s32 s1, s30  }
0xb9: {  	s0 =	sor.u32 s3, s0;
	s1 =	sshll.u32 s1, $0x11  }
0xba: {  	s0 =	sor.u32 s1, s0  }
0xbb: {  	s0 =	sadd.s32 $0x8F2B, s0  }
0xbc: {  	[sflag:s0] =	ssyncadd.remote.s32 $0x1  }
0xbd: {  	_ =	sfence.sel $0xFFFF  }
0xbe: {  	[dreg:$0x0] =	wrdreg $0xFFFFFFFF;
	(pc) =	sbr.abs _section_cstart, $3  }
0xbf: {  	[dreg:$0x1] =	wrdreg $0xFFFFFFFF  }
0xc0: {  	_ =	task.clear_ibuf [dreg:s6], $0x2FFFF;
	_ =	strace $0x9FFFFFFF  }
0xc1: {  	(tm) =	ssettm $0x7FFFFFFF  }
tec
execute0_lowered:
.L_overlay_start_1:
0x0: {  	(tag) =	ssettag $0x1  }
0x1: {  	s0 =	srdreg.scid;
	s5 =	rddreg [dreg:$0x0]  }
0x2: {  	s1 =	rddreg [dreg:$0x1];
	s3 =	sand.u32 $0x1, s0  }
0x3: {  	s0 =	stileid.u32;
	s4 =	smul.u32 $0x2C000, s3  }
0x4: {  	s10 =	simm.s32 $0x0;
	s6 =	smul.u32 $0x27800, s3;
	s2 =	sshrl.u32 s0, $0x3  }
0x5: {  	s8 =	smul.u32 $0x2C00, s0;
	s9 =	sshll.u32 s0, $0x7;
	s3 =	ssub.s32 $0x2, s3  }
0x6: {  	s7 =	smul.u32 $0x13C00, s2;
	s2 =	simm.s32 $0x0;
	s30 =	sand.u32 $0x380, s9  }
0x7: {  	s31 =	sshrl.u32 s3, $0x1;
	s9 =	simm.s32 $0x400;
	[smem:$0x7FF] =	sst s2  }
0x8: {  	s4 =	sadd.s32 s8, s4;
	s8 =	simm.s32 $0x80;
	s6 =	sadd.s32 s6, s7  }
0x9: {  	_ =	strace $0x80000047;
	s4 =	sshrl.u32 s4, $0x3;
	s6 =	sor.u32 s30, s6  }
0xa: {  	s7 =	simm.s32 $0x2C00;
	s4 =	sadd.s32 s4, s5;
	s6 =	sshrl.u32 s6, $0x3  }
0xb: {  	s5 =	sadd.s32 s6, s5;
	s6 =	ssub.s32 s3, s31;
	s3 =	sadd.s32 $0x4000, s4  }
0xc: {  	v0 =	vimm.f32 $0.0e+00;
	s4 =	sadd.s32 $0xF000, s5;
	s5 =	smax.u32 s6, $0x1;
	s6 =	simm.s32 $0x1  }
.LBB2_1:
0xd: {  	[tilespmem:s2], [sflag:$0x1] =	stream.linear.gather [hbm4b:s3+s2], $0x2900, $0x38;
	[tilespmem:$0x5380] =	vst v63  }
0xe: {  	_ =	swait.ge [sflag:s6], $0x2900  }
0xf: {  	[sflag:s6] =	ssyncset.done $0x0  }
0x10: {  	s11 =	simm.s32 $0x0;
	[sflag:s6] =	ssyncadd.s32 $0xFFFFD700  }
.LBB2_2:
0x11: {  	p0 =	sne.s32 s11, $0x9DC0  }
.Ltmp0:
0x12: {  	_ = 	snop;
	(pc) =	sbr.rel @p0 .LBB2_2-.Ltmp0, $3  }
0x13: {  	_ =	sdelay $0x1  }
0x14: {  	s12 =	sshra.s32 s11, $0x2  }
0x15: {  	s11 =	sadd.s32 $0x40, s11;
	[tilespmem:s12+$0x2C00] =	vst v0  }
0x16: {  	s11 =	simm.s32 $0x0  }
.LBB2_4:
0x17: {  	s12 =	sshra.s32 s11, $0x2  }
0x18: {  	v1 =	vld [tilespmem:s12+$0x0];
	_ =	sdelay $0x4  }
0x19: {  	(xrf1) =	vunique.msk.u32 $0xffff, v1;
	_ =	sdelay $0xc  }
0x1a: {  	v2 =	vld.idx.msk [tilespmem:v1+s7+$0x0], $0xffff  }
0x1b: {  	_, v3, vm0 =	vpop (xrf1);
	_ =	sdelay $0x1  }
0x1c: {  	v3 =	vcvt.s32.f32 v3;
	_ =	sdelay $0x1  }
0x1d: {  	v2 =	vadd.f32 v3, v2;
	_ =	sdelay $0x1  }
0x1e: {  	[tilespmem:v1+s7+$0x0] =	vst.idx.msk vm0, v2  }
0x1f: {  	v1 =	vld [tilespmem:s12+$0x10];
	_ =	sdelay $0x4  }
0x20: {  	(xrf1) =	vunique.msk.u32 $0xffff, v1;
	_ =	sdelay $0xc  }
0x21: {  	v2 =	vld.idx.msk [tilespmem:v1+s7+$0x0], $0xffff  }
0x22: {  	_, v3, vm9 =	vpop (xrf1);
	_ =	sdelay $0x1  }
0x23: {  	v3 =	vcvt.s32.f32 v3;
	_ =	sdelay $0x1  }
0x24: {  	v2 =	vadd.f32 v3, v2;
	_ =	sdelay $0x1  }
0x25: {  	[tilespmem:v1+s7+$0x0] =	vst.idx.msk vm9, v2  }
0x26: {  	v1 =	vld [tilespmem:s12+$0x20];
	_ =	sdelay $0x4  }
0x27: {  	(xrf1) =	vunique.msk.u32 $0xffff, v1;
	_ =	sdelay $0xc  }
0x28: {  	v2 =	vld.idx.msk [tilespmem:v1+s7+$0x0], $0xffff  }
0x29: {  	_, v3, vm10 =	vpop (xrf1);
	_ =	sdelay $0x1  }
0x2a: {  	v3 =	vcvt.s32.f32 v3;
	_ =	sdelay $0x1  }
0x2b: {  	v2 =	vadd.f32 v3, v2;
	_ =	sdelay $0x1  }
0x2c: {  	[tilespmem:v1+s7+$0x0] =	vst.idx.msk vm10, v2  }
0x2d: {  	v1 =	vld [tilespmem:s12+$0x30];
	_ =	sdelay $0x4  }
0x2e: {  	(xrf1) =	vunique.msk.u32 $0xffff, v1;
	_ =	sdelay $0xc  }
0x2f: {  	v2 =	vld.idx.msk [tilespmem:v1+s7+$0x0], $0xffff  }
0x30: {  	_, v3, vm11 =	vpop (xrf1);
	_ =	sdelay $0x1  }
0x31: {  	v3 =	vcvt.s32.f32 v3;
	_ =	sdelay $0x1  }
0x32: {  	v2 =	vadd.f32 v3, v2;
	_ =	sdelay $0x1  }
0x33: {  	[tilespmem:v1+s7+$0x0] =	vst.idx.msk vm11, v2  }
0x34: {  	v1 =	vld [tilespmem:s12+$0x40];
	_ =	sdelay $0x4  }
0x35: {  	(xrf1) =	vunique.msk.u32 $0xffff, v1;
	_ =	sdelay $0xc  }
0x36: {  	v2 =	vld.idx.msk [tilespmem:v1+s7+$0x0], $0xffff  }
0x37: {  	_, v3, vm12 =	vpop (xrf1);
	_ =	sdelay $0x1  }
0x38: {  	v3 =	vcvt.s32.f32 v3;
	_ =	sdelay $0x1  }
0x39: {  	v2 =	vadd.f32 v3, v2;
	_ =	sdelay $0x1  }
0x3a: {  	[tilespmem:v1+s7+$0x0] =	vst.idx.msk vm12, v2  }
0x3b: {  	v1 =	vld [tilespmem:s12+$0x50];
	_ =	sdelay $0x4  }
0x3c: {  	(xrf1) =	vunique.msk.u32 $0xffff, v1;
	_ =	sdelay $0xc  }
0x3d: {  	v2 =	vld.idx.msk [tilespmem:v1+s7+$0x0], $0xffff  }
0x3e: {  	_, v3, vm13 =	vpop (xrf1);
	_ =	sdelay $0x1  }
0x3f: {  	v3 =	vcvt.s32.f32 v3;
	_ =	sdelay $0x1  }
0x40: {  	v2 =	vadd.f32 v3, v2;
	_ =	sdelay $0x1  }
0x41: {  	[tilespmem:v1+s7+$0x0] =	vst.idx.msk vm13, v2  }
0x42: {  	v1 =	vld [tilespmem:s12+$0x60];
	_ =	sdelay $0x4  }
0x43: {  	(xrf1) =	vunique.msk.u32 $0xffff, v1;
	_ =	sdelay $0xc  }
0x44: {  	v2 =	vld.idx.msk [tilespmem:v1+s7+$0x0], $0xffff  }
0x45: {  	_, v3, vm14 =	vpop (xrf1);
	_ =	sdelay $0x1  }
0x46: {  	v3 =	vcvt.s32.f32 v3;
	_ =	sdelay $0x1  }
0x47: {  	v2 =	vadd.f32 v3, v2;
	_ =	sdelay $0x1  }
0x48: {  	[tilespmem:v1+s7+$0x0] =	vst.idx.msk vm14, v2  }
0x49: {  	v1 =	vld [tilespmem:s12+$0x70];
	_ =	sdelay $0x4  }
0x4a: {  	(xrf1) =	vunique.msk.u32 $0xffff, v1;
	_ =	sdelay $0xc  }
0x4b: {  	v2 =	vld.idx.msk [tilespmem:v1+s7+$0x0], $0xffff  }
0x4c: {  	_, v3, vm15 =	vpop (xrf1)  }
0x4d: {  	p0 =	sne.s32 s11, $0xA200  }
.Ltmp1:
0x4e: {  	v3 =	vcvt.s32.f32 v3;
	(pc) =	sbr.rel @p0 .LBB2_4-.Ltmp1, $3  }
0x4f: {  	_ = 	snop  }
0x50: {  	v2 =	vadd.f32 v3, v2;
	_ =	sdelay $0x1  }
0x51: {  	s11 =	sadd.s32 $0x200, s11;
	[tilespmem:v1+s7+$0x0] =	vst.idx.msk vm15, v2  }
0x52: {  	s10 =	sadd.s32 $0x1, s10  }
0x53: {  	p0 =	sne.s32 s10, s5  }
.Ltmp2:
0x54: {  	_ = 	snop;
	(pc) =	sbr.rel @p0 .LBB2_1-.Ltmp2, $4  }
0x55: {  	[hbm4b:s4+s8] =	stream.strided.scatter [tilespmem:s7], [sflag:$0x1], $0x2780, s9, s8, $0x38;
	[tilespmem:$0x5380] =	vst v63  }
0x56: {  	_ =	swait.ge [sflag:s6], $0x2780  }
0x57: {  	[sflag:s6] =	ssyncset.done $0x0  }
0x58: {  	[sflag:s6] =	ssyncadd.s32 $0xFFFFD880  }
0x59: {  	_ =	sfence.sel $0x180000  }
0x5a: {  	[bflag:$0x0] =	sbarrier.arrive $0xFFFF  }
0x5b: {  	p0 =	sne.s32 s0, $0x0;
	_ =	strace $0x90000047  }
0x5c: {  	s0 =	sadd.s32 @!p0 $0x100000, s1;
	[bflag:$0x2] =	sbarrier.arrive $0xFFFF  }
0x5d: {  	[sflag:s0] =	ssyncadd.tile.s32 @!p0 $0x1;
	_ =	shalt  }
.Lfunc_end2:
_tile_overlayer_lowered:
.L_overlay_start_2:
0x5e: {  	(tag) =	ssettag $0x2  }
0x5f: {  	s0 =	rddreg [dreg:$0x0];
	s2 =	stileid.u32  }
0x60: {  	s1 =	rddreg [dreg:$0x1];
	p0 =	sne.s32 s2, $0x0  }
0x61: {  	s3 =	rddreg [dreg:$0x2];
	[bflag:$0x3] =	sbarrier.arrive $0xFFFF;
	s2 =	simm.s32 @!p0 $0x1C01  }
0x62: {  	[timem:s3], [sflag:s2] =	dma.local @!p0 [hbm:s0], s1  }
0x63: {  	s0 =	simm.s32 @!p0 $0x1  }
0x64: {  	_ =	swait.ge @!p0 [sflag:s0], s1  }
0x65: {  	s1 =	ssub.s32 @!p0 $0x0, s1;
	[sflag:s0] =	ssyncset.done @!p0 $0x0  }
0x66: {  	[sflag:s0] =	ssyncadd.s32 @!p0 s1  }
0x67: {  	[bflag:$0x3] =	sbarrier.arrive $0xFFFF  }
0x68: {  	_ =	shalt  }

// kernel: kernel.13.cloned.1.call-start
scs
__scs_entry_jumppad:
0x0: {  	(pc) =	sbr.rel $0x88, $3  }
0x1: {  	(tag) =	ssettag $0x0;
	lr =	simm.s32 $0x1  }
0x2: {  	[smem:$0x3F8E] =	sst lr;
	_ =	strace $0xD0000000  }
0x3: {  	_ = 	snop  }
0x4: {  	_ = 	snop  }
0x5: {  	_ = 	snop  }
0x6: {  	_ = 	snop  }
0x7: {  	_ = 	snop  }
__scs_overlays_trampoline_lowered:
0x8: {  	[smem:$0x3F9D] =	sst s0  }
0x9: {  	[smem:$0x3F9E] =	sst s1  }
0xa: {  	[smem:$0x3F9F] =	sst s2  }
0xb: {  	[smem:$0x3FA0] =	sst s3  }
0xc: {  	[smem:$0x3FA1] =	sst s4  }
0xd: {  	[smem:$0x3FA2] =	sst s5  }
0xe: {  	[smem:$0x3FA3] =	sst s6  }
0xf: {  	[smem:$0x3FA4] =	sst s7  }
0x10: {  	[smem:$0x3FA5] =	sst s8  }
0x11: {  	[smem:$0x3FA6] =	sst s9;
	s0 =	simm.s32 @!p0 $0x0  }
0x12: {  	s1 =	sld [smem:$0x3F8C];
	s0 =	simm.s32 @p0 $0x1  }
0x13: {  	[smem:$0x3FA7] =	sst s0;
	s0 =	simm.s32 @!p1 $0x0  }
0x14: {  	s2 =	sld [smem:$0x3F8B];
	s0 =	simm.s32 @p1 $0x1  }
0x15: {  	[smem:$0x3FA8] =	sst s0;
	s0 =	simm.s32 @!p2 $0x0  }
0x16: {  	s3 =	sld [smem:$0x3FDB];
	s0 =	simm.s32 @p2 $0x1  }
0x17: {  	s4 =	simm.s32 $0x1BF5;
	[smem:$0x3FAA] =	sst s0  }
0x18: {  	s0 =	sld [smem:$0x3F8D];
	_ =	swait.ge [sflag:s4], $0x0  }
0x19: {  	s7 =	sld [smem:$0x3F8E]  }
0x1a: {  	s8 =	sadd.s32 $0xFFFFE003, lr  }
0x1b: {  	s9 =	sadd.s32 $0xFFFFFEF7, lr;
	s5 =	simm.s32 $0xFFFFFFFF;
	p2 =	slt.u32 s8, $0xFFFFF086  }
0x1c: {  	p1 =	slt.u32 s9, $0xF7A;
	s5 =	simm.s32 @!p2 $0x0  }
0x1d: {  	s5 =	simm.s32 @p1 $0x1;
	p0 =	seq.s32 s7, s2  }
0x1e: {  	s7 =	smul.u32 @!p0 $0xF7A, s2;
	p2 =	seq.s32 @!p0 s5, $0x0  }
0x1f: {  	s9 =	smul.u32 $0xF7A, s1;
	s8 =	simm.s32 @!p0 $0x1BF5;
	p2 =	por !p2, p0  }
0x20: {  	[sflag:s8] =	ssyncset.s32 @!p0 $0xFFFFF086;
	s6 =	sadd.s32 @!p0 s3, s7;
	s7 =	simm.s32 @!p0 $0x108  }
0x21: {  	s3 =	sadd.s32 s3, s9;
	s6 =	sadd.s32 @!p0 $0x88, s6;
	s7 =	simm.s32 @p2 $0x1082  }
0x22: {  	[simem:s7], [sflag:s8] =	dma.local @!p0 [hbm:s6], $0xF7A  }
0x23: {  	s9 =	sor.u32 $0xD0000000, s2;
	s6 =	simm.s32 $0x108;
	_ =	swait.ge @!p0 [sflag:s8], $0x0  }
0x24: {  	s3 =	sadd.s32 $0x88, s3;
	s6 =	simm.s32 @!p1 $0x1082;
	[sflag:s4] =	ssyncset.s32 $0xFFFFF086  }
0x25: {  	[simem:s6], [sflag:s4] =	dma.local [hbm:s3], $0xF7A  }
0x26: {  	[smem:$0x3F8E] =	sst s1;
	(tag) =	ssettag s2;
	_ =	strace s9  }
0x27: {  	s1 =	sld [smem:$0x3F9E]  }
0x28: {  	s2 =	sld [smem:$0x3F9F]  }
0x29: {  	s4 =	sld [smem:$0x3FA1]  }
0x2a: {  	p0 =	seq.s32 s5, $0x0;
	s5 =	sld [smem:$0x3FA2]  }
0x2b: {  	s6 =	sld [smem:$0x3FA3]  }
0x2c: {  	s7 =	sld [smem:$0x3FA4]  }
0x2d: {  	s3 =	simm.s32 $0x108;
	s8 =	sld [smem:$0x3FA5]  }
0x2e: {  	s3 =	simm.s32 @!p0 $0x1082;
	s9 =	sld [smem:$0x3FA6]  }
0x2f: {  	lr =	sadd.s32 s0, s3;
	s0 =	sld [smem:$0x3F9D]  }
0x30: {  	s3 =	sld [smem:$0x3FA0]  }
0x31: {  	[smem:$0x3FA9] =	sst s10  }
0x32: {  	s10 =	sld [smem:$0x3FA7];
	_ =	sdelay $0x3  }
0x33: {  	p0 =	seq.s32 s10, $0x1;
	s10 =	sld [smem:$0x3FA9];
	_ =	sdelay $0x3  }
0x34: {  	[smem:$0x3FA9] =	sst s10  }
0x35: {  	s10 =	sld [smem:$0x3FA8];
	_ =	sdelay $0x3  }
0x36: {  	p1 =	seq.s32 s10, $0x1;
	s10 =	sld [smem:$0x3FA9];
	_ =	sdelay $0x3  }
0x37: {  	[smem:$0x3FA9] =	sst s10  }
0x38: {  	s10 =	sld [smem:$0x3FAA]  }
0x39: {  	_ = 	snop;
	(pc) =	sbr.ind lr, $3  }
0x3a: {  	_ = 	snop  }
0x3b: {  	_ = 	snop  }
0x3c: {  	p2 =	seq.s32 s10, $0x1;
	s10 =	sld [smem:$0x3FA9]  }
0x3d: {  	_ =	shalt  }
0x3e: {  	_ =	shalt  }
0x3f: {  	_ =	shalt  }
0x40: {  	_ =	shalt  }
0x41: {  	_ =	shalt  }
0x42: {  	_ =	shalt  }
0x43: {  	_ =	shalt  }
0x44: {  	_ =	shalt  }
0x45: {  	_ =	shalt  }
0x46: {  	_ =	shalt  }
0x47: {  	_ =	shalt  }
0x48: {  	_ =	shalt  }
0x49: {  	_ =	shalt  }
0x4a: {  	_ =	shalt  }
0x4b: {  	_ =	shalt  }
0x4c: {  	_ =	shalt  }
0x4d: {  	_ =	shalt  }
0x4e: {  	_ =	shalt  }
0x4f: {  	_ =	shalt  }
0x50: {  	_ =	shalt  }
0x51: {  	_ =	shalt  }
0x52: {  	_ =	shalt  }
0x53: {  	_ =	shalt  }
0x54: {  	_ =	shalt  }
0x55: {  	_ =	shalt  }
0x56: {  	_ =	shalt  }
0x57: {  	_ =	shalt  }
0x58: {  	_ =	shalt  }
0x59: {  	_ =	shalt  }
0x5a: {  	_ =	shalt  }
0x5b: {  	_ =	shalt  }
0x5c: {  	_ =	shalt  }
0x5d: {  	_ =	shalt  }
0x5e: {  	_ =	shalt  }
0x5f: {  	_ =	shalt  }
0x60: {  	_ =	shalt  }
0x61: {  	_ =	shalt  }
0x62: {  	_ =	shalt  }
0x63: {  	_ =	shalt  }
0x64: {  	_ =	shalt  }
0x65: {  	_ =	shalt  }
0x66: {  	_ =	shalt  }
0x67: {  	_ =	shalt  }
0x68: {  	_ =	shalt  }
0x69: {  	_ =	shalt  }
0x6a: {  	_ =	shalt  }
0x6b: {  	_ =	shalt  }
0x6c: {  	_ =	shalt  }
0x6d: {  	_ =	shalt  }
0x6e: {  	_ =	shalt  }
0x6f: {  	_ =	shalt  }
0x70: {  	_ =	shalt  }
0x71: {  	_ =	shalt  }
0x72: {  	_ =	shalt  }
0x73: {  	_ =	shalt  }
0x74: {  	_ =	shalt  }
0x75: {  	_ =	shalt  }
0x76: {  	_ =	shalt  }
0x77: {  	_ =	shalt  }
0x78: {  	_ =	shalt  }
0x79: {  	_ =	shalt  }
0x7a: {  	_ =	shalt  }
0x7b: {  	_ =	shalt  }
0x7c: {  	_ =	shalt  }
0x7d: {  	_ =	shalt  }
0x7e: {  	_ =	shalt  }
0x7f: {  	_ =	shalt  }
0x80: {  	_ =	shalt  }
0x81: {  	_ =	shalt  }
0x82: {  	_ =	shalt  }
0x83: {  	_ =	shalt  }
0x84: {  	_ =	shalt  }
0x85: {  	_ =	shalt  }
0x86: {  	_ =	shalt  }
0x87: {  	_ =	shalt  }
.Lfunc_end0:
.L_simem_size_0:
called_computation.1_lowered:
.L_overlay_start_0:
0x88: {  	s2 =	sld [smem:$0x3FD9]  }
0x89: {  	s3 =	sld [smem:$0x3FFE];
	_ =	sdelay $0x1  }
0x8a: {  	s1 =	srdreg.scid  }
0x8b: {  	s0 =	sand.u32 $0x1, s1  }
0x8c: {  	s16 =	sshll.u32 s0, $0xA;
	s2 =	sadd.s32 s3, s2  }
0x8d: {  	s2 =	sadd.s32 s2, s16  }
0x8e: {  	[smem:$0x3FB5] =	sst s2  }
0x8f: {  	_ = 	snop  }
0x90: {  	(tm) =	ssettm $0x1  }
0x91: {  	s17 =	sld [smem:$0x3FFB];
	_ =	sdelay $0x3  }
0x92: {  	_ =	strace s17  }
0x93: {  	s2 =	sld [smem:$0x3FFC];
	_ =	sdelay $0x3  }
0x94: {  	_ =	strace s2  }
0x95: {  	s2 =	sld [smem:$0x3FFD];
	_ =	sdelay $0x3  }
0x96: {  	_ =	strace s2  }
0x97: {  	_ =	strace $0x8FFFFFFF  }
0x98: {  	s18 =	sld [smem:$0x3FDB];
	_ =	sdelay $0x1  }
0x99: {  	s19 =	simm.s32 $_scs_section_size  }
0x9a: {  	s4 =	simm.s32 $_size__tile_overlayer_lowered;
	s5 =	simm.s32 $_tile_overlayer_lowered  }
0x9b: {  	s22 =	simm.s32 $0x1BFF;
	s21 =	sshll.u32 s5, $0x1;
	s2 =	sadd.s32 s19, s18  }
0x9c: {  	s6 =	simm.s32 $0x0;
	s20 =	sshll.u32 s4, $0x1;
	s4 =	sadd.s32 s21, s2  }
0x9d: {  	[timem:s6], [sflag:s22] =	dma.local [hbm:s4], s20  }
0x9e: {  	_ =	swait.ge [sflag:s22], s20  }
0x9f: {  	s3 =	ssub.s32 $0x0, s20;
	[sflag:s22] =	ssyncset.done $0x0  }
0xa0: {  	[sflag:s22] =	ssyncadd.s32 s3;
	_ =	sdelay $0x1  }
0xa1: {  	s23 =	simm.s32 $0x1B8B  }
0xa2: {  	_ =	swait.ge [sflag:s23], $0x1  }
0xa3: {  	[sflag:s23] =	ssyncset.done $0x0  }
0xa4: {  	s25 =	simm.s32 $0x1B8E;
	s24 =	sld [smem:$0x3FFE];
	[sflag:s23] =	ssyncadd.s32 $0xFFFFFFFF  }
0xa5: {  	s26 =	simm.s32 $execute0_lowered;
	[smem:$0x3FD2] =	sst s25  }
0xa6: {  	s4 =	sshll.u32 s26, $0x1;
	_ =	strace $0x80000049;
	[dreg:$0x1] =	wrdreg $0xFFFFFFFF  }
0xa7: {  	s28 =	simm.s32 $_size_execute0_lowered;
	s2 =	sadd.s32 s2, s4;
	[dreg:$0x0] =	wrdreg $0x0  }
0xa8: {  	s4 =	sshll.u32 s28, $0x1;
	[dreg:$0x2] =	wrdreg s2  }
0xa9: {  	[dreg:$0x3] =	wrdreg s4  }
0xaa: {  	[dreg:$0x4] =	wrdreg $0xC0  }
0xab: {  	_ =	task [dreg:s6], $0x5FFFF  }
0xac: {  	[dreg:$0x1] =	wrdreg $0xFFFFFFFF  }
0xad: {  	[dreg:$0x0] =	wrdreg $0x60  }
0xae: {  	[dreg:$0x2] =	wrdreg s24  }
0xaf: {  	[dreg:$0x3] =	wrdreg $0xB0000  }
0xb0: {  	[dreg:$0x4] =	wrdreg $0x9  }
0xb1: {  	_ =	task.clear_ibuf [dreg:s6], $0x5FFFF;
	_ =	strace $0x90000049  }
0xb2: {  	s29 =	simm.s32 $0x9;
	_ =	strace $0x8000004B  }
0xb3: {  	_ =	swait.ge [sflag:s29], $0x1  }
0xb4: {  	[sflag:s29] =	ssyncadd.s32 $0xFFFFFFFF  }
0xb5: {  	_ =	strace $0x9000004B  }
0xb6: {  	_ =	sfence  }
0xb7: {  	s30 =	sld [smem:$0x0];
	_ =	sdelay $0x2  }
0xb8: {  	s31 =	sshll.u32 s1, $0xD;
	s1 =	sshrl.u32 s1, $0x2  }
0xb9: {  	s3 =	sand.u32 $0x4000, s31;
	s1 =	sadd.s32 s1, s30  }
0xba: {  	s0 =	sor.u32 s3, s0;
	s1 =	sshll.u32 s1, $0x11  }
0xbb: {  	s0 =	sor.u32 s1, s0  }
0xbc: {  	s0 =	sadd.s32 $0x8F2B, s0  }
0xbd: {  	[sflag:s0] =	ssyncadd.remote.s32 $0x1  }
0xbe: {  	_ =	sfence.sel $0xFFFF  }
0xbf: {  	[dreg:$0x0] =	wrdreg $0xFFFFFFFF;
	(pc) =	sbr.abs _section_cstart, $3  }
0xc0: {  	[dreg:$0x1] =	wrdreg $0xFFFFFFFF  }
0xc1: {  	_ =	task.clear_ibuf [dreg:s6], $0x2FFFF;
	_ =	strace $0x9FFFFFFF  }
0xc2: {  	(tm) =	ssettm $0x7FFFFFFF  }
0xc3: {  	_ =	shalt  }
tec
execute0_lowered:
.L_overlay_start_1:
0x0: {  	(tag) =	ssettag $0x1  }
0x1: {  	s5 =	rddreg [dreg:$0x0]  }
0x2: {  	s2 =	rddreg [dreg:$0x1]  }
0x3: {  	s0 =	rddreg [dreg:$0x2];
	s3 =	simm.s32 $0x0  }
0x4: {  	s1 =	stileid.u32;
	s4 =	srdreg.scid;
	s17 =	simm.s32 $0x1  }
0x5: {  	s18 =	simm.s32 $0x80;
	s19 =	simm.s32 $0x3000;
	s20 =	simm.s32 $0x7000  }
0x6: {  	s21 =	simm.s32 $0x1880;
	s22 =	simm.s32 $0x2;
	s6 =	smul.u32 $0x13C00, s1  }
0x7: {  	s23 =	simm.s32 $0x0;
	[smem:$0x7FF] =	sst s3;
	s12 =	smul.u32 $0x4F000, s1  }
0x8: {  	s7 =	sand.u32 $0x1, s4;
	s4 =	sadd.s32 $0x23E00, s5;
	s13 =	smul.u32 $0x2C00, s1  }
0x9: {  	s10 =	sadd.s32 $0x18E00, s5;
	s11 =	sadd.s32 $0x4000, s5;
	s8 =	smul.u32 $0x13C000, s7  }
0xa: {  	_ =	strace $0x8000004A;
	s25 =	smul.u32 $0x2C000, s7;
	s7 =	ssub.s32 $0x2, s7  }
0xb: {  	s9 =	sshrl.u32 s6, $0x3;
	s26 =	sshrl.u32 s7, $0x1;
	s28 =	sshrl.u32 s12, $0x2  }
0xc: {  	s9 =	sadd.s32 s9, s5;
	s6 =	sadd.s32 s6, s8;
	s15 =	ssub.s32 s7, s26  }
0xd: {  	s16 =	sadd.s32 s28, s2;
	s29 =	sadd.s32 s13, s25;
	s6 =	sshrl.u32 s6, $0x3  }
0xe: {  	s30 =	sshrl.u32 s29, $0x3;
	s13 =	smax.u32 s15, $0x1;
	s15 =	simm.s32 $0x3  }
0xf: {  	s14 =	sadd.s32 s6, s5;
	s5 =	sadd.s32 $0x4B600, s9;
	s6 =	sshll.u32 s1, $0x6  }
0x10: {  	s8 =	sadd.s32 s10, s30;
	s31 =	sadd.s32 $0x300, s30;
	s9 =	sadd.s32 s11, s30  }
0x11: {  	s7 =	sor.u32 $0x1C01, s6;
	s10 =	sadd.s32 s10, s31;
	s11 =	sadd.s32 s11, s31  }
0x12: {  	s12 =	sadd.s32 $0x72E00, s14;
	s14 =	sshrl.u32 s16, $0x3;
	s16 =	simm.s32 $0x1800  }
.LBB2_1:
0x13: {  	[spmem:s14], [sflag:s7] =	dma.local [hbm:s5], $0x2780  }
0x14: {  	[tilespmem:s3], [sflag:$0x3] =	stream.linear.gather [hbm4b:s8+s3], $0x1800, $0x38;
	[tilespmem:$0x1EC00] =	vst v63  }
0x15: {  	_ =	swait.ge [sflag:s15], $0x1800  }
0x16: {  	[sflag:s15] =	ssyncset.done $0x0  }
0x17: {  	[sflag:s15] =	ssyncadd.s32 $0xFFFFE800  }
0x18: {  	[tilespmem:s16], [sflag:$0x3] =	stream.linear.gather [hbm4b:s9+s3], $0x1800, $0x38;
	[tilespmem:$0x1EC00] =	vst v63  }
0x19: {  	_ =	swait.ge [sflag:s15], $0x1800  }
0x1a: {  	[sflag:s15] =	ssyncset.done $0x0  }
0x1b: {  	[sflag:s15] =	ssyncadd.s32 $0xFFFFE800  }
0x1c: {  	_ =	swait.ge [sflag:s17], $0x2780  }
0x1d: {  	[sflag:s17] =	ssyncset.done $0x0  }
0x1e: {  	[sflag:s17] =	ssyncadd.s32 $0xFFFFD880  }
0x1f: {  	[bflag:$0x0] =	sbarrier.arrive $0xFFFF  }
0x20: {  	[tilespmem:s19], [sflag:$0x3] =	stream.indirect.gather [hbm4b:s4+s18], $0x80, s3, s18, $0xb8;
	[tilespmem:$0x1EC00] =	vst v63  }
0x21: {  	_ =	swait.ge [sflag:s15], $0x4000  }
0x22: {  	[sflag:s15] =	ssyncset.done $0x0  }
0x23: {  	[sflag:s15] =	ssyncadd.s32 $0xFFFFC000  }
0x24: {  	[spmem:s2] =	stream.indirect.scatter.add.f32 [tilespmem:s19], [sflag:$0x1], $0x80, s16, s18, $0xb8;
	[tilespmem:$0x1EC00] =	vst v63  }
0x25: {  	_ = 	snop  }
0x26: {  	[tilespmem:s20], [sflag:$0x3] =	stream.indirect.gather [hbm4b:s4+s18], $0x80, s18, s18, $0xb8;
	[tilespmem:$0x1EC00] =	vst v63  }
0x27: {  	_ =	swait.ge [sflag:s15], $0x4000  }
0x28: {  	[sflag:s15] =	ssyncset.done $0x0  }
0x29: {  	[sflag:s15] =	ssyncadd.s32 $0xFFFFC000  }
0x2a: {  	[spmem:s2] =	stream.indirect.scatter.add.f32 [tilespmem:s20], [sflag:$0x2], $0x80, s21, s18, $0xb8;
	[tilespmem:$0x1EC00] =	vst v63  }
0x2b: {  	_ =	swait.ge [sflag:s17], $0x4000  }
0x2c: {  	[sflag:s17] =	ssyncset.done $0x0  }
0x2d: {  	s24 =	simm.s32 $0x100;
	[sflag:s17] =	ssyncadd.s32 $0xFFFFC000  }
0x2e: {  	[tilespmem:s19], [sflag:$0x3] =	stream.indirect.gather [hbm4b:s4+s18], $0x80, s24, s18, $0xb8;
	[tilespmem:$0x1EC00] =	vst v63  }
0x2f: {  	_ =	swait.ge [sflag:s15], $0x4000  }
0x30: {  	[sflag:s15] =	ssyncset.done $0x0  }
0x31: {  	s30 =	simm.s32 $0x1900;
	[sflag:s15] =	ssyncadd.s32 $0xFFFFC000  }
0x32: {  	[spmem:s2] =	stream.indirect.scatter.add.f32 [tilespmem:s19], [sflag:$0x1], $0x80, s30, s18, $0xb8;
	[tilespmem:$0x1EC00] =	vst v63  }
0x33: {  	_ =	swait.ge [sflag:s22], $0x4000  }
0x34: {  	[sflag:s22] =	ssyncset.done $0x0  }
0x35: {  	s31 =	simm.s32 $0x180;
	[sflag:s22] =	ssyncadd.s32 $0xFFFFC000  }
0x36: {  	[tilespmem:s20], [sflag:$0x3] =	stream.indirect.gather [hbm4b:s4+s18], $0x80, s31, s18, $0xb8;
	[tilespmem:$0x1EC00] =	vst v63  }
0x37: {  	_ =	swait.ge [sflag:s15], $0x4000  }
0x38: {  	[sflag:s15] =	ssyncset.done $0x0  }
0x39: {  	s25 =	simm.s32 $0x1980;
	s24 =	simm.s32 $0xFFFFA800;
	[sflag:s15] =	ssyncadd.s32 $0xFFFFC000  }
.LBB2_2:
0x3a: {  	[spmem:s2] =	stream.indirect.scatter.add.f32 [tilespmem:s20], [sflag:$0x2], $0x80, s25, s18, $0xb8;
	[tilespmem:$0x1EC00] =	vst v63  }
0x3b: {  	s25 =	smov.u32 s24  }
0x3c: {  	p0 =	sne.s32 s24, $0xFFFFFC00;
	s24 =	sadd.s32 $0x400, s24;
	_ =	swait.ge [sflag:s17], $0x4000  }
0x3d: {  	s25 =	sshra.s32 s25, $0x2;
	[sflag:s17] =	ssyncset.done $0x0  }
0x3e: {  	s26 =	sadd.s32 $0x1800, s25;
	[sflag:s17] =	ssyncadd.s32 $0xFFFFC000  }
0x3f: {  	[tilespmem:s19], [sflag:$0x3] =	stream.indirect.gather [hbm4b:s4+s18], $0x80, s26, s18, $0xb8;
	[tilespmem:$0x1EC00] =	vst v63  }
0x40: {  	_ =	swait.ge [sflag:s15], $0x4000  }
0x41: {  	[sflag:s15] =	ssyncset.done $0x0  }
0x42: {  	s26 =	sadd.s32 $0x3000, s25;
	[sflag:s15] =	ssyncadd.s32 $0xFFFFC000  }
0x43: {  	[spmem:s2] =	stream.indirect.scatter.add.f32 [tilespmem:s19], [sflag:$0x1], $0x80, s26, s18, $0xb8;
	[tilespmem:$0x1EC00] =	vst v63  }
0x44: {  	_ =	swait.ge [sflag:s22], $0x4000  }
0x45: {  	[sflag:s22] =	ssyncset.done $0x0  }
.Ltmp0:
0x46: {  	s26 =	sadd.s32 $0x1880, s25;
	[sflag:s22] =	ssyncadd.s32 $0xFFFFC000;
	(pc) =	sbr.rel @p0 .LBB2_2-.Ltmp0, $4  }
0x47: {  	[tilespmem:s20], [sflag:$0x3] =	stream.indirect.gather [hbm4b:s4+s18], $0x80, s26, s18, $0xb8;
	[tilespmem:$0x1EC00] =	vst v63  }
0x48: {  	_ =	swait.ge [sflag:s15], $0x4000  }
0x49: {  	[sflag:s15] =	ssyncset.done $0x0  }
0x4a: {  	s25 =	sadd.s32 $0x3080, s25;
	[sflag:s15] =	ssyncadd.s32 $0xFFFFC000  }
0x4b: {  	[spmem:s2] =	stream.indirect.scatter.add.f32 [tilespmem:s20], [sflag:$0x2], $0x80, s25, s18, $0xb8;
	[tilespmem:$0x1EC00] =	vst v63  }
0x4c: {  	_ =	swait.ge [sflag:s17], $0x4000  }
0x4d: {  	[sflag:s17] =	ssyncset.done $0x0  }
0x4e: {  	[sflag:s17] =	ssyncadd.s32 $0xFFFFC000  }
0x4f: {  	_ =	swait.ge [sflag:s22], $0x4000  }
0x50: {  	[sflag:s22] =	ssyncset.done $0x0  }
0x51: {  	[sflag:s22] =	ssyncadd.s32 $0xFFFFC000  }
0x52: {  	[tilespmem:s3], [sflag:$0x3] =	stream.linear.gather [hbm4b:s10+s3], $0x1100, $0x38;
	[tilespmem:$0x1EC00] =	vst v63  }
0x53: {  	_ =	swait.ge [sflag:s15], $0x1100  }
0x54: {  	[sflag:s15] =	ssyncset.done $0x0  }
0x55: {  	[sflag:s15] =	ssyncadd.s32 $0xFFFFEF00  }
0x56: {  	[tilespmem:s16], [sflag:$0x3] =	stream.linear.gather [hbm4b:s11+s3], $0x1100, $0x38;
	[tilespmem:$0x1EC00] =	vst v63  }
0x57: {  	_ =	swait.ge [sflag:s15], $0x1100  }
0x58: {  	[sflag:s15] =	ssyncset.done $0x0  }
0x59: {  	[sflag:s15] =	ssyncadd.s32 $0xFFFFEF00  }
0x5a: {  	[tilespmem:s19], [sflag:$0x3] =	stream.indirect.gather [hbm4b:s4+s18], $0x80, s3, s18, $0xb8;
	[tilespmem:$0x1EC00] =	vst v63  }
0x5b: {  	_ =	swait.ge [sflag:s15], $0x4000  }
0x5c: {  	[sflag:s15] =	ssyncset.done $0x0  }
0x5d: {  	[sflag:s15] =	ssyncadd.s32 $0xFFFFC000  }
0x5e: {  	[spmem:s2] =	stream.indirect.scatter.add.f32 [tilespmem:s19], [sflag:$0x1], $0x80, s16, s18, $0xb8;
	[tilespmem:$0x1EC00] =	vst v63  }
0x5f: {  	_ = 	snop  }
0x60: {  	[tilespmem:s20], [sflag:$0x3] =	stream.indirect.gather [hbm4b:s4+s18], $0x80, s18, s18, $0xb8;
	[tilespmem:$0x1EC00] =	vst v63  }
0x61: {  	_ =	swait.ge [sflag:s15], $0x4000  }
0x62: {  	[sflag:s15] =	ssyncset.done $0x0  }
0x63: {  	[sflag:s15] =	ssyncadd.s32 $0xFFFFC000  }
0x64: {  	[spmem:s2] =	stream.indirect.scatter.add.f32 [tilespmem:s20], [sflag:$0x2], $0x80, s21, s18, $0xb8;
	[tilespmem:$0x1EC00] =	vst v63  }
0x65: {  	_ =	swait.ge [sflag:s17], $0x4000  }
0x66: {  	[sflag:s17] =	ssyncset.done $0x0  }
0x67: {  	s24 =	simm.s32 $0x100;
	[sflag:s17] =	ssyncadd.s32 $0xFFFFC000  }
0x68: {  	[tilespmem:s19], [sflag:$0x3] =	stream.indirect.gather [hbm4b:s4+s18], $0x80, s24, s18, $0xb8;
	[tilespmem:$0x1EC00] =	vst v63  }
0x69: {  	_ =	swait.ge [sflag:s15], $0x4000  }
0x6a: {  	[sflag:s15] =	ssyncset.done $0x0  }
0x6b: {  	s30 =	simm.s32 $0x1900;
	[sflag:s15] =	ssyncadd.s32 $0xFFFFC000  }
0x6c: {  	[spmem:s2] =	stream.indirect.scatter.add.f32 [tilespmem:s19], [sflag:$0x1], $0x80, s30, s18, $0xb8;
	[tilespmem:$0x1EC00] =	vst v63  }
0x6d: {  	_ =	swait.ge [sflag:s22], $0x4000  }
0x6e: {  	[sflag:s22] =	ssyncset.done $0x0  }
0x6f: {  	s31 =	simm.s32 $0x180;
	[sflag:s22] =	ssyncadd.s32 $0xFFFFC000  }
0x70: {  	[tilespmem:s20], [sflag:$0x3] =	stream.indirect.gather [hbm4b:s4+s18], $0x80, s31, s18, $0xb8;
	[tilespmem:$0x1EC00] =	vst v63  }
0x71: {  	_ =	swait.ge [sflag:s15], $0x4000  }
0x72: {  	[sflag:s15] =	ssyncset.done $0x0  }
0x73: {  	s25 =	simm.s32 $0x1980;
	s24 =	simm.s32 $0xFFFFC400;
	[sflag:s15] =	ssyncadd.s32 $0xFFFFC000  }
.LBB2_4:
0x74: {  	[spmem:s2] =	stream.indirect.scatter.add.f32 [tilespmem:s20], [sflag:$0x2], $0x80, s25, s18, $0xb8;
	[tilespmem:$0x1EC00] =	vst v63  }
0x75: {  	s25 =	smov.u32 s24  }
0x76: {  	p0 =	sne.s32 s24, $0xFFFFFC00;
	s24 =	sadd.s32 $0x400, s24;
	_ =	swait.ge [sflag:s17], $0x4000  }
0x77: {  	s25 =	sshra.s32 s25, $0x2;
	[sflag:s17] =	ssyncset.done $0x0  }
0x78: {  	s26 =	sadd.s32 $0x1100, s25;
	[sflag:s17] =	ssyncadd.s32 $0xFFFFC000  }
0x79: {  	[tilespmem:s19], [sflag:$0x3] =	stream.indirect.gather [hbm4b:s4+s18], $0x80, s26, s18, $0xb8;
	[tilespmem:$0x1EC00] =	vst v63  }
0x7a: {  	_ =	swait.ge [sflag:s15], $0x4000  }
0x7b: {  	[sflag:s15] =	ssyncset.done $0x0  }
0x7c: {  	s26 =	sadd.s32 $0x2900, s25;
	[sflag:s15] =	ssyncadd.s32 $0xFFFFC000  }
0x7d: {  	[spmem:s2] =	stream.indirect.scatter.add.f32 [tilespmem:s19], [sflag:$0x1], $0x80, s26, s18, $0xb8;
	[tilespmem:$0x1EC00] =	vst v63  }
0x7e: {  	_ =	swait.ge [sflag:s22], $0x4000  }
0x7f: {  	[sflag:s22] =	ssyncset.done $0x0  }
.Ltmp1:
0x80: {  	s26 =	sadd.s32 $0x1180, s25;
	[sflag:s22] =	ssyncadd.s32 $0xFFFFC000;
	(pc) =	sbr.rel @p0 .LBB2_4-.Ltmp1, $4  }
0x81: {  	[tilespmem:s20], [sflag:$0x3] =	stream.indirect.gather [hbm4b:s4+s18], $0x80, s26, s18, $0xb8;
	[tilespmem:$0x1EC00] =	vst v63  }
0x82: {  	_ =	swait.ge [sflag:s15], $0x4000  }
0x83: {  	[sflag:s15] =	ssyncset.done $0x0  }
0x84: {  	s25 =	sadd.s32 $0x2980, s25;
	[sflag:s15] =	ssyncadd.s32 $0xFFFFC000  }
0x85: {  	[spmem:s2] =	stream.indirect.scatter.add.f32 [tilespmem:s20], [sflag:$0x2], $0x80, s25, s18, $0xb8;
	[tilespmem:$0x1EC00] =	vst v63  }
0x86: {  	_ =	swait.ge [sflag:s17], $0x4000  }
0x87: {  	[sflag:s17] =	ssyncset.done $0x0  }
0x88: {  	[sflag:s17] =	ssyncadd.s32 $0xFFFFC000  }
0x89: {  	_ =	swait.ge [sflag:s22], $0x4000  }
0x8a: {  	s23 =	sadd.s32 $0x1, s23;
	[sflag:s22] =	ssyncset.done $0x0  }
0x8b: {  	p0 =	sne.s32 s23, s13;
	[sflag:s22] =	ssyncadd.s32 $0xFFFFC000  }
.Ltmp2:
0x8c: {  	s24 =	sor.u32 $0x1C03, s6;
	[bflag:$0x0] =	sbarrier.arrive $0xFFFF;
	(pc) =	sbr.rel @p0 .LBB2_1-.Ltmp2, $4  }
0x8d: {  	[hbm:s12], [sflag:s24] =	dma.local [spmem:s14], $0x2780  }
0x8e: {  	_ =	swait.ge [sflag:s15], $0x2780  }
0x8f: {  	[sflag:s15] =	ssyncset.done $0x0  }
0x90: {  	[sflag:s15] =	ssyncadd.s32 $0xFFFFD880  }
0x91: {  	_ =	sfence.sel $0x180000  }
0x92: {  	[bflag:$0x0] =	sbarrier.arrive $0xFFFF  }
0x93: {  	p0 =	sne.s32 s1, $0x0;
	_ =	strace $0x9000004A  }
0x94: {  	s0 =	sadd.s32 @!p0 $0x100000, s0;
	[bflag:$0x2] =	sbarrier.arrive $0xFFFF  }
0x95: {  	[sflag:s0] =	ssyncadd.tile.s32 @!p0 $0x1;
	_ =	shalt  }
.Lfunc_end2:
_tile_overlayer_lowered:
.L_overlay_start_2:
0x96: {  	(tag) =	ssettag $0x2  }
0x97: {  	s0 =	rddreg [dreg:$0x0];
	s2 =	stileid.u32  }
0x98: {  	s1 =	rddreg [dreg:$0x1];
	p0 =	sne.s32 s2, $0x0  }
0x99: {  	s3 =	rddreg [dreg:$0x2];
	[bflag:$0x3] =	sbarrier.arrive $0xFFFF;
	s2 =	simm.s32 @!p0 $0x1C03  }
0x9a: {  	[timem:s3], [sflag:s2] =	dma.local @!p0 [hbm:s0], s1  }
0x9b: {  	s0 =	simm.s32 @!p0 $0x3  }
0x9c: {  	_ =	swait.ge @!p0 [sflag:s0], s1  }
0x9d: {  	s1 =	ssub.s32 @!p0 $0x0, s1;
	[sflag:s0] =	ssyncset.done @!p0 $0x0  }
0x9e: {  	[sflag:s0] =	ssyncadd.s32 @!p0 s1  }
0x9f: {  	[bflag:$0x3] =	sbarrier.arrive $0xFFFF  }
0xa0: {  	_ =	shalt  }

// kernel: kernel.16.cloned.1.call-start
scs
__scs_entry_jumppad:
0x0: {  	(pc) =	sbr.rel $0x88, $3  }
0x1: {  	(tag) =	ssettag $0x0;
	lr =	simm.s32 $0x1  }
0x2: {  	[smem:$0x3F8E] =	sst lr;
	_ =	strace $0xD0000000  }
0x3: {  	_ = 	snop  }
0x4: {  	_ = 	snop  }
0x5: {  	_ = 	snop  }
0x6: {  	_ = 	snop  }
0x7: {  	_ = 	snop  }
__scs_overlays_trampoline_lowered:
0x8: {  	[smem:$0x3F9D] =	sst s0  }
0x9: {  	[smem:$0x3F9E] =	sst s1  }
0xa: {  	[smem:$0x3F9F] =	sst s2  }
0xb: {  	[smem:$0x3FA0] =	sst s3  }
0xc: {  	[smem:$0x3FA1] =	sst s4  }
0xd: {  	[smem:$0x3FA2] =	sst s5  }
0xe: {  	[smem:$0x3FA3] =	sst s6  }
0xf: {  	[smem:$0x3FA4] =	sst s7  }
0x10: {  	[smem:$0x3FA5] =	sst s8  }
0x11: {  	[smem:$0x3FA6] =	sst s9;
	s0 =	simm.s32 @!p0 $0x0  }
0x12: {  	s1 =	sld [smem:$0x3F8C];
	s0 =	simm.s32 @p0 $0x1  }
0x13: {  	[smem:$0x3FA7] =	sst s0;
	s0 =	simm.s32 @!p1 $0x0  }
0x14: {  	s2 =	sld [smem:$0x3F8B];
	s0 =	simm.s32 @p1 $0x1  }
0x15: {  	[smem:$0x3FA8] =	sst s0;
	s0 =	simm.s32 @!p2 $0x0  }
0x16: {  	s3 =	sld [smem:$0x3FDB];
	s0 =	simm.s32 @p2 $0x1  }
0x17: {  	s4 =	simm.s32 $0x1BF5;
	[smem:$0x3FAA] =	sst s0  }
0x18: {  	s0 =	sld [smem:$0x3F8D];
	_ =	swait.ge [sflag:s4], $0x0  }
0x19: {  	s7 =	sld [smem:$0x3F8E]  }
0x1a: {  	s8 =	sadd.s32 $0xFFFFE003, lr  }
0x1b: {  	s9 =	sadd.s32 $0xFFFFFEF7, lr;
	s5 =	simm.s32 $0xFFFFFFFF;
	p2 =	slt.u32 s8, $0xFFFFF086  }
0x1c: {  	p1 =	slt.u32 s9, $0xF7A;
	s5 =	simm.s32 @!p2 $0x0  }
0x1d: {  	s5 =	simm.s32 @p1 $0x1;
	p0 =	seq.s32 s7, s2  }
0x1e: {  	s7 =	smul.u32 @!p0 $0xF7A, s2;
	p2 =	seq.s32 @!p0 s5, $0x0  }
0x1f: {  	s9 =	smul.u32 $0xF7A, s1;
	s8 =	simm.s32 @!p0 $0x1BF5;
	p2 =	por !p2, p0  }
0x20: {  	[sflag:s8] =	ssyncset.s32 @!p0 $0xFFFFF086;
	s6 =	sadd.s32 @!p0 s3, s7;
	s7 =	simm.s32 @!p0 $0x108  }
0x21: {  	s3 =	sadd.s32 s3, s9;
	s6 =	sadd.s32 @!p0 $0x88, s6;
	s7 =	simm.s32 @p2 $0x1082  }
0x22: {  	[simem:s7], [sflag:s8] =	dma.local @!p0 [hbm:s6], $0xF7A  }
0x23: {  	s9 =	sor.u32 $0xD0000000, s2;
	s6 =	simm.s32 $0x108;
	_ =	swait.ge @!p0 [sflag:s8], $0x0  }
0x24: {  	s3 =	sadd.s32 $0x88, s3;
	s6 =	simm.s32 @!p1 $0x1082;
	[sflag:s4] =	ssyncset.s32 $0xFFFFF086  }
0x25: {  	[simem:s6], [sflag:s4] =	dma.local [hbm:s3], $0xF7A  }
0x26: {  	[smem:$0x3F8E] =	sst s1;
	(tag) =	ssettag s2;
	_ =	strace s9  }
0x27: {  	s1 =	sld [smem:$0x3F9E]  }
0x28: {  	s2 =	sld [smem:$0x3F9F]  }
0x29: {  	s4 =	sld [smem:$0x3FA1]  }
0x2a: {  	p0 =	seq.s32 s5, $0x0;
	s5 =	sld [smem:$0x3FA2]  }
0x2b: {  	s6 =	sld [smem:$0x3FA3]  }
0x2c: {  	s7 =	sld [smem:$0x3FA4]  }
0x2d: {  	s3 =	simm.s32 $0x108;
	s8 =	sld [smem:$0x3FA5]  }
0x2e: {  	s3 =	simm.s32 @!p0 $0x1082;
	s9 =	sld [smem:$0x3FA6]  }
0x2f: {  	lr =	sadd.s32 s0, s3;
	s0 =	sld [smem:$0x3F9D]  }
0x30: {  	s3 =	sld [smem:$0x3FA0]  }
0x31: {  	[smem:$0x3FA9] =	sst s10  }
0x32: {  	s10 =	sld [smem:$0x3FA7];
	_ =	sdelay $0x3  }
0x33: {  	p0 =	seq.s32 s10, $0x1;
	s10 =	sld [smem:$0x3FA9];
	_ =	sdelay $0x3  }
0x34: {  	[smem:$0x3FA9] =	sst s10  }
0x35: {  	s10 =	sld [smem:$0x3FA8];
	_ =	sdelay $0x3  }
0x36: {  	p1 =	seq.s32 s10, $0x1;
	s10 =	sld [smem:$0x3FA9];
	_ =	sdelay $0x3  }
0x37: {  	[smem:$0x3FA9] =	sst s10  }
0x38: {  	s10 =	sld [smem:$0x3FAA]  }
0x39: {  	_ = 	snop;
	(pc) =	sbr.ind lr, $3  }
0x3a: {  	_ = 	snop  }
0x3b: {  	_ = 	snop  }
0x3c: {  	p2 =	seq.s32 s10, $0x1;
	s10 =	sld [smem:$0x3FA9]  }
0x3d: {  	_ =	shalt  }
0x3e: {  	_ =	shalt  }
0x3f: {  	_ =	shalt  }
0x40: {  	_ =	shalt  }
0x41: {  	_ =	shalt  }
0x42: {  	_ =	shalt  }
0x43: {  	_ =	shalt  }
0x44: {  	_ =	shalt  }
0x45: {  	_ =	shalt  }
0x46: {  	_ =	shalt  }
0x47: {  	_ =	shalt  }
0x48: {  	_ =	shalt  }
0x49: {  	_ =	shalt  }
0x4a: {  	_ =	shalt  }
0x4b: {  	_ =	shalt  }
0x4c: {  	_ =	shalt  }
0x4d: {  	_ =	shalt  }
0x4e: {  	_ =	shalt  }
0x4f: {  	_ =	shalt  }
0x50: {  	_ =	shalt  }
0x51: {  	_ =	shalt  }
0x52: {  	_ =	shalt  }
0x53: {  	_ =	shalt  }
0x54: {  	_ =	shalt  }
0x55: {  	_ =	shalt  }
0x56: {  	_ =	shalt  }
0x57: {  	_ =	shalt  }
0x58: {  	_ =	shalt  }
0x59: {  	_ =	shalt  }
0x5a: {  	_ =	shalt  }
0x5b: {  	_ =	shalt  }
0x5c: {  	_ =	shalt  }
0x5d: {  	_ =	shalt  }
0x5e: {  	_ =	shalt  }
0x5f: {  	_ =	shalt  }
0x60: {  	_ =	shalt  }
0x61: {  	_ =	shalt  }
0x62: {  	_ =	shalt  }
0x63: {  	_ =	shalt  }
0x64: {  	_ =	shalt  }
0x65: {  	_ =	shalt  }
0x66: {  	_ =	shalt  }
0x67: {  	_ =	shalt  }
0x68: {  	_ =	shalt  }
0x69: {  	_ =	shalt  }
0x6a: {  	_ =	shalt  }
0x6b: {  	_ =	shalt  }
0x6c: {  	_ =	shalt  }
0x6d: {  	_ =	shalt  }
0x6e: {  	_ =	shalt  }
0x6f: {  	_ =	shalt  }
0x70: {  	_ =	shalt  }
0x71: {  	_ =	shalt  }
0x72: {  	_ =	shalt  }
0x73: {  	_ =	shalt  }
0x74: {  	_ =	shalt  }
0x75: {  	_ =	shalt  }
0x76: {  	_ =	shalt  }
0x77: {  	_ =	shalt  }
0x78: {  	_ =	shalt  }
0x79: {  	_ =	shalt  }
0x7a: {  	_ =	shalt  }
0x7b: {  	_ =	shalt  }
0x7c: {  	_ =	shalt  }
0x7d: {  	_ =	shalt  }
0x7e: {  	_ =	shalt  }
0x7f: {  	_ =	shalt  }
0x80: {  	_ =	shalt  }
0x81: {  	_ =	shalt  }
0x82: {  	_ =	shalt  }
0x83: {  	_ =	shalt  }
0x84: {  	_ =	shalt  }
0x85: {  	_ =	shalt  }
0x86: {  	_ =	shalt  }
0x87: {  	_ =	shalt  }
.Lfunc_end0:
.L_simem_size_0:
called_computation.2_lowered:
.L_overlay_start_0:
0x88: {  	s2 =	sld [smem:$0x3FD9]  }
0x89: {  	s3 =	sld [smem:$0x3FFE];
	_ =	sdelay $0x1  }
0x8a: {  	s1 =	srdreg.scid  }
0x8b: {  	s0 =	sand.u32 $0x1, s1  }
0x8c: {  	s16 =	sshll.u32 s0, $0xA;
	s2 =	sadd.s32 s3, s2  }
0x8d: {  	s2 =	sadd.s32 s2, s16  }
0x8e: {  	[smem:$0x3FB5] =	sst s2  }
0x8f: {  	_ = 	snop  }
0x90: {  	(tm) =	ssettm $0x1  }
0x91: {  	s17 =	sld [smem:$0x3FFB];
	_ =	sdelay $0x3  }
0x92: {  	_ =	strace s17  }
0x93: {  	s2 =	sld [smem:$0x3FFC];
	_ =	sdelay $0x3  }
0x94: {  	_ =	strace s2  }
0x95: {  	s2 =	sld [smem:$0x3FFD];
	_ =	sdelay $0x3  }
0x96: {  	_ =	strace s2  }
0x97: {  	_ =	strace $0x8FFFFFFF  }
0x98: {  	s18 =	sld [smem:$0x3FDB];
	_ =	sdelay $0x1  }
0x99: {  	s19 =	simm.s32 $_scs_section_size  }
0x9a: {  	s4 =	simm.s32 $_size__tile_overlayer_lowered;
	s5 =	simm.s32 $_tile_overlayer_lowered  }
0x9b: {  	s22 =	simm.s32 $0x1BFF;
	s21 =	sshll.u32 s5, $0x1;
	s2 =	sadd.s32 s19, s18  }
0x9c: {  	s6 =	simm.s32 $0x0;
	s20 =	sshll.u32 s4, $0x1;
	s4 =	sadd.s32 s21, s2  }
0x9d: {  	[timem:s6], [sflag:s22] =	dma.local [hbm:s4], s20  }
0x9e: {  	_ =	swait.ge [sflag:s22], s20  }
0x9f: {  	s3 =	ssub.s32 $0x0, s20;
	[sflag:s22] =	ssyncset.done $0x0  }
0xa0: {  	[sflag:s22] =	ssyncadd.s32 s3;
	_ =	sdelay $0x1  }
0xa1: {  	s23 =	simm.s32 $0x1B8B  }
0xa2: {  	_ =	swait.ge [sflag:s23], $0x1  }
0xa3: {  	[sflag:s23] =	ssyncset.done $0x0  }
0xa4: {  	s25 =	simm.s32 $0x1B8E;
	s24 =	sld [smem:$0x3FFE];
	[sflag:s23] =	ssyncadd.s32 $0xFFFFFFFF  }
0xa5: {  	s26 =	simm.s32 $execute0_lowered;
	[smem:$0x3FD2] =	sst s25  }
0xa6: {  	s4 =	sshll.u32 s26, $0x1;
	_ =	strace $0x8000004C;
	[dreg:$0x1] =	wrdreg $0xFFFFFFFF  }
0xa7: {  	s28 =	simm.s32 $_size_execute0_lowered;
	s2 =	sadd.s32 s2, s4;
	[dreg:$0x0] =	wrdreg $0x0  }
0xa8: {  	s4 =	sshll.u32 s28, $0x1;
	[dreg:$0x2] =	wrdreg s2  }
0xa9: {  	[dreg:$0x3] =	wrdreg s4  }
0xaa: {  	[dreg:$0x4] =	wrdreg $0xC0  }
0xab: {  	_ =	task [dreg:s6], $0x5FFFF  }
0xac: {  	[dreg:$0x1] =	wrdreg $0xFFFFFFFF  }
0xad: {  	[dreg:$0x0] =	wrdreg $0x60  }
0xae: {  	[dreg:$0x2] =	wrdreg s24  }
0xaf: {  	[dreg:$0x3] =	wrdreg $0xB0000  }
0xb0: {  	[dreg:$0x4] =	wrdreg $0x9  }
0xb1: {  	_ =	task.clear_ibuf [dreg:s6], $0x5FFFF;
	_ =	strace $0x9000004C  }
0xb2: {  	s29 =	simm.s32 $0x9;
	_ =	strace $0x8000004E  }
0xb3: {  	_ =	swait.ge [sflag:s29], $0x1  }
0xb4: {  	[sflag:s29] =	ssyncadd.s32 $0xFFFFFFFF  }
0xb5: {  	_ =	strace $0x9000004E  }
0xb6: {  	_ =	sfence  }
0xb7: {  	s30 =	sld [smem:$0x0];
	_ =	sdelay $0x2  }
0xb8: {  	s31 =	sshll.u32 s1, $0xD;
	s1 =	sshrl.u32 s1, $0x2  }
0xb9: {  	s3 =	sand.u32 $0x4000, s31;
	s1 =	sadd.s32 s1, s30  }
0xba: {  	s0 =	sor.u32 s3, s0;
	s1 =	sshll.u32 s1, $0x11  }
0xbb: {  	s0 =	sor.u32 s1, s0  }
0xbc: {  	s0 =	sadd.s32 $0x8F2B, s0  }
0xbd: {  	[sflag:s0] =	ssyncadd.remote.s32 $0x1  }
0xbe: {  	_ =	sfence.sel $0xFFFF  }
0xbf: {  	[dreg:$0x0] =	wrdreg $0xFFFFFFFF;
	(pc) =	sbr.abs _section_cstart, $3  }
0xc0: {  	[dreg:$0x1] =	wrdreg $0xFFFFFFFF  }
0xc1: {  	_ =	task.clear_ibuf [dreg:s6], $0x2FFFF;
	_ =	strace $0x9FFFFFFF  }
0xc2: {  	(tm) =	ssettm $0x7FFFFFFF  }
0xc3: {  	_ =	shalt  }
tec
execute0_lowered:
.L_overlay_start_1:
0x0: {  	(tag) =	ssettag $0x1  }
0x1: {  	s5 =	rddreg [dreg:$0x0]  }
0x2: {  	s2 =	rddreg [dreg:$0x1]  }
0x3: {  	s0 =	rddreg [dreg:$0x2];
	s3 =	simm.s32 $0x0  }
0x4: {  	s1 =	stileid.u32;
	s4 =	srdreg.scid;
	s17 =	simm.s32 $0x1  }
0x5: {  	s18 =	simm.s32 $0x80;
	s19 =	simm.s32 $0x3000;
	s20 =	simm.s32 $0x7000  }
0x6: {  	s21 =	simm.s32 $0x1880;
	s22 =	simm.s32 $0x2;
	s6 =	smul.u32 $0x13C00, s1  }
0x7: {  	s23 =	simm.s32 $0x0;
	[smem:$0x7FF] =	sst s3;
	s12 =	smul.u32 $0x4F000, s1  }
0x8: {  	s7 =	sand.u32 $0x1, s4;
	s4 =	sadd.s32 $0x23E00, s5;
	s13 =	smul.u32 $0x2C00, s1  }
0x9: {  	s10 =	sadd.s32 $0x18E00, s5;
	s11 =	sadd.s32 $0x4000, s5;
	s8 =	smul.u32 $0x13C000, s7  }
0xa: {  	_ =	strace $0x8000004D;
	s25 =	smul.u32 $0x2C000, s7;
	s7 =	ssub.s32 $0x2, s7  }
0xb: {  	s9 =	sshrl.u32 s6, $0x3;
	s26 =	sshrl.u32 s7, $0x1;
	s28 =	sshrl.u32 s12, $0x2  }
0xc: {  	s9 =	sadd.s32 s9, s5;
	s6 =	sadd.s32 s6, s8;
	s15 =	ssub.s32 s7, s26  }
0xd: {  	s16 =	sadd.s32 s28, s2;
	s29 =	sadd.s32 s13, s25;
	s6 =	sshrl.u32 s6, $0x3  }
0xe: {  	s30 =	sshrl.u32 s29, $0x3;
	s13 =	smax.u32 s15, $0x1;
	s15 =	simm.s32 $0x3  }
0xf: {  	s14 =	sadd.s32 s6, s5;
	s5 =	sadd.s32 $0x4B600, s9;
	s6 =	sshll.u32 s1, $0x6  }
0x10: {  	s8 =	sadd.s32 s10, s30;
	s31 =	sadd.s32 $0x300, s30;
	s9 =	sadd.s32 s11, s30  }
0x11: {  	s7 =	sor.u32 $0x1C01, s6;
	s10 =	sadd.s32 s10, s31;
	s11 =	sadd.s32 s11, s31  }
0x12: {  	s12 =	sadd.s32 $0x72E00, s14;
	s14 =	sshrl.u32 s16, $0x3;
	s16 =	simm.s32 $0x1800  }
.LBB2_1:
0x13: {  	[spmem:s14], [sflag:s7] =	dma.local [hbm:s5], $0x2780  }
0x14: {  	[tilespmem:s3], [sflag:$0x3] =	stream.linear.gather [hbm4b:s8+s3], $0x1800, $0x38;
	[tilespmem:$0x1EC00] =	vst v63  }
0x15: {  	_ =	swait.ge [sflag:s15], $0x1800  }
0x16: {  	[sflag:s15] =	ssyncset.done $0x0  }
0x17: {  	[sflag:s15] =	ssyncadd.s32 $0xFFFFE800  }
0x18: {  	[tilespmem:s16], [sflag:$0x3] =	stream.linear.gather [hbm4b:s9+s3], $0x1800, $0x38;
	[tilespmem:$0x1EC00] =	vst v63  }
0x19: {  	_ =	swait.ge [sflag:s15], $0x1800  }
0x1a: {  	[sflag:s15] =	ssyncset.done $0x0  }
0x1b: {  	[sflag:s15] =	ssyncadd.s32 $0xFFFFE800  }
0x1c: {  	_ =	swait.ge [sflag:s17], $0x2780  }
0x1d: {  	[sflag:s17] =	ssyncset.done $0x0  }
0x1e: {  	[sflag:s17] =	ssyncadd.s32 $0xFFFFD880  }
0x1f: {  	[bflag:$0x0] =	sbarrier.arrive $0xFFFF  }
0x20: {  	[tilespmem:s19], [sflag:$0x3] =	stream.indirect.gather [hbm4b:s4+s18], $0x80, s3, s18, $0xb8;
	[tilespmem:$0x1EC00] =	vst v63  }
0x21: {  	_ =	swait.ge [sflag:s15], $0x4000  }
0x22: {  	[sflag:s15] =	ssyncset.done $0x0  }
0x23: {  	[sflag:s15] =	ssyncadd.s32 $0xFFFFC000  }
0x24: {  	[spmem:s2] =	stream.indirect.scatter.add.f32 [tilespmem:s19], [sflag:$0x1], $0x80, s16, s18, $0xb8;
	[tilespmem:$0x1EC00] =	vst v63  }
0x25: {  	_ = 	snop  }
0x26: {  	[tilespmem:s20], [sflag:$0x3] =	stream.indirect.gather [hbm4b:s4+s18], $0x80, s18, s18, $0xb8;
	[tilespmem:$0x1EC00] =	vst v63  }
0x27: {  	_ =	swait.ge [sflag:s15], $0x4000  }
0x28: {  	[sflag:s15] =	ssyncset.done $0x0  }
0x29: {  	[sflag:s15] =	ssyncadd.s32 $0xFFFFC000  }
0x2a: {  	[spmem:s2] =	stream.indirect.scatter.add.f32 [tilespmem:s20], [sflag:$0x2], $0x80, s21, s18, $0xb8;
	[tilespmem:$0x1EC00] =	vst v63  }
0x2b: {  	_ =	swait.ge [sflag:s17], $0x4000  }
0x2c: {  	[sflag:s17] =	ssyncset.done $0x0  }
0x2d: {  	s24 =	simm.s32 $0x100;
	[sflag:s17] =	ssyncadd.s32 $0xFFFFC000  }
0x2e: {  	[tilespmem:s19], [sflag:$0x3] =	stream.indirect.gather [hbm4b:s4+s18], $0x80, s24, s18, $0xb8;
	[tilespmem:$0x1EC00] =	vst v63  }
0x2f: {  	_ =	swait.ge [sflag:s15], $0x4000  }
0x30: {  	[sflag:s15] =	ssyncset.done $0x0  }
0x31: {  	s30 =	simm.s32 $0x1900;
	[sflag:s15] =	ssyncadd.s32 $0xFFFFC000  }
0x32: {  	[spmem:s2] =	stream.indirect.scatter.add.f32 [tilespmem:s19], [sflag:$0x1], $0x80, s30, s18, $0xb8;
	[tilespmem:$0x1EC00] =	vst v63  }
0x33: {  	_ =	swait.ge [sflag:s22], $0x4000  }
0x34: {  	[sflag:s22] =	ssyncset.done $0x0  }
0x35: {  	s31 =	simm.s32 $0x180;
	[sflag:s22] =	ssyncadd.s32 $0xFFFFC000  }
0x36: {  	[tilespmem:s20], [sflag:$0x3] =	stream.indirect.gather [hbm4b:s4+s18], $0x80, s31, s18, $0xb8;
	[tilespmem:$0x1EC00] =	vst v63  }
0x37: {  	_ =	swait.ge [sflag:s15], $0x4000  }
0x38: {  	[sflag:s15] =	ssyncset.done $0x0  }
0x39: {  	s25 =	simm.s32 $0x1980;
	s24 =	simm.s32 $0xFFFFA800;
	[sflag:s15] =	ssyncadd.s32 $0xFFFFC000  }
.LBB2_2:
0x3a: {  	[spmem:s2] =	stream.indirect.scatter.add.f32 [tilespmem:s20], [sflag:$0x2], $0x80, s25, s18, $0xb8;
	[tilespmem:$0x1EC00] =	vst v63  }
0x3b: {  	s25 =	smov.u32 s24  }
0x3c: {  	p0 =	sne.s32 s24, $0xFFFFFC00;
	s24 =	sadd.s32 $0x400, s24;
	_ =	swait.ge [sflag:s17], $0x4000  }
0x3d: {  	s25 =	sshra.s32 s25, $0x2;
	[sflag:s17] =	ssyncset.done $0x0  }
0x3e: {  	s26 =	sadd.s32 $0x1800, s25;
	[sflag:s17] =	ssyncadd.s32 $0xFFFFC000  }
0x3f: {  	[tilespmem:s19], [sflag:$0x3] =	stream.indirect.gather [hbm4b:s4+s18], $0x80, s26, s18, $0xb8;
	[tilespmem:$0x1EC00] =	vst v63  }
0x40: {  	_ =	swait.ge [sflag:s15], $0x4000  }
0x41: {  	[sflag:s15] =	ssyncset.done $0x0  }
0x42: {  	s26 =	sadd.s32 $0x3000, s25;
	[sflag:s15] =	ssyncadd.s32 $0xFFFFC000  }
0x43: {  	[spmem:s2] =	stream.indirect.scatter.add.f32 [tilespmem:s19], [sflag:$0x1], $0x80, s26, s18, $0xb8;
	[tilespmem:$0x1EC00] =	vst v63  }
0x44: {  	_ =	swait.ge [sflag:s22], $0x4000  }
0x45: {  	[sflag:s22] =	ssyncset.done $0x0  }
.Ltmp0:
0x46: {  	s26 =	sadd.s32 $0x1880, s25;
	[sflag:s22] =	ssyncadd.s32 $0xFFFFC000;
	(pc) =	sbr.rel @p0 .LBB2_2-.Ltmp0, $4  }
0x47: {  	[tilespmem:s20], [sflag:$0x3] =	stream.indirect.gather [hbm4b:s4+s18], $0x80, s26, s18, $0xb8;
	[tilespmem:$0x1EC00] =	vst v63  }
0x48: {  	_ =	swait.ge [sflag:s15], $0x4000  }
0x49: {  	[sflag:s15] =	ssyncset.done $0x0  }
0x4a: {  	s25 =	sadd.s32 $0x3080, s25;
	[sflag:s15] =	ssyncadd.s32 $0xFFFFC000  }
0x4b: {  	[spmem:s2] =	stream.indirect.scatter.add.f32 [tilespmem:s20], [sflag:$0x2], $0x80, s25, s18, $0xb8;
	[tilespmem:$0x1EC00] =	vst v63  }
0x4c: {  	_ =	swait.ge [sflag:s17], $0x4000  }
0x4d: {  	[sflag:s17] =	ssyncset.done $0x0  }
0x4e: {  	[sflag:s17] =	ssyncadd.s32 $0xFFFFC000  }
0x4f: {  	_ =	swait.ge [sflag:s22], $0x4000  }
0x50: {  	[sflag:s22] =	ssyncset.done $0x0  }
0x51: {  	[sflag:s22] =	ssyncadd.s32 $0xFFFFC000  }
0x52: {  	[tilespmem:s3], [sflag:$0x3] =	stream.linear.gather [hbm4b:s10+s3], $0x1100, $0x38;
	[tilespmem:$0x1EC00] =	vst v63  }
0x53: {  	_ =	swait.ge [sflag:s15], $0x1100  }
0x54: {  	[sflag:s15] =	ssyncset.done $0x0  }
0x55: {  	[sflag:s15] =	ssyncadd.s32 $0xFFFFEF00  }
0x56: {  	[tilespmem:s16], [sflag:$0x3] =	stream.linear.gather [hbm4b:s11+s3], $0x1100, $0x38;
	[tilespmem:$0x1EC00] =	vst v63  }
0x57: {  	_ =	swait.ge [sflag:s15], $0x1100  }
0x58: {  	[sflag:s15] =	ssyncset.done $0x0  }
0x59: {  	[sflag:s15] =	ssyncadd.s32 $0xFFFFEF00  }
0x5a: {  	[tilespmem:s19], [sflag:$0x3] =	stream.indirect.gather [hbm4b:s4+s18], $0x80, s3, s18, $0xb8;
	[tilespmem:$0x1EC00] =	vst v63  }
0x5b: {  	_ =	swait.ge [sflag:s15], $0x4000  }
0x5c: {  	[sflag:s15] =	ssyncset.done $0x0  }
0x5d: {  	[sflag:s15] =	ssyncadd.s32 $0xFFFFC000  }
0x5e: {  	[spmem:s2] =	stream.indirect.scatter.add.f32 [tilespmem:s19], [sflag:$0x1], $0x80, s16, s18, $0xb8;
	[tilespmem:$0x1EC00] =	vst v63  }
0x5f: {  	_ = 	snop  }
0x60: {  	[tilespmem:s20], [sflag:$0x3] =	stream.indirect.gather [hbm4b:s4+s18], $0x80, s18, s18, $0xb8;
	[tilespmem:$0x1EC00] =	vst v63  }
0x61: {  	_ =	swait.ge [sflag:s15], $0x4000  }
0x62: {  	[sflag:s15] =	ssyncset.done $0x0  }
0x63: {  	[sflag:s15] =	ssyncadd.s32 $0xFFFFC000  }
0x64: {  	[spmem:s2] =	stream.indirect.scatter.add.f32 [tilespmem:s20], [sflag:$0x2], $0x80, s21, s18, $0xb8;
	[tilespmem:$0x1EC00] =	vst v63  }
0x65: {  	_ =	swait.ge [sflag:s17], $0x4000  }
0x66: {  	[sflag:s17] =	ssyncset.done $0x0  }
0x67: {  	s24 =	simm.s32 $0x100;
	[sflag:s17] =	ssyncadd.s32 $0xFFFFC000  }
0x68: {  	[tilespmem:s19], [sflag:$0x3] =	stream.indirect.gather [hbm4b:s4+s18], $0x80, s24, s18, $0xb8;
	[tilespmem:$0x1EC00] =	vst v63  }
0x69: {  	_ =	swait.ge [sflag:s15], $0x4000  }
0x6a: {  	[sflag:s15] =	ssyncset.done $0x0  }
0x6b: {  	s30 =	simm.s32 $0x1900;
	[sflag:s15] =	ssyncadd.s32 $0xFFFFC000  }
0x6c: {  	[spmem:s2] =	stream.indirect.scatter.add.f32 [tilespmem:s19], [sflag:$0x1], $0x80, s30, s18, $0xb8;
	[tilespmem:$0x1EC00] =	vst v63  }
0x6d: {  	_ =	swait.ge [sflag:s22], $0x4000  }
0x6e: {  	[sflag:s22] =	ssyncset.done $0x0  }
0x6f: {  	s31 =	simm.s32 $0x180;
	[sflag:s22] =	ssyncadd.s32 $0xFFFFC000  }
0x70: {  	[tilespmem:s20], [sflag:$0x3] =	stream.indirect.gather [hbm4b:s4+s18], $0x80, s31, s18, $0xb8;
	[tilespmem:$0x1EC00] =	vst v63  }
0x71: {  	_ =	swait.ge [sflag:s15], $0x4000  }
0x72: {  	[sflag:s15] =	ssyncset.done $0x0  }
0x73: {  	s25 =	simm.s32 $0x1980;
	s24 =	simm.s32 $0xFFFFC400;
	[sflag:s15] =	ssyncadd.s32 $0xFFFFC000  }
.LBB2_4:
0x74: {  	[spmem:s2] =	stream.indirect.scatter.add.f32 [tilespmem:s20], [sflag:$0x2], $0x80, s25, s18, $0xb8;
	[tilespmem:$0x1EC00] =	vst v63  }
0x75: {  	s25 =	smov.u32 s24  }
0x76: {  	p0 =	sne.s32 s24, $0xFFFFFC00;
	s24 =	sadd.s32 $0x400, s24;
	_ =	swait.ge [sflag:s17], $0x4000  }
0x77: {  	s25 =	sshra.s32 s25, $0x2;
	[sflag:s17] =	ssyncset.done $0x0  }
0x78: {  	s26 =	sadd.s32 $0x1100, s25;
	[sflag:s17] =	ssyncadd.s32 $0xFFFFC000  }
0x79: {  	[tilespmem:s19], [sflag:$0x3] =	stream.indirect.gather [hbm4b:s4+s18], $0x80, s26, s18, $0xb8;
	[tilespmem:$0x1EC00] =	vst v63  }
0x7a: {  	_ =	swait.ge [sflag:s15], $0x4000  }
0x7b: {  	[sflag:s15] =	ssyncset.done $0x0  }
0x7c: {  	s26 =	sadd.s32 $0x2900, s25;
	[sflag:s15] =	ssyncadd.s32 $0xFFFFC000  }
0x7d: {  	[spmem:s2] =	stream.indirect.scatter.add.f32 [tilespmem:s19], [sflag:$0x1], $0x80, s26, s18, $0xb8;
	[tilespmem:$0x1EC00] =	vst v63  }
0x7e: {  	_ =	swait.ge [sflag:s22], $0x4000  }
0x7f: {  	[sflag:s22] =	ssyncset.done $0x0  }
.Ltmp1:
0x80: {  	s26 =	sadd.s32 $0x1180, s25;
	[sflag:s22] =	ssyncadd.s32 $0xFFFFC000;
	(pc) =	sbr.rel @p0 .LBB2_4-.Ltmp1, $4  }
0x81: {  	[tilespmem:s20], [sflag:$0x3] =	stream.indirect.gather [hbm4b:s4+s18], $0x80, s26, s18, $0xb8;
	[tilespmem:$0x1EC00] =	vst v63  }
0x82: {  	_ =	swait.ge [sflag:s15], $0x4000  }
0x83: {  	[sflag:s15] =	ssyncset.done $0x0  }
0x84: {  	s25 =	sadd.s32 $0x2980, s25;
	[sflag:s15] =	ssyncadd.s32 $0xFFFFC000  }
0x85: {  	[spmem:s2] =	stream.indirect.scatter.add.f32 [tilespmem:s20], [sflag:$0x2], $0x80, s25, s18, $0xb8;
	[tilespmem:$0x1EC00] =	vst v63  }
0x86: {  	_ =	swait.ge [sflag:s17], $0x4000  }
0x87: {  	[sflag:s17] =	ssyncset.done $0x0  }
0x88: {  	[sflag:s17] =	ssyncadd.s32 $0xFFFFC000  }
0x89: {  	_ =	swait.ge [sflag:s22], $0x4000  }
0x8a: {  	s23 =	sadd.s32 $0x1, s23;
	[sflag:s22] =	ssyncset.done $0x0  }
0x8b: {  	p0 =	sne.s32 s23, s13;
	[sflag:s22] =	ssyncadd.s32 $0xFFFFC000  }
.Ltmp2:
0x8c: {  	s24 =	sor.u32 $0x1C03, s6;
	[bflag:$0x0] =	sbarrier.arrive $0xFFFF;
	(pc) =	sbr.rel @p0 .LBB2_1-.Ltmp2, $4  }
0x8d: {  	[hbm:s12], [sflag:s24] =	dma.local [spmem:s14], $0x2780  }
0x8e: {  	_ =	swait.ge [sflag:s15], $0x2780  }
0x8f: {  	[sflag:s15] =	ssyncset.done $0x0  }
0x90: {  	[sflag:s15] =	ssyncadd.s32 $0xFFFFD880  }
0x91: {  	_ =	sfence.sel $0x180000  }
0x92: {  	[bflag:$0x0] =	sbarrier.arrive $0xFFFF  }
0x93: {  	p0 =	sne.s32 s1, $0x0;
	_ =	strace $0x9000004D  }
0x94: {  	s0 =	sadd.s32 @!p0 $0x100000, s0;
	[bflag:$0x2] =	sbarrier.arrive $0xFFFF  }
0x95: {  	[sflag:s0] =	ssyncadd.tile.s32 @!p0 $0x1;
	_ =	shalt  }
.Lfunc_end2:
_tile_overlayer_lowered:
.L_overlay_start_2:
0x96: {  	(tag) =	ssettag $0x2  }
0x97: {  	s0 =	rddreg [dreg:$0x0];
	s2 =	stileid.u32  }
0x98: {  	s1 =	rddreg [dreg:$0x1];
	p0 =	sne.s32 s2, $0x0  }
0x99: {  	s3 =	rddreg [dreg:$0x2];
	[bflag:$0x3] =	sbarrier.arrive $0xFFFF;
	s2 =	simm.s32 @!p0 $0x1C03  }
0x9a: {  	[timem:s3], [sflag:s2] =	dma.local @!p0 [hbm:s0], s1  }
0x9b: {  	s0 =	simm.s32 @!p0 $0x3  }
0x9c: {  	_ =	swait.ge @!p0 [sflag:s0], s1  }
0x9d: {  	s1 =	ssub.s32 @!p0 $0x0, s1;
	[sflag:s0] =	ssyncset.done @!p0 $0x0  }
0x9e: {  	[sflag:s0] =	ssyncadd.s32 @!p0 s1  }
0x9f: {  	[bflag:$0x3] =	sbarrier.arrive $0xFFFF  }
0xa0: {  	_ =	shalt  }

// kernel: kernel.19.cloned.1.call-start
scs
__scs_entry_jumppad:
0x0: {  	(pc) =	sbr.rel $0x88, $3  }
0x1: {  	(tag) =	ssettag $0x0;
	lr =	simm.s32 $0x1  }
0x2: {  	[smem:$0x3F8E] =	sst lr;
	_ =	strace $0xD0000000  }
0x3: {  	_ = 	snop  }
0x4: {  	_ = 	snop  }
0x5: {  	_ = 	snop  }
0x6: {  	_ = 	snop  }
0x7: {  	_ = 	snop  }
__scs_overlays_trampoline_lowered:
0x8: {  	[smem:$0x3F9D] =	sst s0  }
0x9: {  	[smem:$0x3F9E] =	sst s1  }
0xa: {  	[smem:$0x3F9F] =	sst s2  }
0xb: {  	[smem:$0x3FA0] =	sst s3  }
0xc: {  	[smem:$0x3FA1] =	sst s4  }
0xd: {  	[smem:$0x3FA2] =	sst s5  }
0xe: {  	[smem:$0x3FA3] =	sst s6  }
0xf: {  	[smem:$0x3FA4] =	sst s7  }
0x10: {  	[smem:$0x3FA5] =	sst s8  }
0x11: {  	[smem:$0x3FA6] =	sst s9;
	s0 =	simm.s32 @!p0 $0x0  }
0x12: {  	s1 =	sld [smem:$0x3F8C];
	s0 =	simm.s32 @p0 $0x1  }
0x13: {  	[smem:$0x3FA7] =	sst s0;
	s0 =	simm.s32 @!p1 $0x0  }
0x14: {  	s2 =	sld [smem:$0x3F8B];
	s0 =	simm.s32 @p1 $0x1  }
0x15: {  	[smem:$0x3FA8] =	sst s0;
	s0 =	simm.s32 @!p2 $0x0  }
0x16: {  	s3 =	sld [smem:$0x3FDB];
	s0 =	simm.s32 @p2 $0x1  }
0x17: {  	s4 =	simm.s32 $0x1BF5;
	[smem:$0x3FAA] =	sst s0  }
0x18: {  	s0 =	sld [smem:$0x3F8D];
	_ =	swait.ge [sflag:s4], $0x0  }
0x19: {  	s7 =	sld [smem:$0x3F8E]  }
0x1a: {  	s8 =	sadd.s32 $0xFFFFE003, lr  }
0x1b: {  	s9 =	sadd.s32 $0xFFFFFEF7, lr;
	s5 =	simm.s32 $0xFFFFFFFF;
	p2 =	slt.u32 s8, $0xFFFFF086  }
0x1c: {  	p1 =	slt.u32 s9, $0xF7A;
	s5 =	simm.s32 @!p2 $0x0  }
0x1d: {  	s5 =	simm.s32 @p1 $0x1;
	p0 =	seq.s32 s7, s2  }
0x1e: {  	s7 =	smul.u32 @!p0 $0xF7A, s2;
	p2 =	seq.s32 @!p0 s5, $0x0  }
0x1f: {  	s9 =	smul.u32 $0xF7A, s1;
	s8 =	simm.s32 @!p0 $0x1BF5;
	p2 =	por !p2, p0  }
0x20: {  	[sflag:s8] =	ssyncset.s32 @!p0 $0xFFFFF086;
	s6 =	sadd.s32 @!p0 s3, s7;
	s7 =	simm.s32 @!p0 $0x108  }
0x21: {  	s3 =	sadd.s32 s3, s9;
	s6 =	sadd.s32 @!p0 $0x88, s6;
	s7 =	simm.s32 @p2 $0x1082  }
0x22: {  	[simem:s7], [sflag:s8] =	dma.local @!p0 [hbm:s6], $0xF7A  }
0x23: {  	s9 =	sor.u32 $0xD0000000, s2;
	s6 =	simm.s32 $0x108;
	_ =	swait.ge @!p0 [sflag:s8], $0x0  }
0x24: {  	s3 =	sadd.s32 $0x88, s3;
	s6 =	simm.s32 @!p1 $0x1082;
	[sflag:s4] =	ssyncset.s32 $0xFFFFF086  }
0x25: {  	[simem:s6], [sflag:s4] =	dma.local [hbm:s3], $0xF7A  }
0x26: {  	[smem:$0x3F8E] =	sst s1;
	(tag) =	ssettag s2;
	_ =	strace s9  }
0x27: {  	s1 =	sld [smem:$0x3F9E]  }
0x28: {  	s2 =	sld [smem:$0x3F9F]  }
0x29: {  	s4 =	sld [smem:$0x3FA1]  }
0x2a: {  	p0 =	seq.s32 s5, $0x0;
	s5 =	sld [smem:$0x3FA2]  }
0x2b: {  	s6 =	sld [smem:$0x3FA3]  }
0x2c: {  	s7 =	sld [smem:$0x3FA4]  }
0x2d: {  	s3 =	simm.s32 $0x108;
	s8 =	sld [smem:$0x3FA5]  }
0x2e: {  	s3 =	simm.s32 @!p0 $0x1082;
	s9 =	sld [smem:$0x3FA6]  }
0x2f: {  	lr =	sadd.s32 s0, s3;
	s0 =	sld [smem:$0x3F9D]  }
0x30: {  	s3 =	sld [smem:$0x3FA0]  }
0x31: {  	[smem:$0x3FA9] =	sst s10  }
0x32: {  	s10 =	sld [smem:$0x3FA7];
	_ =	sdelay $0x3  }
0x33: {  	p0 =	seq.s32 s10, $0x1;
	s10 =	sld [smem:$0x3FA9];
	_ =	sdelay $0x3  }
0x34: {  	[smem:$0x3FA9] =	sst s10  }
0x35: {  	s10 =	sld [smem:$0x3FA8];
	_ =	sdelay $0x3  }
0x36: {  	p1 =	seq.s32 s10, $0x1;
	s10 =	sld [smem:$0x3FA9];
	_ =	sdelay $0x3  }
0x37: {  	[smem:$0x3FA9] =	sst s10  }
0x38: {  	s10 =	sld [smem:$0x3FAA]  }
0x39: {  	_ = 	snop;
	(pc) =	sbr.ind lr, $3  }
0x3a: {  	_ = 	snop  }
0x3b: {  	_ = 	snop  }
0x3c: {  	p2 =	seq.s32 s10, $0x1;
	s10 =	sld [smem:$0x3FA9]  }
0x3d: {  	_ =	shalt  }
0x3e: {  	_ =	shalt  }
0x3f: {  	_ =	shalt  }
0x40: {  	_ =	shalt  }
0x41: {  	_ =	shalt  }
0x42: {  	_ =	shalt  }
0x43: {  	_ =	shalt  }
0x44: {  	_ =	shalt  }
0x45: {  	_ =	shalt  }
0x46: {  	_ =	shalt  }
0x47: {  	_ =	shalt  }
0x48: {  	_ =	shalt  }
0x49: {  	_ =	shalt  }
0x4a: {  	_ =	shalt  }
0x4b: {  	_ =	shalt  }
0x4c: {  	_ =	shalt  }
0x4d: {  	_ =	shalt  }
0x4e: {  	_ =	shalt  }
0x4f: {  	_ =	shalt  }
0x50: {  	_ =	shalt  }
0x51: {  	_ =	shalt  }
0x52: {  	_ =	shalt  }
0x53: {  	_ =	shalt  }
0x54: {  	_ =	shalt  }
0x55: {  	_ =	shalt  }
0x56: {  	_ =	shalt  }
0x57: {  	_ =	shalt  }
0x58: {  	_ =	shalt  }
0x59: {  	_ =	shalt  }
0x5a: {  	_ =	shalt  }
0x5b: {  	_ =	shalt  }
0x5c: {  	_ =	shalt  }
0x5d: {  	_ =	shalt  }
0x5e: {  	_ =	shalt  }
0x5f: {  	_ =	shalt  }
0x60: {  	_ =	shalt  }
0x61: {  	_ =	shalt  }
0x62: {  	_ =	shalt  }
0x63: {  	_ =	shalt  }
0x64: {  	_ =	shalt  }
0x65: {  	_ =	shalt  }
0x66: {  	_ =	shalt  }
0x67: {  	_ =	shalt  }
0x68: {  	_ =	shalt  }
0x69: {  	_ =	shalt  }
0x6a: {  	_ =	shalt  }
0x6b: {  	_ =	shalt  }
0x6c: {  	_ =	shalt  }
0x6d: {  	_ =	shalt  }
0x6e: {  	_ =	shalt  }
0x6f: {  	_ =	shalt  }
0x70: {  	_ =	shalt  }
0x71: {  	_ =	shalt  }
0x72: {  	_ =	shalt  }
0x73: {  	_ =	shalt  }
0x74: {  	_ =	shalt  }
0x75: {  	_ =	shalt  }
0x76: {  	_ =	shalt  }
0x77: {  	_ =	shalt  }
0x78: {  	_ =	shalt  }
0x79: {  	_ =	shalt  }
0x7a: {  	_ =	shalt  }
0x7b: {  	_ =	shalt  }
0x7c: {  	_ =	shalt  }
0x7d: {  	_ =	shalt  }
0x7e: {  	_ =	shalt  }
0x7f: {  	_ =	shalt  }
0x80: {  	_ =	shalt  }
0x81: {  	_ =	shalt  }
0x82: {  	_ =	shalt  }
0x83: {  	_ =	shalt  }
0x84: {  	_ =	shalt  }
0x85: {  	_ =	shalt  }
0x86: {  	_ =	shalt  }
0x87: {  	_ =	shalt  }
.Lfunc_end0:
.L_simem_size_0:
called_computation.3_lowered:
.L_overlay_start_0:
0x88: {  	s2 =	sld [smem:$0x3FD9]  }
0x89: {  	s3 =	sld [smem:$0x3FFE];
	_ =	sdelay $0x1  }
0x8a: {  	s1 =	srdreg.scid  }
0x8b: {  	s0 =	sand.u32 $0x1, s1  }
0x8c: {  	s16 =	sshll.u32 s0, $0xA;
	s2 =	sadd.s32 s3, s2  }
0x8d: {  	s2 =	sadd.s32 s2, s16  }
0x8e: {  	[smem:$0x3FB5] =	sst s2  }
0x8f: {  	_ = 	snop  }
0x90: {  	(tm) =	ssettm $0x1  }
0x91: {  	s17 =	sld [smem:$0x3FFB];
	_ =	sdelay $0x3  }
0x92: {  	_ =	strace s17  }
0x93: {  	s2 =	sld [smem:$0x3FFC];
	_ =	sdelay $0x3  }
0x94: {  	_ =	strace s2  }
0x95: {  	s2 =	sld [smem:$0x3FFD];
	_ =	sdelay $0x3  }
0x96: {  	_ =	strace s2  }
0x97: {  	_ =	strace $0x8FFFFFFF  }
0x98: {  	s18 =	sld [smem:$0x3FDB];
	_ =	sdelay $0x1  }
0x99: {  	s19 =	simm.s32 $_scs_section_size  }
0x9a: {  	s4 =	simm.s32 $_size__tile_overlayer_lowered;
	s5 =	simm.s32 $_tile_overlayer_lowered  }
0x9b: {  	s22 =	simm.s32 $0x1BFF;
	s21 =	sshll.u32 s5, $0x1;
	s2 =	sadd.s32 s19, s18  }
0x9c: {  	s6 =	simm.s32 $0x0;
	s20 =	sshll.u32 s4, $0x1;
	s4 =	sadd.s32 s21, s2  }
0x9d: {  	[timem:s6], [sflag:s22] =	dma.local [hbm:s4], s20  }
0x9e: {  	_ =	swait.ge [sflag:s22], s20  }
0x9f: {  	s3 =	ssub.s32 $0x0, s20;
	[sflag:s22] =	ssyncset.done $0x0  }
0xa0: {  	[sflag:s22] =	ssyncadd.s32 s3;
	_ =	sdelay $0x1  }
0xa1: {  	s23 =	simm.s32 $0x1B8B  }
0xa2: {  	_ =	swait.ge [sflag:s23], $0x1  }
0xa3: {  	[sflag:s23] =	ssyncset.done $0x0  }
0xa4: {  	s25 =	simm.s32 $0x1B8E;
	s24 =	sld [smem:$0x3FFE];
	[sflag:s23] =	ssyncadd.s32 $0xFFFFFFFF  }
0xa5: {  	s26 =	simm.s32 $execute0_lowered;
	[smem:$0x3FD2] =	sst s25  }
0xa6: {  	s4 =	sshll.u32 s26, $0x1;
	_ =	strace $0x8000004F;
	[dreg:$0x1] =	wrdreg $0xFFFFFFFF  }
0xa7: {  	s28 =	simm.s32 $_size_execute0_lowered;
	s2 =	sadd.s32 s2, s4;
	[dreg:$0x0] =	wrdreg $0x0  }
0xa8: {  	s4 =	sshll.u32 s28, $0x1;
	[dreg:$0x2] =	wrdreg s2  }
0xa9: {  	[dreg:$0x3] =	wrdreg s4  }
0xaa: {  	[dreg:$0x4] =	wrdreg $0xC0  }
0xab: {  	_ =	task [dreg:s6], $0x5FFFF  }
0xac: {  	[dreg:$0x1] =	wrdreg $0xFFFFFFFF  }
0xad: {  	[dreg:$0x0] =	wrdreg $0x60  }
0xae: {  	[dreg:$0x2] =	wrdreg s24  }
0xaf: {  	[dreg:$0x3] =	wrdreg $0xB0000  }
0xb0: {  	[dreg:$0x4] =	wrdreg $0x9  }
0xb1: {  	_ =	task.clear_ibuf [dreg:s6], $0x5FFFF;
	_ =	strace $0x9000004F  }
0xb2: {  	s29 =	simm.s32 $0x9;
	_ =	strace $0x80000051  }
0xb3: {  	_ =	swait.ge [sflag:s29], $0x1  }
0xb4: {  	[sflag:s29] =	ssyncadd.s32 $0xFFFFFFFF  }
0xb5: {  	_ =	strace $0x90000051  }
0xb6: {  	_ =	sfence  }
0xb7: {  	s30 =	sld [smem:$0x0];
	_ =	sdelay $0x2  }
0xb8: {  	s31 =	sshll.u32 s1, $0xD;
	s1 =	sshrl.u32 s1, $0x2  }
0xb9: {  	s3 =	sand.u32 $0x4000, s31;
	s1 =	sadd.s32 s1, s30  }
0xba: {  	s0 =	sor.u32 s3, s0;
	s1 =	sshll.u32 s1, $0x11  }
0xbb: {  	s0 =	sor.u32 s1, s0  }
0xbc: {  	s0 =	sadd.s32 $0x8F2B, s0  }
0xbd: {  	[sflag:s0] =	ssyncadd.remote.s32 $0x1  }
0xbe: {  	_ =	sfence.sel $0xFFFF  }
0xbf: {  	[dreg:$0x0] =	wrdreg $0xFFFFFFFF;
	(pc) =	sbr.abs _section_cstart, $3  }
0xc0: {  	[dreg:$0x1] =	wrdreg $0xFFFFFFFF  }
0xc1: {  	_ =	task.clear_ibuf [dreg:s6], $0x2FFFF;
	_ =	strace $0x9FFFFFFF  }
0xc2: {  	(tm) =	ssettm $0x7FFFFFFF  }
0xc3: {  	_ =	shalt  }
tec
execute0_lowered:
.L_overlay_start_1:
0x0: {  	(tag) =	ssettag $0x1  }
0x1: {  	s5 =	rddreg [dreg:$0x0]  }
0x2: {  	s2 =	rddreg [dreg:$0x1]  }
0x3: {  	s0 =	rddreg [dreg:$0x2];
	s3 =	simm.s32 $0x0  }
0x4: {  	s1 =	stileid.u32;
	s4 =	srdreg.scid;
	s17 =	simm.s32 $0x1  }
0x5: {  	s18 =	simm.s32 $0x80;
	s19 =	simm.s32 $0x3000;
	s20 =	simm.s32 $0x7000  }
0x6: {  	s21 =	simm.s32 $0x1880;
	s22 =	simm.s32 $0x2;
	s6 =	smul.u32 $0x13C00, s1  }
0x7: {  	s23 =	simm.s32 $0x0;
	[smem:$0x7FF] =	sst s3;
	s12 =	smul.u32 $0x4F000, s1  }
0x8: {  	s7 =	sand.u32 $0x1, s4;
	s4 =	sadd.s32 $0x23E00, s5;
	s13 =	smul.u32 $0x2C00, s1  }
0x9: {  	s10 =	sadd.s32 $0x18E00, s5;
	s11 =	sadd.s32 $0x4000, s5;
	s8 =	smul.u32 $0x13C000, s7  }
0xa: {  	_ =	strace $0x80000050;
	s25 =	smul.u32 $0x2C000, s7;
	s7 =	ssub.s32 $0x2, s7  }
0xb: {  	s9 =	sshrl.u32 s6, $0x3;
	s26 =	sshrl.u32 s7, $0x1;
	s28 =	sshrl.u32 s12, $0x2  }
0xc: {  	s9 =	sadd.s32 s9, s5;
	s6 =	sadd.s32 s6, s8;
	s15 =	ssub.s32 s7, s26  }
0xd: {  	s16 =	sadd.s32 s28, s2;
	s29 =	sadd.s32 s13, s25;
	s6 =	sshrl.u32 s6, $0x3  }
0xe: {  	s30 =	sshrl.u32 s29, $0x3;
	s13 =	smax.u32 s15, $0x1;
	s15 =	simm.s32 $0x3  }
0xf: {  	s14 =	sadd.s32 s6, s5;
	s5 =	sadd.s32 $0x4B600, s9;
	s6 =	sshll.u32 s1, $0x6  }
0x10: {  	s8 =	sadd.s32 s10, s30;
	s31 =	sadd.s32 $0x300, s30;
	s9 =	sadd.s32 s11, s30  }
0x11: {  	s7 =	sor.u32 $0x1C01, s6;
	s10 =	sadd.s32 s10, s31;
	s11 =	sadd.s32 s11, s31  }
0x12: {  	s12 =	sadd.s32 $0x72E00, s14;
	s14 =	sshrl.u32 s16, $0x3;
	s16 =	simm.s32 $0x1800  }
.LBB2_1:
0x13: {  	[spmem:s14], [sflag:s7] =	dma.local [hbm:s5], $0x2780  }
0x14: {  	[tilespmem:s3], [sflag:$0x3] =	stream.linear.gather [hbm4b:s8+s3], $0x1800, $0x38;
	[tilespmem:$0x1EC00] =	vst v63  }
0x15: {  	_ =	swait.ge [sflag:s15], $0x1800  }
0x16: {  	[sflag:s15] =	ssyncset.done $0x0  }
0x17: {  	[sflag:s15] =	ssyncadd.s32 $0xFFFFE800  }
0x18: {  	[tilespmem:s16], [sflag:$0x3] =	stream.linear.gather [hbm4b:s9+s3], $0x1800, $0x38;
	[tilespmem:$0x1EC00] =	vst v63  }
0x19: {  	_ =	swait.ge [sflag:s15], $0x1800  }
0x1a: {  	[sflag:s15] =	ssyncset.done $0x0  }
0x1b: {  	[sflag:s15] =	ssyncadd.s32 $0xFFFFE800  }
0x1c: {  	_ =	swait.ge [sflag:s17], $0x2780  }
0x1d: {  	[sflag:s17] =	ssyncset.done $0x0  }
0x1e: {  	[sflag:s17] =	ssyncadd.s32 $0xFFFFD880  }
0x1f: {  	[bflag:$0x0] =	sbarrier.arrive $0xFFFF  }
0x20: {  	[tilespmem:s19], [sflag:$0x3] =	stream.indirect.gather [hbm4b:s4+s18], $0x80, s3, s18, $0xb8;
	[tilespmem:$0x1EC00] =	vst v63  }
0x21: {  	_ =	swait.ge [sflag:s15], $0x4000  }
0x22: {  	[sflag:s15] =	ssyncset.done $0x0  }
0x23: {  	[sflag:s15] =	ssyncadd.s32 $0xFFFFC000  }
0x24: {  	[spmem:s2] =	stream.indirect.scatter.add.f32 [tilespmem:s19], [sflag:$0x1], $0x80, s16, s18, $0xb8;
	[tilespmem:$0x1EC00] =	vst v63  }
0x25: {  	_ = 	snop  }
0x26: {  	[tilespmem:s20], [sflag:$0x3] =	stream.indirect.gather [hbm4b:s4+s18], $0x80, s18, s18, $0xb8;
	[tilespmem:$0x1EC00] =	vst v63  }
0x27: {  	_ =	swait.ge [sflag:s15], $0x4000  }
0x28: {  	[sflag:s15] =	ssyncset.done $0x0  }
0x29: {  	[sflag:s15] =	ssyncadd.s32 $0xFFFFC000  }
0x2a: {  	[spmem:s2] =	stream.indirect.scatter.add.f32 [tilespmem:s20], [sflag:$0x2], $0x80, s21, s18, $0xb8;
	[tilespmem:$0x1EC00] =	vst v63  }
0x2b: {  	_ =	swait.ge [sflag:s17], $0x4000  }
0x2c: {  	[sflag:s17] =	ssyncset.done $0x0  }
0x2d: {  	s24 =	simm.s32 $0x100;
	[sflag:s17] =	ssyncadd.s32 $0xFFFFC000  }
0x2e: {  	[tilespmem:s19], [sflag:$0x3] =	stream.indirect.gather [hbm4b:s4+s18], $0x80, s24, s18, $0xb8;
	[tilespmem:$0x1EC00] =	vst v63  }
0x2f: {  	_ =	swait.ge [sflag:s15], $0x4000  }
0x30: {  	[sflag:s15] =	ssyncset.done $0x0  }
0x31: {  	s30 =	simm.s32 $0x1900;
	[sflag:s15] =	ssyncadd.s32 $0xFFFFC000  }
0x32: {  	[spmem:s2] =	stream.indirect.scatter.add.f32 [tilespmem:s19], [sflag:$0x1], $0x80, s30, s18, $0xb8;
	[tilespmem:$0x1EC00] =	vst v63  }
0x33: {  	_ =	swait.ge [sflag:s22], $0x4000  }
0x34: {  	[sflag:s22] =	ssyncset.done $0x0  }
0x35: {  	s31 =	simm.s32 $0x180;
	[sflag:s22] =	ssyncadd.s32 $0xFFFFC000  }
0x36: {  	[tilespmem:s20], [sflag:$0x3] =	stream.indirect.gather [hbm4b:s4+s18], $0x80, s31, s18, $0xb8;
	[tilespmem:$0x1EC00] =	vst v63  }
0x37: {  	_ =	swait.ge [sflag:s15], $0x4000  }
0x38: {  	[sflag:s15] =	ssyncset.done $0x0  }
0x39: {  	s25 =	simm.s32 $0x1980;
	s24 =	simm.s32 $0xFFFFA800;
	[sflag:s15] =	ssyncadd.s32 $0xFFFFC000  }
.LBB2_2:
0x3a: {  	[spmem:s2] =	stream.indirect.scatter.add.f32 [tilespmem:s20], [sflag:$0x2], $0x80, s25, s18, $0xb8;
	[tilespmem:$0x1EC00] =	vst v63  }
0x3b: {  	s25 =	smov.u32 s24  }
0x3c: {  	p0 =	sne.s32 s24, $0xFFFFFC00;
	s24 =	sadd.s32 $0x400, s24;
	_ =	swait.ge [sflag:s17], $0x4000  }
0x3d: {  	s25 =	sshra.s32 s25, $0x2;
	[sflag:s17] =	ssyncset.done $0x0  }
0x3e: {  	s26 =	sadd.s32 $0x1800, s25;
	[sflag:s17] =	ssyncadd.s32 $0xFFFFC000  }
0x3f: {  	[tilespmem:s19], [sflag:$0x3] =	stream.indirect.gather [hbm4b:s4+s18], $0x80, s26, s18, $0xb8;
	[tilespmem:$0x1EC00] =	vst v63  }
0x40: {  	_ =	swait.ge [sflag:s15], $0x4000  }
0x41: {  	[sflag:s15] =	ssyncset.done $0x0  }
0x42: {  	s26 =	sadd.s32 $0x3000, s25;
	[sflag:s15] =	ssyncadd.s32 $0xFFFFC000  }
0x43: {  	[spmem:s2] =	stream.indirect.scatter.add.f32 [tilespmem:s19], [sflag:$0x1], $0x80, s26, s18, $0xb8;
	[tilespmem:$0x1EC00] =	vst v63  }
0x44: {  	_ =	swait.ge [sflag:s22], $0x4000  }
0x45: {  	[sflag:s22] =	ssyncset.done $0x0  }
.Ltmp0:
0x46: {  	s26 =	sadd.s32 $0x1880, s25;
	[sflag:s22] =	ssyncadd.s32 $0xFFFFC000;
	(pc) =	sbr.rel @p0 .LBB2_2-.Ltmp0, $4  }
0x47: {  	[tilespmem:s20], [sflag:$0x3] =	stream.indirect.gather [hbm4b:s4+s18], $0x80, s26, s18, $0xb8;
	[tilespmem:$0x1EC00] =	vst v63  }
0x48: {  	_ =	swait.ge [sflag:s15], $0x4000  }
0x49: {  	[sflag:s15] =	ssyncset.done $0x0  }
0x4a: {  	s25 =	sadd.s32 $0x3080, s25;
	[sflag:s15] =	ssyncadd.s32 $0xFFFFC000  }
0x4b: {  	[spmem:s2] =	stream.indirect.scatter.add.f32 [tilespmem:s20], [sflag:$0x2], $0x80, s25, s18, $0xb8;
	[tilespmem:$0x1EC00] =	vst v63  }
0x4c: {  	_ =	swait.ge [sflag:s17], $0x4000  }
0x4d: {  	[sflag:s17] =	ssyncset.done $0x0  }
0x4e: {  	[sflag:s17] =	ssyncadd.s32 $0xFFFFC000  }
0x4f: {  	_ =	swait.ge [sflag:s22], $0x4000  }
0x50: {  	[sflag:s22] =	ssyncset.done $0x0  }
0x51: {  	[sflag:s22] =	ssyncadd.s32 $0xFFFFC000  }
0x52: {  	[tilespmem:s3], [sflag:$0x3] =	stream.linear.gather [hbm4b:s10+s3], $0x1100, $0x38;
	[tilespmem:$0x1EC00] =	vst v63  }
0x53: {  	_ =	swait.ge [sflag:s15], $0x1100  }
0x54: {  	[sflag:s15] =	ssyncset.done $0x0  }
0x55: {  	[sflag:s15] =	ssyncadd.s32 $0xFFFFEF00  }
0x56: {  	[tilespmem:s16], [sflag:$0x3] =	stream.linear.gather [hbm4b:s11+s3], $0x1100, $0x38;
	[tilespmem:$0x1EC00] =	vst v63  }
0x57: {  	_ =	swait.ge [sflag:s15], $0x1100  }
0x58: {  	[sflag:s15] =	ssyncset.done $0x0  }
0x59: {  	[sflag:s15] =	ssyncadd.s32 $0xFFFFEF00  }
0x5a: {  	[tilespmem:s19], [sflag:$0x3] =	stream.indirect.gather [hbm4b:s4+s18], $0x80, s3, s18, $0xb8;
	[tilespmem:$0x1EC00] =	vst v63  }
0x5b: {  	_ =	swait.ge [sflag:s15], $0x4000  }
0x5c: {  	[sflag:s15] =	ssyncset.done $0x0  }
0x5d: {  	[sflag:s15] =	ssyncadd.s32 $0xFFFFC000  }
0x5e: {  	[spmem:s2] =	stream.indirect.scatter.add.f32 [tilespmem:s19], [sflag:$0x1], $0x80, s16, s18, $0xb8;
	[tilespmem:$0x1EC00] =	vst v63  }
0x5f: {  	_ = 	snop  }
0x60: {  	[tilespmem:s20], [sflag:$0x3] =	stream.indirect.gather [hbm4b:s4+s18], $0x80, s18, s18, $0xb8;
	[tilespmem:$0x1EC00] =	vst v63  }
0x61: {  	_ =	swait.ge [sflag:s15], $0x4000  }
0x62: {  	[sflag:s15] =	ssyncset.done $0x0  }
0x63: {  	[sflag:s15] =	ssyncadd.s32 $0xFFFFC000  }
0x64: {  	[spmem:s2] =	stream.indirect.scatter.add.f32 [tilespmem:s20], [sflag:$0x2], $0x80, s21, s18, $0xb8;
	[tilespmem:$0x1EC00] =	vst v63  }
0x65: {  	_ =	swait.ge [sflag:s17], $0x4000  }
0x66: {  	[sflag:s17] =	ssyncset.done $0x0  }
0x67: {  	s24 =	simm.s32 $0x100;
	[sflag:s17] =	ssyncadd.s32 $0xFFFFC000  }
0x68: {  	[tilespmem:s19], [sflag:$0x3] =	stream.indirect.gather [hbm4b:s4+s18], $0x80, s24, s18, $0xb8;
	[tilespmem:$0x1EC00] =	vst v63  }
0x69: {  	_ =	swait.ge [sflag:s15], $0x4000  }
0x6a: {  	[sflag:s15] =	ssyncset.done $0x0  }
0x6b: {  	s30 =	simm.s32 $0x1900;
	[sflag:s15] =	ssyncadd.s32 $0xFFFFC000  }
0x6c: {  	[spmem:s2] =	stream.indirect.scatter.add.f32 [tilespmem:s19], [sflag:$0x1], $0x80, s30, s18, $0xb8;
	[tilespmem:$0x1EC00] =	vst v63  }
0x6d: {  	_ =	swait.ge [sflag:s22], $0x4000  }
0x6e: {  	[sflag:s22] =	ssyncset.done $0x0  }
0x6f: {  	s31 =	simm.s32 $0x180;
	[sflag:s22] =	ssyncadd.s32 $0xFFFFC000  }
0x70: {  	[tilespmem:s20], [sflag:$0x3] =	stream.indirect.gather [hbm4b:s4+s18], $0x80, s31, s18, $0xb8;
	[tilespmem:$0x1EC00] =	vst v63  }
0x71: {  	_ =	swait.ge [sflag:s15], $0x4000  }
0x72: {  	[sflag:s15] =	ssyncset.done $0x0  }
0x73: {  	s25 =	simm.s32 $0x1980;
	s24 =	simm.s32 $0xFFFFC400;
	[sflag:s15] =	ssyncadd.s32 $0xFFFFC000  }
.LBB2_4:
0x74: {  	[spmem:s2] =	stream.indirect.scatter.add.f32 [tilespmem:s20], [sflag:$0x2], $0x80, s25, s18, $0xb8;
	[tilespmem:$0x1EC00] =	vst v63  }
0x75: {  	s25 =	smov.u32 s24  }
0x76: {  	p0 =	sne.s32 s24, $0xFFFFFC00;
	s24 =	sadd.s32 $0x400, s24;
	_ =	swait.ge [sflag:s17], $0x4000  }
0x77: {  	s25 =	sshra.s32 s25, $0x2;
	[sflag:s17] =	ssyncset.done $0x0  }
0x78: {  	s26 =	sadd.s32 $0x1100, s25;
	[sflag:s17] =	ssyncadd.s32 $0xFFFFC000  }
0x79: {  	[tilespmem:s19], [sflag:$0x3] =	stream.indirect.gather [hbm4b:s4+s18], $0x80, s26, s18, $0xb8;
	[tilespmem:$0x1EC00] =	vst v63  }
0x7a: {  	_ =	swait.ge [sflag:s15], $0x4000  }
0x7b: {  	[sflag:s15] =	ssyncset.done $0x0  }
0x7c: {  	s26 =	sadd.s32 $0x2900, s25;
	[sflag:s15] =	ssyncadd.s32 $0xFFFFC000  }
0x7d: {  	[spmem:s2] =	stream.indirect.scatter.add.f32 [tilespmem:s19], [sflag:$0x1], $0x80, s26, s18, $0xb8;
	[tilespmem:$0x1EC00] =	vst v63  }
0x7e: {  	_ =	swait.ge [sflag:s22], $0x4000  }
0x7f: {  	[sflag:s22] =	ssyncset.done $0x0  }
.Ltmp1:
0x80: {  	s26 =	sadd.s32 $0x1180, s25;
	[sflag:s22] =	ssyncadd.s32 $0xFFFFC000;
	(pc) =	sbr.rel @p0 .LBB2_4-.Ltmp1, $4  }
0x81: {  	[tilespmem:s20], [sflag:$0x3] =	stream.indirect.gather [hbm4b:s4+s18], $0x80, s26, s18, $0xb8;
	[tilespmem:$0x1EC00] =	vst v63  }
0x82: {  	_ =	swait.ge [sflag:s15], $0x4000  }
0x83: {  	[sflag:s15] =	ssyncset.done $0x0  }
0x84: {  	s25 =	sadd.s32 $0x2980, s25;
	[sflag:s15] =	ssyncadd.s32 $0xFFFFC000  }
0x85: {  	[spmem:s2] =	stream.indirect.scatter.add.f32 [tilespmem:s20], [sflag:$0x2], $0x80, s25, s18, $0xb8;
	[tilespmem:$0x1EC00] =	vst v63  }
0x86: {  	_ =	swait.ge [sflag:s17], $0x4000  }
0x87: {  	[sflag:s17] =	ssyncset.done $0x0  }
0x88: {  	[sflag:s17] =	ssyncadd.s32 $0xFFFFC000  }
0x89: {  	_ =	swait.ge [sflag:s22], $0x4000  }
0x8a: {  	s23 =	sadd.s32 $0x1, s23;
	[sflag:s22] =	ssyncset.done $0x0  }
0x8b: {  	p0 =	sne.s32 s23, s13;
	[sflag:s22] =	ssyncadd.s32 $0xFFFFC000  }
.Ltmp2:
0x8c: {  	s24 =	sor.u32 $0x1C03, s6;
	[bflag:$0x0] =	sbarrier.arrive $0xFFFF;
	(pc) =	sbr.rel @p0 .LBB2_1-.Ltmp2, $4  }
0x8d: {  	[hbm:s12], [sflag:s24] =	dma.local [spmem:s14], $0x2780  }
0x8e: {  	_ =	swait.ge [sflag:s15], $0x2780  }
0x8f: {  	[sflag:s15] =	ssyncset.done $0x0  }
0x90: {  	[sflag:s15] =	ssyncadd.s32 $0xFFFFD880  }
0x91: {  	_ =	sfence.sel $0x180000  }
0x92: {  	[bflag:$0x0] =	sbarrier.arrive $0xFFFF  }
0x93: {  	p0 =	sne.s32 s1, $0x0;
	_ =	strace $0x90000050  }
0x94: {  	s0 =	sadd.s32 @!p0 $0x100000, s0;
	[bflag:$0x2] =	sbarrier.arrive $0xFFFF  }
0x95: {  	[sflag:s0] =	ssyncadd.tile.s32 @!p0 $0x1;
	_ =	shalt  }
.Lfunc_end2:
_tile_overlayer_lowered:
.L_overlay_start_2:
0x96: {  	(tag) =	ssettag $0x2  }
0x97: {  	s0 =	rddreg [dreg:$0x0];
	s2 =	stileid.u32  }
0x98: {  	s1 =	rddreg [dreg:$0x1];
	p0 =	sne.s32 s2, $0x0  }
0x99: {  	s3 =	rddreg [dreg:$0x2];
	[bflag:$0x3] =	sbarrier.arrive $0xFFFF;
	s2 =	simm.s32 @!p0 $0x1C03  }
0x9a: {  	[timem:s3], [sflag:s2] =	dma.local @!p0 [hbm:s0], s1  }
0x9b: {  	s0 =	simm.s32 @!p0 $0x3  }
0x9c: {  	_ =	swait.ge @!p0 [sflag:s0], s1  }
0x9d: {  	s1 =	ssub.s32 @!p0 $0x0, s1;
	[sflag:s0] =	ssyncset.done @!p0 $0x0  }
0x9e: {  	[sflag:s0] =	ssyncadd.s32 @!p0 s1  }
0x9f: {  	[bflag:$0x3] =	sbarrier.arrive $0xFFFF  }
0xa0: {  	_ =	shalt  }

</sc_bundles>
